<compile_context>
chip_gen: v7x
topology: tpu7x:2x2x1
jax: 0.10.2.dev20260603
libtpu: 0.0.44.dev20260713+nightly
codegen_flags: <defaults>
</compile_context>

<pallas_src>
import dataclasses
import functools

import jax
import jax.numpy as jnp
from jax import lax
from jax.experimental import pallas as pl
from jax.experimental.pallas import tpu as pltpu
from jax.experimental.pallas import tpu_sc as plsc

N = 10000
E = 320000
F = 128
H = 128
G = 128

NC = 2
NS = 16
NW = NC * NS
CHUNK = 128
IBLK = 16
IBLK_BIG = 40
CPT = 80
NCHUNKS = NW * CPT
EPAD = NCHUNKS * CHUNK
NHIST = 10016
NACC = 10112
ROWS_Z = NACC // NS
ROWS_W = 632
ROWS_W_LAST = N - 15 * ROWS_W

@functools.lru_cache(maxsize=None)
def _mesh():
    return plsc.VectorSubcoreMesh(core_axis_name="c", subcore_axis_name="s")


def _sc_agg_body(with_hist, iblk, *refs):
    if with_hist:
        (x_hbm, srci_hbm, dsti_hbm, zeros_hbm, out_hbm, hist_hbm,
         srcv, dstv, rows_a, rows_b, acc, hist, sem_a, sem_b) = refs
    else:
        (x_hbm, srci_hbm, dsti_hbm, zeros_hbm, out_hbm,
         srcv, dstv, rows_a, rows_b, acc, sem_a, sem_b) = refs
    c = lax.axis_index("c")
    s = lax.axis_index("s")
    wid = c * NS + s

    pltpu.sync_copy(zeros_hbm.at[pl.ds(s * ROWS_Z, ROWS_Z)],
                    acc.at[pl.ds(s * ROWS_Z, ROWS_Z)])
    if with_hist:
        @pl.loop(0, NHIST // 16)
        def _(i):
            hist[pl.ds(i * 16, 16)] = jnp.zeros((16,), jnp.float32)
    plsc.subcore_barrier()

    def g_start(j, buf, sem):
        pltpu.make_async_copy(x_hbm.at[srcv.at[j]], buf, sem).start()

    def g_wait(j, buf, sem):
        pltpu.make_async_copy(x_hbm.at[srcv.at[j]], buf, sem).wait()

    def run_chunks(base_chunk, nib):
        @pl.loop(0, nib)
        def _(bk):
            start = base_chunk + bk * iblk
            pltpu.sync_copy(srci_hbm.at[pl.ds(start, iblk)], srcv)
            pltpu.sync_copy(dsti_hbm.at[pl.ds(start, iblk)], dstv)
            g_start(0, rows_a, sem_a)

            @pl.loop(0, iblk // 2)
            def _(p):
                j0 = p * 2
                j1 = j0 + 1
                g_start(j1, rows_b, sem_b)
                g_wait(j0, rows_a, sem_a)
                pltpu.sync_copy(rows_a, acc.at[dstv.at[j0]], add=True)

                @pl.when(p < iblk // 2 - 1)
                def _():
                    g_start(j0 + 2, rows_a, sem_a)

                g_wait(j1, rows_b, sem_b)
                pltpu.sync_copy(rows_b, acc.at[dstv.at[j1]], add=True)

                if with_hist:
                    @pl.loop(0, CHUNK // 16)
                    def _(kk):
                        ones = jnp.ones((16,), jnp.float32)
                        plsc.addupdate_scatter(
                            hist, [dstv[j0, pl.ds(kk * 16, 16)]], ones)
                        plsc.addupdate_scatter(
                            hist, [dstv[j1, pl.ds(kk * 16, 16)]], ones)

    run_chunks(wid * CPT, CPT // iblk)

    plsc.subcore_barrier()

    @pl.when(s < NS - 1)
    def _():
        pltpu.sync_copy(acc.at[pl.ds(s * ROWS_W, ROWS_W)],
                        out_hbm.at[c].at[pl.ds(s * ROWS_W, ROWS_W)])

    @pl.when(s == NS - 1)
    def _():
        pltpu.sync_copy(acc.at[pl.ds(15 * ROWS_W, ROWS_W_LAST)],
                        out_hbm.at[c].at[pl.ds(15 * ROWS_W, ROWS_W_LAST)])

    if with_hist:
        pltpu.sync_copy(hist, hist_hbm.at[wid])


def _sc_compiler_params():
    cp = pltpu.CompilerParams()
    if "needs_layout_passes" in pltpu.CompilerParams.__dataclass_fields__:
        cp = dataclasses.replace(cp, needs_layout_passes=False)
    return cp


@functools.lru_cache(maxsize=None)
def _sc_agg_kernel(with_hist):
    iblk = IBLK if with_hist else IBLK_BIG
    out_type = [jax.ShapeDtypeStruct((NC, N, F), jnp.float32)]
    scratch = [
        pltpu.VMEM((iblk, CHUNK), jnp.int32),
        pltpu.VMEM((iblk, CHUNK), jnp.int32),
        pltpu.VMEM((CHUNK, F), jnp.float32),
        pltpu.VMEM((CHUNK, F), jnp.float32),
        pltpu.VMEM_SHARED((NACC, F), jnp.float32),
    ]
    if with_hist:
        out_type.append(jax.ShapeDtypeStruct((NW, NHIST), jnp.float32))
        scratch.append(pltpu.VMEM((NHIST,), jnp.float32))
    scratch += [pltpu.SemaphoreType.DMA, pltpu.SemaphoreType.DMA]
    return pl.kernel(
        functools.partial(_sc_agg_body, with_hist, iblk),
        out_type=out_type,
        mesh=_mesh(),
        compiler_params=_sc_compiler_params() if with_hist else None,
        scratch_types=scratch,
    )



BLK = 2000
NBLK = N // BLK


def _tc_layer_body(agg_ref, deg_ref, h_ref, wl_ref, wr_ref, b_ref, o_ref):
    p = agg_ref[0] + agg_ref[1]
    d = jnp.dot(deg_ref[...], jnp.ones((NW, 1), jnp.float32),
                preferred_element_type=jnp.float32)
    a = p / jnp.maximum(d, 1.0)
    acc = jnp.dot(a, wl_ref[...], preferred_element_type=jnp.float32)
    acc = acc + jnp.dot(h_ref[...], wr_ref[...], preferred_element_type=jnp.float32)
    acc = acc + b_ref[...]
    o_ref[...] = jnp.maximum(acc, 0.0)


def _tc_layer(agg2, deg2, h, Wl, Wr, b2d):
    return pl.pallas_call(
        _tc_layer_body,
        grid=(NBLK,),
        in_specs=[
            pl.BlockSpec((NC, BLK, F), lambda i: (0, i, 0)),
            pl.BlockSpec((BLK, NW), lambda i: (i, 0)),
            pl.BlockSpec((BLK, F), lambda i: (i, 0)),
            pl.BlockSpec((F, H), lambda i: (0, 0)),
            pl.BlockSpec((F, H), lambda i: (0, 0)),
            pl.BlockSpec((1, H), lambda i: (0, 0)),
        ],
        out_specs=pl.BlockSpec((BLK, H), lambda i: (i, 0)),
        out_shape=jax.ShapeDtypeStruct((N, H), jnp.float32),
    )(agg2, deg2, h, Wl, Wr, b2d)


def _tc_final_body(agg_ref, deg_ref, h_ref, wl_ref, wr_ref, b_ref, bat_ref,
                   fc1_ref, fc1b_ref, fc2_ref, fc2b_ref, o_ref,
                   acc_ref, cnt_ref):
    i = pl.program_id(0)

    @pl.when(i == 0)
    def _():
        acc_ref[...] = jnp.zeros_like(acc_ref)
        cnt_ref[...] = jnp.zeros_like(cnt_ref)

    p = agg_ref[0] + agg_ref[1]
    d = jnp.dot(deg_ref[...], jnp.ones((NW, 1), jnp.float32),
                preferred_element_type=jnp.float32)
    a = p / jnp.maximum(d, 1.0)
    h5 = jnp.dot(a, wl_ref[...], preferred_element_type=jnp.float32)
    h5 = h5 + jnp.dot(h_ref[...], wr_ref[...], preferred_element_type=jnp.float32)
    h5 = jnp.maximum(h5 + b_ref[...], 0.0)

    gids = lax.broadcasted_iota(jnp.int32, (BLK, G), 1)
    onehot = (gids == bat_ref[...]).astype(jnp.float32)
    acc_ref[...] += lax.dot_general(
        onehot, h5, (((0,), (0,)), ((), ())), preferred_element_type=jnp.float32)
    cnt_ref[...] += lax.dot_general(
        onehot, jnp.ones((BLK, 128), jnp.float32), (((0,), (0,)), ((), ())),
        preferred_element_type=jnp.float32)

    @pl.when(i == NBLK - 1)
    def _():
        pooled = acc_ref[...] / jnp.maximum(cnt_ref[...], 1.0)
        h2 = jnp.dot(pooled, fc1_ref[...], preferred_element_type=jnp.float32)
        h2 = jnp.maximum(h2 + fc1b_ref[...], 0.0)
        logits = jnp.dot(h2, fc2_ref[...], preferred_element_type=jnp.float32)
        o_ref[...] = jax.nn.sigmoid(logits + fc2b_ref[...])


def _tc_final(agg2, deg2, h, Wl, Wr, b2d, batchb, fc1_W, fc1b2d, fc2p, fc2b2d):
    return pl.pallas_call(
        _tc_final_body,
        grid=(NBLK,),
        in_specs=[
            pl.BlockSpec((NC, BLK, F), lambda i: (0, i, 0)),
            pl.BlockSpec((BLK, NW), lambda i: (i, 0)),
            pl.BlockSpec((BLK, F), lambda i: (i, 0)),
            pl.BlockSpec((F, H), lambda i: (0, 0)),
            pl.BlockSpec((F, H), lambda i: (0, 0)),
            pl.BlockSpec((1, H), lambda i: (0, 0)),
            pl.BlockSpec((BLK, G), lambda i: (i, 0)),
            pl.BlockSpec((H, H), lambda i: (0, 0)),
            pl.BlockSpec((1, H), lambda i: (0, 0)),
            pl.BlockSpec((H, 128), lambda i: (0, 0)),
            pl.BlockSpec((1, 128), lambda i: (0, 0)),
        ],
        out_specs=pl.BlockSpec((G, 128), lambda i: (0, 0)),
        out_shape=jax.ShapeDtypeStruct((G, 128), jnp.float32),
        scratch_shapes=[
            pltpu.VMEM((G, H), jnp.float32),
            pltpu.VMEM((G, 128), jnp.float32),
        ],
    )(agg2, deg2, h, Wl, Wr, b2d, batchb, fc1_W, fc1b2d, fc2p, fc2b2d)


def kernel(x, edge_index, unused, batch, Wl1, Wr1, b1, Wl2, Wr2, b2, Wl3,
           Wr3, b3, Wl4, Wr4, b4, Wl5, Wr5, b5, fc1_W, fc1_b, fc2_W, fc2_b):
    src = edge_index[:, 0]
    dst = edge_index[:, 1]
    zeros_hbm = jnp.zeros((NACC, F), jnp.float32)
    pad = EPAD - E
    src_p = jnp.concatenate([src, jnp.zeros((pad,), jnp.int32)]).reshape(
        NCHUNKS, CHUNK)
    dst_p = jnp.concatenate([dst, jnp.full((pad,), N, jnp.int32)]).reshape(
        NCHUNKS, CHUNK)
    batchb = jnp.broadcast_to(batch[:, None], (N, G))
    fc2p = jnp.concatenate([fc2_W, jnp.zeros((H, 127), jnp.float32)], axis=1)
    fc2b2d = jnp.broadcast_to(fc2_b.reshape(1, 1), (1, 128))
    b2ds = [b.reshape(1, H) for b in (b1, b2, b3, b4, b5)]
    fc1b2d = fc1_b.reshape(1, H)

    agg2, histp = _sc_agg_kernel(True)(x, src_p, dst_p, zeros_hbm)
    degp = histp[:, :N].T
    h = _tc_layer(agg2, degp, x, Wl1, Wr1, b2ds[0])
    for Wl, Wr, b2d in ((Wl2, Wr2, b2ds[1]), (Wl3, Wr3, b2ds[2]),
                        (Wl4, Wr4, b2ds[3])):
        (agg2,) = _sc_agg_kernel(False)(h, src_p, dst_p, zeros_hbm)
        h = _tc_layer(agg2, degp, h, Wl, Wr, b2d)
    (agg2,) = _sc_agg_kernel(False)(h, src_p, dst_p, zeros_hbm)
    res = _tc_final(agg2, degp, h, Wl5, Wr5, b2ds[4], batchb, fc1_W, fc1b2d,
                    fc2p, fc2b2d)
    return res[:, 0]

# --- scband reference (transcript-rebuilt; emitter-appended) ---
"""Pipeline reference for scband-gcndiehlq2-22763326669149 (READ-ONLY COPY).

The authoritative reference and input builder live on the scoring server;
editing this copy changes nothing except your own understanding.
"""

import jax, jax.numpy as jnp
import numpy as np

N = 10000
E = 320000
F = 128
H = 128
G = 128

def setup_inputs(seed: int = 0):
    key = jax.random.key(seed)
    ks = jax.random.split(key, 24)
    inp = {}
    inp["x"] = jax.random.normal(ks[0], (N, F), dtype=jnp.float32)
    inp["edge_index"] = jax.random.randint(ks[1], (E, 2), 0, N, dtype=jnp.int32)
    inp["unused"] = jnp.zeros((1,), dtype=jnp.float32)
    inp["batch"] = jnp.sort(jax.random.randint(ks[2], (N,), 0, G, dtype=jnp.int32))
    dims = [F, H, H, H, H]
    for i in range(5):
        d_in = dims[i]
        inp["Wl%d" % (i + 1)] = jax.random.normal(ks[3 + 3 * i], (d_in, H), dtype=jnp.float32) * (1.0 / np.sqrt(d_in))
        inp["Wr%d" % (i + 1)] = jax.random.normal(ks[4 + 3 * i], (d_in, H), dtype=jnp.float32) * (1.0 / np.sqrt(d_in))
        inp["b%d" % (i + 1)] = jnp.zeros((H,), dtype=jnp.float32)
    inp["fc1_W"] = jax.random.normal(ks[20], (H, H), dtype=jnp.float32) * (1.0 / np.sqrt(H))
    inp["fc1_b"] = jnp.zeros((H,), dtype=jnp.float32)
    inp["fc2_W"] = jax.random.normal(ks[21], (H, 1), dtype=jnp.float32) * (1.0 / np.sqrt(H))
    inp["fc2_b"] = jnp.zeros((1,), dtype=jnp.float32)
    return inp

def _sage(x, src, dst, Wl, Wr, b):
    # PyG SAGEConv (aggr='mean'): out = lin_l(mean_j x_j) + lin_r(x), bias in lin_l
    msgs = jnp.take(x, src, axis=0)
    agg = jax.ops.segment_sum(msgs, dst, num_segments=N)
    deg = jax.ops.segment_sum(jnp.ones((src.shape[0], 1), x.dtype), dst, num_segments=N)
    agg = agg / jnp.maximum(deg, 1.0)
    return agg @ Wl + b + x @ Wr

def reference(x, edge_index, unused, batch, Wl1, Wr1, b1, Wl2, Wr2, b2, Wl3, Wr3, b3, Wl4, Wr4, b4, Wl5, Wr5, b5, fc1_W, fc1_b, fc2_W, fc2_b):
    ei = edge_index.T
    src = ei[0]
    dst = ei[1]
    h = x
    layers = [(Wl1, Wr1, b1), (Wl2, Wr2, b2), (Wl3, Wr3, b3), (Wl4, Wr4, b4), (Wl5, Wr5, b5)]
    for Wl, Wr, b in layers:
        h = jax.nn.relu(_sage(h, src, dst, Wl, Wr, b))
    # global_mean_pool over graph ids
    sums = jax.ops.segment_sum(h, batch, num_segments=G)
    cnt = jax.ops.segment_sum(jnp.ones((h.shape[0], 1), h.dtype), batch, num_segments=G)
    pooled = sums / jnp.maximum(cnt, 1.0)
    h2 = jax.nn.relu(pooled @ fc1_W + fc1_b)
    out = jax.nn.sigmoid(h2 @ fc2_W + fc2_b)
    return out.reshape(-1)

if __name__ == "__main__":
    import jax
    _d = setup_inputs()
    print(jax.jit(kernel)(*tuple(_d.values())))

</pallas_src>

<mosaic_0001>
#map = affine_map<(d0, d1) -> (0, 0)>
#map1 = affine_map<(d0, d1) -> (0, 0, 0)>
module attributes {stable_mosaic.version = 14 : i64} {
  func.func @_sc_agg_body(%arg0: i32, %arg1: i32, %arg2: memref<10000x128xf32, #tpu.memory_space<hbm>>, %arg3: memref<2560x128xi32, #tpu.memory_space<hbm>>, %arg4: memref<2560x128xi32, #tpu.memory_space<hbm>>, %arg5: memref<10112x128xf32, #tpu.memory_space<hbm>>, %arg6: memref<2x10000x128xf32, #tpu.memory_space<hbm>>, %arg7: memref<32x10016xf32, #tpu.memory_space<hbm>>, %arg8: memref<16x128xi32, #tpu.memory_space<vmem>>, %arg9: memref<16x128xi32, #tpu.memory_space<vmem>>, %arg10: memref<128x128xf32, #tpu.memory_space<vmem>>, %arg11: memref<128x128xf32, #tpu.memory_space<vmem>>, %arg12: memref<10112x128xf32, #tpu.memory_space<vmem_shared>>, %arg13: memref<10016xf32, #tpu.memory_space<vmem>>, %arg14: memref<!tpu.dma_semaphore, #tpu.memory_space<semaphore_mem>>, %arg15: memref<!tpu.dma_semaphore, #tpu.memory_space<semaphore_mem>>) attributes {dimension_semantics = [#tpu.dimension_semantics<core_parallel>, #tpu.dimension_semantics<subcore_parallel>], iteration_bounds = array<i64: 2, 16>, scalar_prefetch = 0 : i64, scratch_operands = 8 : i64, tpu.core_type = #tpu.core_type<sc_vector_subcore>, window_params = [{transform_indices = #map}, {transform_indices = #map}, {transform_indices = #map}, {transform_indices = #map}, {transform_indices = #map1}, {transform_indices = #map}]} {
    %mul3A = arith.constant 16 : i32
    %mul3A_0 = arith.muli %arg0, %mul3A : i32
    %add3A = arith.addi %mul3A_0, %arg1 : i32
    %mul3A_1 = arith.constant 632 : i32
    %mul3A_2 = arith.muli %arg1, %mul3A_1 : i32
    %mul3A_3 = arith.constant 632 : i32
    %mul3A_4 = arith.muli %arg1, %mul3A_3 : i32
    "tpu.region"() ({
      %run_scoped3A = tpu.sem_alloc : memref<!tpu.dma_semaphore, #tpu.memory_space<semaphore_mem>>
      %dma_start3A = arith.constant 0 : i32
      %dma_start3A_23 = tpu.memref_slice %arg12[%mul3A_4, %dma_start3A] : memref<10112x128xf32, #tpu.memory_space<vmem_shared>> -> memref<632x128xf32, #tpu.memory_space<vmem_shared>>
      %dma_start3A_24 = arith.constant 0 : i32
      %dma_start3A_25 = tpu.memref_slice %arg5[%mul3A_2, %dma_start3A_24] : memref<10112x128xf32, #tpu.memory_space<hbm>> -> memref<632x128xf32, #tpu.memory_space<hbm>>
      tpu.enqueue_dma source(%dma_start3A_25 : memref<632x128xf32, #tpu.memory_space<hbm>>) target(%dma_start3A_23 : memref<632x128xf32, #tpu.memory_space<vmem_shared>>) target_semaphore(%run_scoped3A : memref<!tpu.dma_semaphore, #tpu.memory_space<semaphore_mem>>)
      %dma_wait3A = arith.constant 0 : i32
      %dma_wait3A_26 = tpu.memref_slice %arg12[%mul3A_4, %dma_wait3A] : memref<10112x128xf32, #tpu.memory_space<vmem_shared>> -> memref<632x128xf32, #tpu.memory_space<vmem_shared>>
      %dma_wait3A_27 = arith.constant 0 : i32
      %dma_wait3A_28 = tpu.memref_slice %arg5[%mul3A_2, %dma_wait3A_27] : memref<10112x128xf32, #tpu.memory_space<hbm>> -> memref<632x128xf32, #tpu.memory_space<hbm>>
      tpu.wait_dma2 semaphore(%run_scoped3A : memref<!tpu.dma_semaphore, #tpu.memory_space<semaphore_mem>>) src(%dma_wait3A_28 : memref<632x128xf32, #tpu.memory_space<hbm>>) dst(%dma_wait3A_26 : memref<632x128xf32, #tpu.memory_space<vmem_shared>>)
      tpu.yield
    }) : () -> ()
    %scan3A = arith.constant 0 : i32
    %scan3A_5 = arith.constant 626 : i32
    %scan3A_6 = arith.addi %scan3A, %scan3A_5 : i32
    %scan3A_7 = arith.constant 1 : i32
    scf.for %scan3A_23 = %scan3A to %scan3A_6 step %scan3A_7  : i32 {
      %mul3A_24 = arith.constant 1 : i32
      %mul3A_25 = arith.muli %scan3A_23, %mul3A_24 : i32
      %add3A_26 = arith.constant 0 : i32
      %add3A_27 = arith.addi %add3A_26, %mul3A_25 : i32
      %broadcast_in_dim3A = arith.constant 0.000000e+00 : f32
      %broadcast_in_dim3A_28 = vector.broadcast %broadcast_in_dim3A : f32 to vector<16xf32>
      %mul3A_29 = arith.constant 16 : i32
      %mul3A_30 = arith.muli %add3A_27, %mul3A_29 : i32
      %swap3A = arith.index_cast %mul3A_30 : i32 to index
      %swap3A_31 = tpu.vector_load %arg13[%swap3A] {strides = array<i32>} : memref<10016xf32, #tpu.memory_space<vmem>>, vector<16xf32>,
      tpu.vector_store %arg13[%swap3A], %broadcast_in_dim3A_28 {strides = array<i32>} : memref<10016xf32, #tpu.memory_space<vmem>>, vector<16xf32>,
    }
    %scan3A_8 = arith.constant 626 : i32
    %barrier3A = arith.constant 0 : index
    tpu.barrier barrier_id(%barrier3A)
    %mul3A_9 = arith.constant 80 : i32
    %mul3A_10 = arith.muli %add3A, %mul3A_9 : i32
    %scan3A_11 = arith.constant 0 : i32
    %scan3A_12 = arith.constant 5 : i32
    %scan3A_13 = arith.addi %scan3A_11, %scan3A_12 : i32
    %scan3A_14 = arith.constant 1 : i32
    scf.for %scan3A_23 = %scan3A_11 to %scan3A_13 step %scan3A_14  : i32 {
      %mul3A_24 = arith.constant 1 : i32
      %mul3A_25 = arith.muli %scan3A_23, %mul3A_24 : i32
      %add3A_26 = arith.constant 0 : i32
      %add3A_27 = arith.addi %add3A_26, %mul3A_25 : i32
      %mul3A_28 = arith.constant 16 : i32
      %mul3A_29 = arith.muli %add3A_27, %mul3A_28 : i32
      %add3A_30 = arith.addi %mul3A_10, %mul3A_29 : i32
      "tpu.region"() ({
        %run_scoped3A = tpu.sem_alloc : memref<!tpu.dma_semaphore, #tpu.memory_space<semaphore_mem>>
        %dma_start3A_42 = arith.constant 0 : i32
        %dma_start3A_43 = tpu.memref_slice %arg3[%add3A_30, %dma_start3A_42] : memref<2560x128xi32, #tpu.memory_space<hbm>> -> memref<16x128xi32, #tpu.memory_space<hbm>>
        %dma_start3A_44 = arith.constant 0 : i32
        %dma_start3A_45 = tpu.memref_slice %arg3[%add3A_30, %dma_start3A_44] : memref<2560x128xi32, #tpu.memory_space<hbm>> -> memref<16x128xi32, #tpu.memory_space<hbm>>
        tpu.enqueue_dma source(%dma_start3A_45 : memref<16x128xi32, #tpu.memory_space<hbm>>) target(%arg8 : memref<16x128xi32, #tpu.memory_space<vmem>>) target_semaphore(%run_scoped3A : memref<!tpu.dma_semaphore, #tpu.memory_space<semaphore_mem>>)
        %dma_wait3A = arith.constant 0 : i32
        %dma_wait3A_46 = tpu.memref_slice %arg3[%add3A_30, %dma_wait3A] : memref<2560x128xi32, #tpu.memory_space<hbm>> -> memref<16x128xi32, #tpu.memory_space<hbm>>
        %dma_wait3A_47 = arith.constant 0 : i32
        %dma_wait3A_48 = tpu.memref_slice %arg3[%add3A_30, %dma_wait3A_47] : memref<2560x128xi32, #tpu.memory_space<hbm>> -> memref<16x128xi32, #tpu.memory_space<hbm>>
        tpu.wait_dma2 semaphore(%run_scoped3A : memref<!tpu.dma_semaphore, #tpu.memory_space<semaphore_mem>>) src(%dma_wait3A_48 : memref<16x128xi32, #tpu.memory_space<hbm>>) dst(%arg8 : memref<16x128xi32, #tpu.memory_space<vmem>>)
        tpu.yield
      }) : () -> ()
      "tpu.region"() ({
        %run_scoped3A = tpu.sem_alloc : memref<!tpu.dma_semaphore, #tpu.memory_space<semaphore_mem>>
        %dma_start3A_42 = arith.constant 0 : i32
        %dma_start3A_43 = tpu.memref_slice %arg4[%add3A_30, %dma_start3A_42] : memref<2560x128xi32, #tpu.memory_space<hbm>> -> memref<16x128xi32, #tpu.memory_space<hbm>>
        %dma_start3A_44 = arith.constant 0 : i32
        %dma_start3A_45 = tpu.memref_slice %arg4[%add3A_30, %dma_start3A_44] : memref<2560x128xi32, #tpu.memory_space<hbm>> -> memref<16x128xi32, #tpu.memory_space<hbm>>
        tpu.enqueue_dma source(%dma_start3A_45 : memref<16x128xi32, #tpu.memory_space<hbm>>) target(%arg9 : memref<16x128xi32, #tpu.memory_space<vmem>>) target_semaphore(%run_scoped3A : memref<!tpu.dma_semaphore, #tpu.memory_space<semaphore_mem>>)
        %dma_wait3A = arith.constant 0 : i32
        %dma_wait3A_46 = tpu.memref_slice %arg4[%add3A_30, %dma_wait3A] : memref<2560x128xi32, #tpu.memory_space<hbm>> -> memref<16x128xi32, #tpu.memory_space<hbm>>
        %dma_wait3A_47 = arith.constant 0 : i32
        %dma_wait3A_48 = tpu.memref_slice %arg4[%add3A_30, %dma_wait3A_47] : memref<2560x128xi32, #tpu.memory_space<hbm>> -> memref<16x128xi32, #tpu.memory_space<hbm>>
        tpu.wait_dma2 semaphore(%run_scoped3A : memref<!tpu.dma_semaphore, #tpu.memory_space<semaphore_mem>>) src(%dma_wait3A_48 : memref<16x128xi32, #tpu.memory_space<hbm>>) dst(%arg9 : memref<16x128xi32, #tpu.memory_space<vmem>>)
        tpu.yield
      }) : () -> ()
      %dma_start3A = arith.constant 0 : i32
      %dma_start3A_31 = arith.constant 0 : i32
      %dma_start3A_32 = tpu.memref_slice %arg8[%dma_start3A, %dma_start3A_31] : memref<16x128xi32, #tpu.memory_space<vmem>> -> memref<1x128xi32, #tpu.memory_space<vmem>>
      %dma_start3A_33 = tpu.memref_squeeze %dma_start3A_32 : memref<1x128xi32, #tpu.memory_space<vmem>> -> memref<128xi32, #tpu.memory_space<vmem>>
      %dma_start3A_34 = arith.constant 0 : i32
      %dma_start3A_35 = arith.constant 0 : i32
      %dma_start3A_36 = tpu.memref_slice %arg2[%dma_start3A_34, %dma_start3A_35] : memref<10000x128xf32, #tpu.memory_space<hbm>> -> memref<10000x128xf32, #tpu.memory_space<hbm>>
      tpu.enqueue_indirect_dma source(%dma_start3A_36 : memref<10000x128xf32, #tpu.memory_space<hbm>>) target(%arg10 : memref<128x128xf32, #tpu.memory_space<vmem>>) offsets(%dma_start3A_33 : memref<128xi32, #tpu.memory_space<vmem>>) semaphore(%arg14 : memref<!tpu.dma_semaphore, #tpu.memory_space<semaphore_mem>>)
      %scan3A_37 = arith.constant 0 : i32
      %scan3A_38 = arith.constant 8 : i32
      %scan3A_39 = arith.addi %scan3A_37, %scan3A_38 : i32
      %scan3A_40 = arith.constant 1 : i32
      scf.for %scan3A_42 = %scan3A_37 to %scan3A_39 step %scan3A_40  : i32 {
        %mul3A_43 = arith.constant 1 : i32
        %mul3A_44 = arith.muli %scan3A_42, %mul3A_43 : i32
        %add3A_45 = arith.constant 0 : i32
        %add3A_46 = arith.addi %add3A_45, %mul3A_44 : i32
        %mul3A_47 = arith.constant 2 : i32
        %mul3A_48 = arith.muli %add3A_46, %mul3A_47 : i32
        %add3A_49 = arith.constant 1 : i32
        %add3A_50 = arith.addi %mul3A_48, %add3A_49 : i32
        %dma_start3A_51 = arith.constant 0 : i32
        %dma_start3A_52 = tpu.memref_slice %arg8[%add3A_50, %dma_start3A_51] : memref<16x128xi32, #tpu.memory_space<vmem>> -> memref<1x128xi32, #tpu.memory_space<vmem>>
        %dma_start3A_53 = tpu.memref_squeeze %dma_start3A_52 : memref<1x128xi32, #tpu.memory_space<vmem>> -> memref<128xi32, #tpu.memory_space<vmem>>
        %dma_start3A_54 = arith.constant 0 : i32
        %dma_start3A_55 = arith.constant 0 : i32
        %dma_start3A_56 = tpu.memref_slice %arg2[%dma_start3A_54, %dma_start3A_55] : memref<10000x128xf32, #tpu.memory_space<hbm>> -> memref<10000x128xf32, #tpu.memory_space<hbm>>
        tpu.enqueue_indirect_dma source(%dma_start3A_56 : memref<10000x128xf32, #tpu.memory_space<hbm>>) target(%arg11 : memref<128x128xf32, #tpu.memory_space<vmem>>) offsets(%dma_start3A_53 : memref<128xi32, #tpu.memory_space<vmem>>) semaphore(%arg15 : memref<!tpu.dma_semaphore, #tpu.memory_space<semaphore_mem>>)
        %dma_wait3A = arith.constant 0 : i32
        %dma_wait3A_57 = tpu.memref_slice %arg8[%mul3A_48, %dma_wait3A] : memref<16x128xi32, #tpu.memory_space<vmem>> -> memref<1x128xi32, #tpu.memory_space<vmem>>
        %dma_wait3A_58 = tpu.memref_squeeze %dma_wait3A_57 : memref<1x128xi32, #tpu.memory_space<vmem>> -> memref<128xi32, #tpu.memory_space<vmem>>
        %dma_wait3A_59 = arith.constant 0 : i32
        %dma_wait3A_60 = arith.constant 0 : i32
        %dma_wait3A_61 = tpu.memref_slice %arg2[%dma_wait3A_59, %dma_wait3A_60] : memref<10000x128xf32, #tpu.memory_space<hbm>> -> memref<10000x128xf32, #tpu.memory_space<hbm>>
        tpu.wait_indirect_dma semaphore(%arg14 : memref<!tpu.dma_semaphore, #tpu.memory_space<semaphore_mem>>) src(%dma_wait3A_61 : memref<10000x128xf32, #tpu.memory_space<hbm>>) dst(%arg10 : memref<128x128xf32, #tpu.memory_space<vmem>>)
        "tpu.region"() ({
          %run_scoped3A = tpu.sem_alloc : memref<!tpu.dma_semaphore, #tpu.memory_space<semaphore_mem>>
          %dma_start3A_78 = arith.constant 0 : i32
          %dma_start3A_79 = tpu.memref_slice %arg9[%mul3A_48, %dma_start3A_78] : memref<16x128xi32, #tpu.memory_space<vmem>> -> memref<1x128xi32, #tpu.memory_space<vmem>>
          %dma_start3A_80 = tpu.memref_squeeze %dma_start3A_79 : memref<1x128xi32, #tpu.memory_space<vmem>> -> memref<128xi32, #tpu.memory_space<vmem>>
          %dma_start3A_81 = arith.constant 0 : i32
          %dma_start3A_82 = arith.constant 0 : i32
          %dma_start3A_83 = tpu.memref_slice %arg12[%dma_start3A_81, %dma_start3A_82] : memref<10112x128xf32, #tpu.memory_space<vmem_shared>> -> memref<10112x128xf32, #tpu.memory_space<vmem_shared>>
          tpu.enqueue_indirect_dma source(%arg10 : memref<128x128xf32, #tpu.memory_space<vmem>>) target(%dma_start3A_83 : memref<10112x128xf32, #tpu.memory_space<vmem_shared>>) offsets(%dma_start3A_80 : memref<128xi32, #tpu.memory_space<vmem>>) semaphore(%run_scoped3A : memref<!tpu.dma_semaphore, #tpu.memory_space<semaphore_mem>>) {add = true}
          %dma_wait3A_84 = arith.constant 0 : i32
          %dma_wait3A_85 = tpu.memref_slice %arg9[%mul3A_48, %dma_wait3A_84] : memref<16x128xi32, #tpu.memory_space<vmem>> -> memref<1x128xi32, #tpu.memory_space<vmem>>
          %dma_wait3A_86 = tpu.memref_squeeze %dma_wait3A_85 : memref<1x128xi32, #tpu.memory_space<vmem>> -> memref<128xi32, #tpu.memory_space<vmem>>
          %dma_wait3A_87 = arith.constant 0 : i32
          %dma_wait3A_88 = arith.constant 0 : i32
          %dma_wait3A_89 = tpu.memref_slice %arg12[%dma_wait3A_87, %dma_wait3A_88] : memref<10112x128xf32, #tpu.memory_space<vmem_shared>> -> memref<10112x128xf32, #tpu.memory_space<vmem_shared>>
          tpu.wait_indirect_dma semaphore(%run_scoped3A : memref<!tpu.dma_semaphore, #tpu.memory_space<semaphore_mem>>) src(%arg10 : memref<128x128xf32, #tpu.memory_space<vmem>>) dst(%dma_wait3A_89 : memref<10112x128xf32, #tpu.memory_space<vmem_shared>>)
          tpu.yield
        }) : () -> ()
        %lt3A_62 = arith.constant 7 : i32
        %lt3A_63 = arith.cmpi slt, %add3A_46, %lt3A_62 : i32
        %convert_element_type3A_64 = arith.extui %lt3A_63 : i1 to i32
        %cond3A_65 = arith.constant 0 : i32
        %cond3A_66 = arith.cmpi ne, %convert_element_type3A_64, %cond3A_65 : i32
        scf.if %cond3A_66 {
          %add3A_78 = arith.constant 2 : i32
          %add3A_79 = arith.addi %mul3A_48, %add3A_78 : i32
          %dma_start3A_80 = arith.constant 0 : i32
          %dma_start3A_81 = tpu.memref_slice %arg8[%add3A_79, %dma_start3A_80] : memref<16x128xi32, #tpu.memory_space<vmem>> -> memref<1x128xi32, #tpu.memory_space<vmem>>
          %dma_start3A_82 = tpu.memref_squeeze %dma_start3A_81 : memref<1x128xi32, #tpu.memory_space<vmem>> -> memref<128xi32, #tpu.memory_space<vmem>>
          %dma_start3A_83 = arith.constant 0 : i32
          %dma_start3A_84 = arith.constant 0 : i32
          %dma_start3A_85 = tpu.memref_slice %arg2[%dma_start3A_83, %dma_start3A_84] : memref<10000x128xf32, #tpu.memory_space<hbm>> -> memref<10000x128xf32, #tpu.memory_space<hbm>>
          tpu.enqueue_indirect_dma source(%dma_start3A_85 : memref<10000x128xf32, #tpu.memory_space<hbm>>) target(%arg10 : memref<128x128xf32, #tpu.memory_space<vmem>>) offsets(%dma_start3A_82 : memref<128xi32, #tpu.memory_space<vmem>>) semaphore(%arg14 : memref<!tpu.dma_semaphore, #tpu.memory_space<semaphore_mem>>)
        } else {
        }
        %dma_wait3A_67 = arith.constant 0 : i32
        %dma_wait3A_68 = tpu.memref_slice %arg8[%add3A_50, %dma_wait3A_67] : memref<16x128xi32, #tpu.memory_space<vmem>> -> memref<1x128xi32, #tpu.memory_space<vmem>>
        %dma_wait3A_69 = tpu.memref_squeeze %dma_wait3A_68 : memref<1x128xi32, #tpu.memory_space<vmem>> -> memref<128xi32, #tpu.memory_space<vmem>>
        %dma_wait3A_70 = arith.constant 0 : i32
        %dma_wait3A_71 = arith.constant 0 : i32
        %dma_wait3A_72 = tpu.memref_slice %arg2[%dma_wait3A_70, %dma_wait3A_71] : memref<10000x128xf32, #tpu.memory_space<hbm>> -> memref<10000x128xf32, #tpu.memory_space<hbm>>
        tpu.wait_indirect_dma semaphore(%arg15 : memref<!tpu.dma_semaphore, #tpu.memory_space<semaphore_mem>>) src(%dma_wait3A_72 : memref<10000x128xf32, #tpu.memory_space<hbm>>) dst(%arg11 : memref<128x128xf32, #tpu.memory_space<vmem>>)
        "tpu.region"() ({
          %run_scoped3A = tpu.sem_alloc : memref<!tpu.dma_semaphore, #tpu.memory_space<semaphore_mem>>
          %dma_start3A_78 = arith.constant 0 : i32
          %dma_start3A_79 = tpu.memref_slice %arg9[%add3A_50, %dma_start3A_78] : memref<16x128xi32, #tpu.memory_space<vmem>> -> memref<1x128xi32, #tpu.memory_space<vmem>>
          %dma_start3A_80 = tpu.memref_squeeze %dma_start3A_79 : memref<1x128xi32, #tpu.memory_space<vmem>> -> memref<128xi32, #tpu.memory_space<vmem>>
          %dma_start3A_81 = arith.constant 0 : i32
          %dma_start3A_82 = arith.constant 0 : i32
          %dma_start3A_83 = tpu.memref_slice %arg12[%dma_start3A_81, %dma_start3A_82] : memref<10112x128xf32, #tpu.memory_space<vmem_shared>> -> memref<10112x128xf32, #tpu.memory_space<vmem_shared>>
          tpu.enqueue_indirect_dma source(%arg11 : memref<128x128xf32, #tpu.memory_space<vmem>>) target(%dma_start3A_83 : memref<10112x128xf32, #tpu.memory_space<vmem_shared>>) offsets(%dma_start3A_80 : memref<128xi32, #tpu.memory_space<vmem>>) semaphore(%run_scoped3A : memref<!tpu.dma_semaphore, #tpu.memory_space<semaphore_mem>>) {add = true}
          %dma_wait3A_84 = arith.constant 0 : i32
          %dma_wait3A_85 = tpu.memref_slice %arg9[%add3A_50, %dma_wait3A_84] : memref<16x128xi32, #tpu.memory_space<vmem>> -> memref<1x128xi32, #tpu.memory_space<vmem>>
          %dma_wait3A_86 = tpu.memref_squeeze %dma_wait3A_85 : memref<1x128xi32, #tpu.memory_space<vmem>> -> memref<128xi32, #tpu.memory_space<vmem>>
          %dma_wait3A_87 = arith.constant 0 : i32
          %dma_wait3A_88 = arith.constant 0 : i32
          %dma_wait3A_89 = tpu.memref_slice %arg12[%dma_wait3A_87, %dma_wait3A_88] : memref<10112x128xf32, #tpu.memory_space<vmem_shared>> -> memref<10112x128xf32, #tpu.memory_space<vmem_shared>>
          tpu.wait_indirect_dma semaphore(%run_scoped3A : memref<!tpu.dma_semaphore, #tpu.memory_space<semaphore_mem>>) src(%arg11 : memref<128x128xf32, #tpu.memory_space<vmem>>) dst(%dma_wait3A_89 : memref<10112x128xf32, #tpu.memory_space<vmem_shared>>)
          tpu.yield
        }) : () -> ()
        %scan3A_73 = arith.constant 0 : i32
        %scan3A_74 = arith.constant 8 : i32
        %scan3A_75 = arith.addi %scan3A_73, %scan3A_74 : i32
        %scan3A_76 = arith.constant 1 : i32
        scf.for %scan3A_78 = %scan3A_73 to %scan3A_75 step %scan3A_76  : i32 {
          %mul3A_79 = arith.constant 1 : i32
          %mul3A_80 = arith.muli %scan3A_78, %mul3A_79 : i32
          %add3A_81 = arith.constant 0 : i32
          %add3A_82 = arith.addi %add3A_81, %mul3A_80 : i32
          %broadcast_in_dim3A = arith.constant 1.000000e+00 : f32
          %broadcast_in_dim3A_83 = vector.broadcast %broadcast_in_dim3A : f32 to vector<16xf32>
          %mul3A_84 = arith.constant 16 : i32
          %mul3A_85 = arith.muli %add3A_82, %mul3A_84 : i32
          %get3A = arith.index_cast %mul3A_48 : i32 to index
          %get3A_86 = arith.index_cast %mul3A_85 : i32 to index
          %get3A_87 = tpu.vector_load %arg9[%get3A, %get3A_86] {strides = array<i32>} : memref<16x128xi32, #tpu.memory_space<vmem>>, vector<16xi32>,
          tpu.vector_store_idx %arg13[%get3A_87], %broadcast_in_dim3A_83 {add = true} : memref<10016xf32, #tpu.memory_space<vmem>>[vector<16xi32>], vector<16xf32>,
          %mul3A_88 = arith.constant 16 : i32
          %mul3A_89 = arith.muli %add3A_82, %mul3A_88 : i32
          %get3A_90 = arith.index_cast %add3A_50 : i32 to index
          %get3A_91 = arith.index_cast %mul3A_89 : i32 to index
          %get3A_92 = tpu.vector_load %arg9[%get3A_90, %get3A_91] {strides = array<i32>} : memref<16x128xi32, #tpu.memory_space<vmem>>, vector<16xi32>,
          tpu.vector_store_idx %arg13[%get3A_92], %broadcast_in_dim3A_83 {add = true} : memref<10016xf32, #tpu.memory_space<vmem>>[vector<16xi32>], vector<16xf32>,
        }
        %scan3A_77 = arith.constant 8 : i32
      }
      %scan3A_41 = arith.constant 8 : i32
    }
    %scan3A_15 = arith.constant 5 : i32
    %barrier3A_16 = arith.constant 0 : index
    tpu.barrier barrier_id(%barrier3A_16)
    %lt3A = arith.constant 15 : i32
    %lt3A_17 = arith.cmpi slt, %arg1, %lt3A : i32
    %convert_element_type3A = arith.extui %lt3A_17 : i1 to i32
    %cond3A = arith.constant 0 : i32
    %cond3A_18 = arith.cmpi ne, %convert_element_type3A, %cond3A : i32
    scf.if %cond3A_18 {
      %mul3A_23 = arith.constant 632 : i32
      %mul3A_24 = arith.muli %arg1, %mul3A_23 : i32
      %mul3A_25 = arith.constant 632 : i32
      %mul3A_26 = arith.muli %arg1, %mul3A_25 : i32
      "tpu.region"() ({
        %run_scoped3A = tpu.sem_alloc : memref<!tpu.dma_semaphore, #tpu.memory_space<semaphore_mem>>
        %dma_start3A = arith.constant 0 : i32
        %dma_start3A_27 = arith.constant 0 : i32
        %dma_start3A_28 = tpu.memref_slice %arg6[%arg0, %dma_start3A, %dma_start3A_27] : memref<2x10000x128xf32, #tpu.memory_space<hbm>> -> memref<1x10000x128xf32, #tpu.memory_space<hbm>>
        %dma_start3A_29 = tpu.memref_squeeze %dma_start3A_28 : memref<1x10000x128xf32, #tpu.memory_space<hbm>> -> memref<10000x128xf32, #tpu.memory_space<hbm>>
        %dma_start3A_30 = arith.constant 0 : i32
        %dma_start3A_31 = tpu.memref_slice %dma_start3A_29[%mul3A_26, %dma_start3A_30] : memref<10000x128xf32, #tpu.memory_space<hbm>> -> memref<632x128xf32, #tpu.memory_space<hbm>>
        %dma_start3A_32 = arith.constant 0 : i32
        %dma_start3A_33 = tpu.memref_slice %arg12[%mul3A_24, %dma_start3A_32] : memref<10112x128xf32, #tpu.memory_space<vmem_shared>> -> memref<632x128xf32, #tpu.memory_space<vmem_shared>>
        tpu.enqueue_dma source(%dma_start3A_33 : memref<632x128xf32, #tpu.memory_space<vmem_shared>>) target(%dma_start3A_31 : memref<632x128xf32, #tpu.memory_space<hbm>>) target_semaphore(%run_scoped3A : memref<!tpu.dma_semaphore, #tpu.memory_space<semaphore_mem>>)
        %dma_wait3A = arith.constant 0 : i32
        %dma_wait3A_34 = arith.constant 0 : i32
        %dma_wait3A_35 = tpu.memref_slice %arg6[%arg0, %dma_wait3A, %dma_wait3A_34] : memref<2x10000x128xf32, #tpu.memory_space<hbm>> -> memref<1x10000x128xf32, #tpu.memory_space<hbm>>
        %dma_wait3A_36 = tpu.memref_squeeze %dma_wait3A_35 : memref<1x10000x128xf32, #tpu.memory_space<hbm>> -> memref<10000x128xf32, #tpu.memory_space<hbm>>
        %dma_wait3A_37 = arith.constant 0 : i32
        %dma_wait3A_38 = tpu.memref_slice %dma_wait3A_36[%mul3A_26, %dma_wait3A_37] : memref<10000x128xf32, #tpu.memory_space<hbm>> -> memref<632x128xf32, #tpu.memory_space<hbm>>
        %dma_wait3A_39 = arith.constant 0 : i32
        %dma_wait3A_40 = tpu.memref_slice %arg12[%mul3A_24, %dma_wait3A_39] : memref<10112x128xf32, #tpu.memory_space<vmem_shared>> -> memref<632x128xf32, #tpu.memory_space<vmem_shared>>
        tpu.wait_dma2 semaphore(%run_scoped3A : memref<!tpu.dma_semaphore, #tpu.memory_space<semaphore_mem>>) src(%dma_wait3A_40 : memref<632x128xf32, #tpu.memory_space<vmem_shared>>) dst(%dma_wait3A_38 : memref<632x128xf32, #tpu.memory_space<hbm>>)
        tpu.yield
      }) : () -> ()
    } else {
    }
    %eq3A = arith.constant 15 : i32
    %eq3A_19 = arith.cmpi eq, %arg1, %eq3A : i32
    %convert_element_type3A_20 = arith.extui %eq3A_19 : i1 to i32
    %cond3A_21 = arith.constant 0 : i32
    %cond3A_22 = arith.cmpi ne, %convert_element_type3A_20, %cond3A_21 : i32
    scf.if %cond3A_22 {
      "tpu.region"() ({
        %run_scoped3A = tpu.sem_alloc : memref<!tpu.dma_semaphore, #tpu.memory_space<semaphore_mem>>
        %dma_start3A = arith.constant 0 : i32
        %dma_start3A_23 = arith.constant 0 : i32
        %dma_start3A_24 = tpu.memref_slice %arg6[%arg0, %dma_start3A, %dma_start3A_23] : memref<2x10000x128xf32, #tpu.memory_space<hbm>> -> memref<1x10000x128xf32, #tpu.memory_space<hbm>>
        %dma_start3A_25 = tpu.memref_squeeze %dma_start3A_24 : memref<1x10000x128xf32, #tpu.memory_space<hbm>> -> memref<10000x128xf32, #tpu.memory_space<hbm>>
        %dma_start3A_26 = arith.constant 9480 : i32
        %dma_start3A_27 = arith.constant 0 : i32
        %dma_start3A_28 = tpu.memref_slice %dma_start3A_25[%dma_start3A_26, %dma_start3A_27] : memref<10000x128xf32, #tpu.memory_space<hbm>> -> memref<520x128xf32, #tpu.memory_space<hbm>>
        %dma_start3A_29 = arith.constant 9480 : i32
        %dma_start3A_30 = arith.constant 0 : i32
        %dma_start3A_31 = tpu.memref_slice %arg12[%dma_start3A_29, %dma_start3A_30] : memref<10112x128xf32, #tpu.memory_space<vmem_shared>> -> memref<520x128xf32, #tpu.memory_space<vmem_shared>>
        tpu.enqueue_dma source(%dma_start3A_31 : memref<520x128xf32, #tpu.memory_space<vmem_shared>>) target(%dma_start3A_28 : memref<520x128xf32, #tpu.memory_space<hbm>>) target_semaphore(%run_scoped3A : memref<!tpu.dma_semaphore, #tpu.memory_space<semaphore_mem>>)
        %dma_wait3A = arith.constant 0 : i32
        %dma_wait3A_32 = arith.constant 0 : i32
        %dma_wait3A_33 = tpu.memref_slice %arg6[%arg0, %dma_wait3A, %dma_wait3A_32] : memref<2x10000x128xf32, #tpu.memory_space<hbm>> -> memref<1x10000x128xf32, #tpu.memory_space<hbm>>
        %dma_wait3A_34 = tpu.memref_squeeze %dma_wait3A_33 : memref<1x10000x128xf32, #tpu.memory_space<hbm>> -> memref<10000x128xf32, #tpu.memory_space<hbm>>
        %dma_wait3A_35 = arith.constant 9480 : i32
        %dma_wait3A_36 = arith.constant 0 : i32
        %dma_wait3A_37 = tpu.memref_slice %dma_wait3A_34[%dma_wait3A_35, %dma_wait3A_36] : memref<10000x128xf32, #tpu.memory_space<hbm>> -> memref<520x128xf32, #tpu.memory_space<hbm>>
        %dma_wait3A_38 = arith.constant 9480 : i32
        %dma_wait3A_39 = arith.constant 0 : i32
        %dma_wait3A_40 = tpu.memref_slice %arg12[%dma_wait3A_38, %dma_wait3A_39] : memref<10112x128xf32, #tpu.memory_space<vmem_shared>> -> memref<520x128xf32, #tpu.memory_space<vmem_shared>>
        tpu.wait_dma2 semaphore(%run_scoped3A : memref<!tpu.dma_semaphore, #tpu.memory_space<semaphore_mem>>) src(%dma_wait3A_40 : memref<520x128xf32, #tpu.memory_space<vmem_shared>>) dst(%dma_wait3A_37 : memref<520x128xf32, #tpu.memory_space<hbm>>)
        tpu.yield
      }) : () -> ()
    } else {
    }
    "tpu.region"() ({
      %run_scoped3A = tpu.sem_alloc : memref<!tpu.dma_semaphore, #tpu.memory_space<semaphore_mem>>
      %dma_start3A = arith.constant 0 : i32
      %dma_start3A_23 = tpu.memref_slice %arg7[%add3A, %dma_start3A] : memref<32x10016xf32, #tpu.memory_space<hbm>> -> memref<1x10016xf32, #tpu.memory_space<hbm>>
      %dma_start3A_24 = tpu.memref_squeeze %dma_start3A_23 : memref<1x10016xf32, #tpu.memory_space<hbm>> -> memref<10016xf32, #tpu.memory_space<hbm>>
      %dma_start3A_25 = arith.constant 0 : i32
      %dma_start3A_26 = tpu.memref_slice %arg7[%add3A, %dma_start3A_25] : memref<32x10016xf32, #tpu.memory_space<hbm>> -> memref<1x10016xf32, #tpu.memory_space<hbm>>
      %dma_start3A_27 = tpu.memref_squeeze %dma_start3A_26 : memref<1x10016xf32, #tpu.memory_space<hbm>> -> memref<10016xf32, #tpu.memory_space<hbm>>
      tpu.enqueue_dma source(%arg13 : memref<10016xf32, #tpu.memory_space<vmem>>) target(%dma_start3A_27 : memref<10016xf32, #tpu.memory_space<hbm>>) target_semaphore(%run_scoped3A : memref<!tpu.dma_semaphore, #tpu.memory_space<semaphore_mem>>)
      %dma_wait3A = arith.constant 0 : i32
      %dma_wait3A_28 = tpu.memref_slice %arg7[%add3A, %dma_wait3A] : memref<32x10016xf32, #tpu.memory_space<hbm>> -> memref<1x10016xf32, #tpu.memory_space<hbm>>
      %dma_wait3A_29 = tpu.memref_squeeze %dma_wait3A_28 : memref<1x10016xf32, #tpu.memory_space<hbm>> -> memref<10016xf32, #tpu.memory_space<hbm>>
      %dma_wait3A_30 = arith.constant 0 : i32
      %dma_wait3A_31 = tpu.memref_slice %arg7[%add3A, %dma_wait3A_30] : memref<32x10016xf32, #tpu.memory_space<hbm>> -> memref<1x10016xf32, #tpu.memory_space<hbm>>
      %dma_wait3A_32 = tpu.memref_squeeze %dma_wait3A_31 : memref<1x10016xf32, #tpu.memory_space<hbm>> -> memref<10016xf32, #tpu.memory_space<hbm>>
      tpu.wait_dma2 semaphore(%run_scoped3A : memref<!tpu.dma_semaphore, #tpu.memory_space<semaphore_mem>>) src(%arg13 : memref<10016xf32, #tpu.memory_space<vmem>>) dst(%dma_wait3A_32 : memref<10016xf32, #tpu.memory_space<hbm>>)
      tpu.yield
    }) : () -> ()
    return
  }
}

#map = affine_map<(d0, d1) -> (0, 0)>
#map1 = affine_map<(d0, d1) -> (0, 0, 0)>
module attributes {stable_mosaic.version = 14 : i64} {
  func.func @_sc_agg_body(%arg0: i32, %arg1: i32, %arg2: memref<10000x128xf32, #tpu.memory_space<hbm>>, %arg3: memref<2560x128xi32, #tpu.memory_space<hbm>>, %arg4: memref<2560x128xi32, #tpu.memory_space<hbm>>, %arg5: memref<10112x128xf32, #tpu.memory_space<hbm>>, %arg6: memref<2x10000x128xf32, #tpu.memory_space<hbm>>, %arg7: memref<40x128xi32, #tpu.memory_space<vmem>>, %arg8: memref<40x128xi32, #tpu.memory_space<vmem>>, %arg9: memref<128x128xf32, #tpu.memory_space<vmem>>, %arg10: memref<128x128xf32, #tpu.memory_space<vmem>>, %arg11: memref<10112x128xf32, #tpu.memory_space<vmem_shared>>, %arg12: memref<!tpu.dma_semaphore, #tpu.memory_space<semaphore_mem>>, %arg13: memref<!tpu.dma_semaphore, #tpu.memory_space<semaphore_mem>>) attributes {dimension_semantics = [#tpu.dimension_semantics<core_parallel>, #tpu.dimension_semantics<subcore_parallel>], iteration_bounds = array<i64: 2, 16>, scalar_prefetch = 0 : i64, scratch_operands = 7 : i64, tpu.core_type = #tpu.core_type<sc_vector_subcore>, window_params = [{transform_indices = #map}, {transform_indices = #map}, {transform_indices = #map}, {transform_indices = #map}, {transform_indices = #map1}]} {
    %mul3A = arith.constant 16 : i32
    %mul3A_0 = arith.muli %arg0, %mul3A : i32
    %add3A = arith.addi %mul3A_0, %arg1 : i32
    %mul3A_1 = arith.constant 632 : i32
    %mul3A_2 = arith.muli %arg1, %mul3A_1 : i32
    %mul3A_3 = arith.constant 632 : i32
    %mul3A_4 = arith.muli %arg1, %mul3A_3 : i32
    "tpu.region"() ({
      %run_scoped3A = tpu.sem_alloc : memref<!tpu.dma_semaphore, #tpu.memory_space<semaphore_mem>>
      %dma_start3A = arith.constant 0 : i32
      %dma_start3A_18 = tpu.memref_slice %arg11[%mul3A_4, %dma_start3A] : memref<10112x128xf32, #tpu.memory_space<vmem_shared>> -> memref<632x128xf32, #tpu.memory_space<vmem_shared>>
      %dma_start3A_19 = arith.constant 0 : i32
      %dma_start3A_20 = tpu.memref_slice %arg5[%mul3A_2, %dma_start3A_19] : memref<10112x128xf32, #tpu.memory_space<hbm>> -> memref<632x128xf32, #tpu.memory_space<hbm>>
      tpu.enqueue_dma source(%dma_start3A_20 : memref<632x128xf32, #tpu.memory_space<hbm>>) target(%dma_start3A_18 : memref<632x128xf32, #tpu.memory_space<vmem_shared>>) target_semaphore(%run_scoped3A : memref<!tpu.dma_semaphore, #tpu.memory_space<semaphore_mem>>)
      %dma_wait3A = arith.constant 0 : i32
      %dma_wait3A_21 = tpu.memref_slice %arg11[%mul3A_4, %dma_wait3A] : memref<10112x128xf32, #tpu.memory_space<vmem_shared>> -> memref<632x128xf32, #tpu.memory_space<vmem_shared>>
      %dma_wait3A_22 = arith.constant 0 : i32
      %dma_wait3A_23 = tpu.memref_slice %arg5[%mul3A_2, %dma_wait3A_22] : memref<10112x128xf32, #tpu.memory_space<hbm>> -> memref<632x128xf32, #tpu.memory_space<hbm>>
      tpu.wait_dma2 semaphore(%run_scoped3A : memref<!tpu.dma_semaphore, #tpu.memory_space<semaphore_mem>>) src(%dma_wait3A_23 : memref<632x128xf32, #tpu.memory_space<hbm>>) dst(%dma_wait3A_21 : memref<632x128xf32, #tpu.memory_space<vmem_shared>>)
      tpu.yield
    }) : () -> ()
    %barrier3A = arith.constant 0 : index
    tpu.barrier barrier_id(%barrier3A)
    %mul3A_5 = arith.constant 80 : i32
    %mul3A_6 = arith.muli %add3A, %mul3A_5 : i32
    %scan3A = arith.constant 0 : i32
    %scan3A_7 = arith.constant 2 : i32
    %scan3A_8 = arith.addi %scan3A, %scan3A_7 : i32
    %scan3A_9 = arith.constant 1 : i32
    scf.for %scan3A_18 = %scan3A to %scan3A_8 step %scan3A_9  : i32 {
      %mul3A_19 = arith.constant 1 : i32
      %mul3A_20 = arith.muli %scan3A_18, %mul3A_19 : i32
      %add3A_21 = arith.constant 0 : i32
      %add3A_22 = arith.addi %add3A_21, %mul3A_20 : i32
      %mul3A_23 = arith.constant 40 : i32
      %mul3A_24 = arith.muli %add3A_22, %mul3A_23 : i32
      %add3A_25 = arith.addi %mul3A_6, %mul3A_24 : i32
      "tpu.region"() ({
        %run_scoped3A = tpu.sem_alloc : memref<!tpu.dma_semaphore, #tpu.memory_space<semaphore_mem>>
        %dma_start3A_37 = arith.constant 0 : i32
        %dma_start3A_38 = tpu.memref_slice %arg3[%add3A_25, %dma_start3A_37] : memref<2560x128xi32, #tpu.memory_space<hbm>> -> memref<40x128xi32, #tpu.memory_space<hbm>>
        %dma_start3A_39 = arith.constant 0 : i32
        %dma_start3A_40 = tpu.memref_slice %arg3[%add3A_25, %dma_start3A_39] : memref<2560x128xi32, #tpu.memory_space<hbm>> -> memref<40x128xi32, #tpu.memory_space<hbm>>
        tpu.enqueue_dma source(%dma_start3A_40 : memref<40x128xi32, #tpu.memory_space<hbm>>) target(%arg7 : memref<40x128xi32, #tpu.memory_space<vmem>>) target_semaphore(%run_scoped3A : memref<!tpu.dma_semaphore, #tpu.memory_space<semaphore_mem>>)
        %dma_wait3A = arith.constant 0 : i32
        %dma_wait3A_41 = tpu.memref_slice %arg3[%add3A_25, %dma_wait3A] : memref<2560x128xi32, #tpu.memory_space<hbm>> -> memref<40x128xi32, #tpu.memory_space<hbm>>
        %dma_wait3A_42 = arith.constant 0 : i32
        %dma_wait3A_43 = tpu.memref_slice %arg3[%add3A_25, %dma_wait3A_42] : memref<2560x128xi32, #tpu.memory_space<hbm>> -> memref<40x128xi32, #tpu.memory_space<hbm>>
        tpu.wait_dma2 semaphore(%run_scoped3A : memref<!tpu.dma_semaphore, #tpu.memory_space<semaphore_mem>>) src(%dma_wait3A_43 : memref<40x128xi32, #tpu.memory_space<hbm>>) dst(%arg7 : memref<40x128xi32, #tpu.memory_space<vmem>>)
        tpu.yield
      }) : () -> ()
      "tpu.region"() ({
        %run_scoped3A = tpu.sem_alloc : memref<!tpu.dma_semaphore, #tpu.memory_space<semaphore_mem>>
        %dma_start3A_37 = arith.constant 0 : i32
        %dma_start3A_38 = tpu.memref_slice %arg4[%add3A_25, %dma_start3A_37] : memref<2560x128xi32, #tpu.memory_space<hbm>> -> memref<40x128xi32, #tpu.memory_space<hbm>>
        %dma_start3A_39 = arith.constant 0 : i32
        %dma_start3A_40 = tpu.memref_slice %arg4[%add3A_25, %dma_start3A_39] : memref<2560x128xi32, #tpu.memory_space<hbm>> -> memref<40x128xi32, #tpu.memory_space<hbm>>
        tpu.enqueue_dma source(%dma_start3A_40 : memref<40x128xi32, #tpu.memory_space<hbm>>) target(%arg8 : memref<40x128xi32, #tpu.memory_space<vmem>>) target_semaphore(%run_scoped3A : memref<!tpu.dma_semaphore, #tpu.memory_space<semaphore_mem>>)
        %dma_wait3A = arith.constant 0 : i32
        %dma_wait3A_41 = tpu.memref_slice %arg4[%add3A_25, %dma_wait3A] : memref<2560x128xi32, #tpu.memory_space<hbm>> -> memref<40x128xi32, #tpu.memory_space<hbm>>
        %dma_wait3A_42 = arith.constant 0 : i32
        %dma_wait3A_43 = tpu.memref_slice %arg4[%add3A_25, %dma_wait3A_42] : memref<2560x128xi32, #tpu.memory_space<hbm>> -> memref<40x128xi32, #tpu.memory_space<hbm>>
        tpu.wait_dma2 semaphore(%run_scoped3A : memref<!tpu.dma_semaphore, #tpu.memory_space<semaphore_mem>>) src(%dma_wait3A_43 : memref<40x128xi32, #tpu.memory_space<hbm>>) dst(%arg8 : memref<40x128xi32, #tpu.memory_space<vmem>>)
        tpu.yield
      }) : () -> ()
      %dma_start3A = arith.constant 0 : i32
      %dma_start3A_26 = arith.constant 0 : i32
      %dma_start3A_27 = tpu.memref_slice %arg7[%dma_start3A, %dma_start3A_26] : memref<40x128xi32, #tpu.memory_space<vmem>> -> memref<1x128xi32, #tpu.memory_space<vmem>>
      %dma_start3A_28 = tpu.memref_squeeze %dma_start3A_27 : memref<1x128xi32, #tpu.memory_space<vmem>> -> memref<128xi32, #tpu.memory_space<vmem>>
      %dma_start3A_29 = arith.constant 0 : i32
      %dma_start3A_30 = arith.constant 0 : i32
      %dma_start3A_31 = tpu.memref_slice %arg2[%dma_start3A_29, %dma_start3A_30] : memref<10000x128xf32, #tpu.memory_space<hbm>> -> memref<10000x128xf32, #tpu.memory_space<hbm>>
      tpu.enqueue_indirect_dma source(%dma_start3A_31 : memref<10000x128xf32, #tpu.memory_space<hbm>>) target(%arg9 : memref<128x128xf32, #tpu.memory_space<vmem>>) offsets(%dma_start3A_28 : memref<128xi32, #tpu.memory_space<vmem>>) semaphore(%arg12 : memref<!tpu.dma_semaphore, #tpu.memory_space<semaphore_mem>>)
      %scan3A_32 = arith.constant 0 : i32
      %scan3A_33 = arith.constant 20 : i32
      %scan3A_34 = arith.addi %scan3A_32, %scan3A_33 : i32
      %scan3A_35 = arith.constant 1 : i32
      scf.for %scan3A_37 = %scan3A_32 to %scan3A_34 step %scan3A_35  : i32 {
        %mul3A_38 = arith.constant 1 : i32
        %mul3A_39 = arith.muli %scan3A_37, %mul3A_38 : i32
        %add3A_40 = arith.constant 0 : i32
        %add3A_41 = arith.addi %add3A_40, %mul3A_39 : i32
        %mul3A_42 = arith.constant 2 : i32
        %mul3A_43 = arith.muli %add3A_41, %mul3A_42 : i32
        %add3A_44 = arith.constant 1 : i32
        %add3A_45 = arith.addi %mul3A_43, %add3A_44 : i32
        %dma_start3A_46 = arith.constant 0 : i32
        %dma_start3A_47 = tpu.memref_slice %arg7[%add3A_45, %dma_start3A_46] : memref<40x128xi32, #tpu.memory_space<vmem>> -> memref<1x128xi32, #tpu.memory_space<vmem>>
        %dma_start3A_48 = tpu.memref_squeeze %dma_start3A_47 : memref<1x128xi32, #tpu.memory_space<vmem>> -> memref<128xi32, #tpu.memory_space<vmem>>
        %dma_start3A_49 = arith.constant 0 : i32
        %dma_start3A_50 = arith.constant 0 : i32
        %dma_start3A_51 = tpu.memref_slice %arg2[%dma_start3A_49, %dma_start3A_50] : memref<10000x128xf32, #tpu.memory_space<hbm>> -> memref<10000x128xf32, #tpu.memory_space<hbm>>
        tpu.enqueue_indirect_dma source(%dma_start3A_51 : memref<10000x128xf32, #tpu.memory_space<hbm>>) target(%arg10 : memref<128x128xf32, #tpu.memory_space<vmem>>) offsets(%dma_start3A_48 : memref<128xi32, #tpu.memory_space<vmem>>) semaphore(%arg13 : memref<!tpu.dma_semaphore, #tpu.memory_space<semaphore_mem>>)
        %dma_wait3A = arith.constant 0 : i32
        %dma_wait3A_52 = tpu.memref_slice %arg7[%mul3A_43, %dma_wait3A] : memref<40x128xi32, #tpu.memory_space<vmem>> -> memref<1x128xi32, #tpu.memory_space<vmem>>
        %dma_wait3A_53 = tpu.memref_squeeze %dma_wait3A_52 : memref<1x128xi32, #tpu.memory_space<vmem>> -> memref<128xi32, #tpu.memory_space<vmem>>
        %dma_wait3A_54 = arith.constant 0 : i32
        %dma_wait3A_55 = arith.constant 0 : i32
        %dma_wait3A_56 = tpu.memref_slice %arg2[%dma_wait3A_54, %dma_wait3A_55] : memref<10000x128xf32, #tpu.memory_space<hbm>> -> memref<10000x128xf32, #tpu.memory_space<hbm>>
        tpu.wait_indirect_dma semaphore(%arg12 : memref<!tpu.dma_semaphore, #tpu.memory_space<semaphore_mem>>) src(%dma_wait3A_56 : memref<10000x128xf32, #tpu.memory_space<hbm>>) dst(%arg9 : memref<128x128xf32, #tpu.memory_space<vmem>>)
        "tpu.region"() ({
          %run_scoped3A = tpu.sem_alloc : memref<!tpu.dma_semaphore, #tpu.memory_space<semaphore_mem>>
          %dma_start3A_68 = arith.constant 0 : i32
          %dma_start3A_69 = tpu.memref_slice %arg8[%mul3A_43, %dma_start3A_68] : memref<40x128xi32, #tpu.memory_space<vmem>> -> memref<1x128xi32, #tpu.memory_space<vmem>>
          %dma_start3A_70 = tpu.memref_squeeze %dma_start3A_69 : memref<1x128xi32, #tpu.memory_space<vmem>> -> memref<128xi32, #tpu.memory_space<vmem>>
          %dma_start3A_71 = arith.constant 0 : i32
          %dma_start3A_72 = arith.constant 0 : i32
          %dma_start3A_73 = tpu.memref_slice %arg11[%dma_start3A_71, %dma_start3A_72] : memref<10112x128xf32, #tpu.memory_space<vmem_shared>> -> memref<10112x128xf32, #tpu.memory_space<vmem_shared>>
          tpu.enqueue_indirect_dma source(%arg9 : memref<128x128xf32, #tpu.memory_space<vmem>>) target(%dma_start3A_73 : memref<10112x128xf32, #tpu.memory_space<vmem_shared>>) offsets(%dma_start3A_70 : memref<128xi32, #tpu.memory_space<vmem>>) semaphore(%run_scoped3A : memref<!tpu.dma_semaphore, #tpu.memory_space<semaphore_mem>>) {add = true}
          %dma_wait3A_74 = arith.constant 0 : i32
          %dma_wait3A_75 = tpu.memref_slice %arg8[%mul3A_43, %dma_wait3A_74] : memref<40x128xi32, #tpu.memory_space<vmem>> -> memref<1x128xi32, #tpu.memory_space<vmem>>
          %dma_wait3A_76 = tpu.memref_squeeze %dma_wait3A_75 : memref<1x128xi32, #tpu.memory_space<vmem>> -> memref<128xi32, #tpu.memory_space<vmem>>
          %dma_wait3A_77 = arith.constant 0 : i32
          %dma_wait3A_78 = arith.constant 0 : i32
          %dma_wait3A_79 = tpu.memref_slice %arg11[%dma_wait3A_77, %dma_wait3A_78] : memref<10112x128xf32, #tpu.memory_space<vmem_shared>> -> memref<10112x128xf32, #tpu.memory_space<vmem_shared>>
          tpu.wait_indirect_dma semaphore(%run_scoped3A : memref<!tpu.dma_semaphore, #tpu.memory_space<semaphore_mem>>) src(%arg9 : memref<128x128xf32, #tpu.memory_space<vmem>>) dst(%dma_wait3A_79 : memref<10112x128xf32, #tpu.memory_space<vmem_shared>>)
          tpu.yield
        }) : () -> ()
        %lt3A_57 = arith.constant 19 : i32
        %lt3A_58 = arith.cmpi slt, %add3A_41, %lt3A_57 : i32
        %convert_element_type3A_59 = arith.extui %lt3A_58 : i1 to i32
        %cond3A_60 = arith.constant 0 : i32
        %cond3A_61 = arith.cmpi ne, %convert_element_type3A_59, %cond3A_60 : i32
        scf.if %cond3A_61 {
          %add3A_68 = arith.constant 2 : i32
          %add3A_69 = arith.addi %mul3A_43, %add3A_68 : i32
          %dma_start3A_70 = arith.constant 0 : i32
          %dma_start3A_71 = tpu.memref_slice %arg7[%add3A_69, %dma_start3A_70] : memref<40x128xi32, #tpu.memory_space<vmem>> -> memref<1x128xi32, #tpu.memory_space<vmem>>
          %dma_start3A_72 = tpu.memref_squeeze %dma_start3A_71 : memref<1x128xi32, #tpu.memory_space<vmem>> -> memref<128xi32, #tpu.memory_space<vmem>>
          %dma_start3A_73 = arith.constant 0 : i32
          %dma_start3A_74 = arith.constant 0 : i32
          %dma_start3A_75 = tpu.memref_slice %arg2[%dma_start3A_73, %dma_start3A_74] : memref<10000x128xf32, #tpu.memory_space<hbm>> -> memref<10000x128xf32, #tpu.memory_space<hbm>>
          tpu.enqueue_indirect_dma source(%dma_start3A_75 : memref<10000x128xf32, #tpu.memory_space<hbm>>) target(%arg9 : memref<128x128xf32, #tpu.memory_space<vmem>>) offsets(%dma_start3A_72 : memref<128xi32, #tpu.memory_space<vmem>>) semaphore(%arg12 : memref<!tpu.dma_semaphore, #tpu.memory_space<semaphore_mem>>)
        } else {
        }
        %dma_wait3A_62 = arith.constant 0 : i32
        %dma_wait3A_63 = tpu.memref_slice %arg7[%add3A_45, %dma_wait3A_62] : memref<40x128xi32, #tpu.memory_space<vmem>> -> memref<1x128xi32, #tpu.memory_space<vmem>>
        %dma_wait3A_64 = tpu.memref_squeeze %dma_wait3A_63 : memref<1x128xi32, #tpu.memory_space<vmem>> -> memref<128xi32, #tpu.memory_space<vmem>>
        %dma_wait3A_65 = arith.constant 0 : i32
        %dma_wait3A_66 = arith.constant 0 : i32
        %dma_wait3A_67 = tpu.memref_slice %arg2[%dma_wait3A_65, %dma_wait3A_66] : memref<10000x128xf32, #tpu.memory_space<hbm>> -> memref<10000x128xf32, #tpu.memory_space<hbm>>
        tpu.wait_indirect_dma semaphore(%arg13 : memref<!tpu.dma_semaphore, #tpu.memory_space<semaphore_mem>>) src(%dma_wait3A_67 : memref<10000x128xf32, #tpu.memory_space<hbm>>) dst(%arg10 : memref<128x128xf32, #tpu.memory_space<vmem>>)
        "tpu.region"() ({
          %run_scoped3A = tpu.sem_alloc : memref<!tpu.dma_semaphore, #tpu.memory_space<semaphore_mem>>
          %dma_start3A_68 = arith.constant 0 : i32
          %dma_start3A_69 = tpu.memref_slice %arg8[%add3A_45, %dma_start3A_68] : memref<40x128xi32, #tpu.memory_space<vmem>> -> memref<1x128xi32, #tpu.memory_space<vmem>>
          %dma_start3A_70 = tpu.memref_squeeze %dma_start3A_69 : memref<1x128xi32, #tpu.memory_space<vmem>> -> memref<128xi32, #tpu.memory_space<vmem>>
          %dma_start3A_71 = arith.constant 0 : i32
          %dma_start3A_72 = arith.constant 0 : i32
          %dma_start3A_73 = tpu.memref_slice %arg11[%dma_start3A_71, %dma_start3A_72] : memref<10112x128xf32, #tpu.memory_space<vmem_shared>> -> memref<10112x128xf32, #tpu.memory_space<vmem_shared>>
          tpu.enqueue_indirect_dma source(%arg10 : memref<128x128xf32, #tpu.memory_space<vmem>>) target(%dma_start3A_73 : memref<10112x128xf32, #tpu.memory_space<vmem_shared>>) offsets(%dma_start3A_70 : memref<128xi32, #tpu.memory_space<vmem>>) semaphore(%run_scoped3A : memref<!tpu.dma_semaphore, #tpu.memory_space<semaphore_mem>>) {add = true}
          %dma_wait3A_74 = arith.constant 0 : i32
          %dma_wait3A_75 = tpu.memref_slice %arg8[%add3A_45, %dma_wait3A_74] : memref<40x128xi32, #tpu.memory_space<vmem>> -> memref<1x128xi32, #tpu.memory_space<vmem>>
          %dma_wait3A_76 = tpu.memref_squeeze %dma_wait3A_75 : memref<1x128xi32, #tpu.memory_space<vmem>> -> memref<128xi32, #tpu.memory_space<vmem>>
          %dma_wait3A_77 = arith.constant 0 : i32
          %dma_wait3A_78 = arith.constant 0 : i32
          %dma_wait3A_79 = tpu.memref_slice %arg11[%dma_wait3A_77, %dma_wait3A_78] : memref<10112x128xf32, #tpu.memory_space<vmem_shared>> -> memref<10112x128xf32, #tpu.memory_space<vmem_shared>>
          tpu.wait_indirect_dma semaphore(%run_scoped3A : memref<!tpu.dma_semaphore, #tpu.memory_space<semaphore_mem>>) src(%arg10 : memref<128x128xf32, #tpu.memory_space<vmem>>) dst(%dma_wait3A_79 : memref<10112x128xf32, #tpu.memory_space<vmem_shared>>)
          tpu.yield
        }) : () -> ()
      }
      %scan3A_36 = arith.constant 20 : i32
    }
    %scan3A_10 = arith.constant 2 : i32
    %barrier3A_11 = arith.constant 0 : index
    tpu.barrier barrier_id(%barrier3A_11)
    %lt3A = arith.constant 15 : i32
    %lt3A_12 = arith.cmpi slt, %arg1, %lt3A : i32
    %convert_element_type3A = arith.extui %lt3A_12 : i1 to i32
    %cond3A = arith.constant 0 : i32
    %cond3A_13 = arith.cmpi ne, %convert_element_type3A, %cond3A : i32
    scf.if %cond3A_13 {
      %mul3A_18 = arith.constant 632 : i32
      %mul3A_19 = arith.muli %arg1, %mul3A_18 : i32
      %mul3A_20 = arith.constant 632 : i32
      %mul3A_21 = arith.muli %arg1, %mul3A_20 : i32
      "tpu.region"() ({
        %run_scoped3A = tpu.sem_alloc : memref<!tpu.dma_semaphore, #tpu.memory_space<semaphore_mem>>
        %dma_start3A = arith.constant 0 : i32
        %dma_start3A_22 = arith.constant 0 : i32
        %dma_start3A_23 = tpu.memref_slice %arg6[%arg0, %dma_start3A, %dma_start3A_22] : memref<2x10000x128xf32, #tpu.memory_space<hbm>> -> memref<1x10000x128xf32, #tpu.memory_space<hbm>>
        %dma_start3A_24 = tpu.memref_squeeze %dma_start3A_23 : memref<1x10000x128xf32, #tpu.memory_space<hbm>> -> memref<10000x128xf32, #tpu.memory_space<hbm>>
        %dma_start3A_25 = arith.constant 0 : i32
        %dma_start3A_26 = tpu.memref_slice %dma_start3A_24[%mul3A_21, %dma_start3A_25] : memref<10000x128xf32, #tpu.memory_space<hbm>> -> memref<632x128xf32, #tpu.memory_space<hbm>>
        %dma_start3A_27 = arith.constant 0 : i32
        %dma_start3A_28 = tpu.memref_slice %arg11[%mul3A_19, %dma_start3A_27] : memref<10112x128xf32, #tpu.memory_space<vmem_shared>> -> memref<632x128xf32, #tpu.memory_space<vmem_shared>>
        tpu.enqueue_dma source(%dma_start3A_28 : memref<632x128xf32, #tpu.memory_space<vmem_shared>>) target(%dma_start3A_26 : memref<632x128xf32, #tpu.memory_space<hbm>>) target_semaphore(%run_scoped3A : memref<!tpu.dma_semaphore, #tpu.memory_space<semaphore_mem>>)
        %dma_wait3A = arith.constant 0 : i32
        %dma_wait3A_29 = arith.constant 0 : i32
        %dma_wait3A_30 = tpu.memref_slice %arg6[%arg0, %dma_wait3A, %dma_wait3A_29] : memref<2x10000x128xf32, #tpu.memory_space<hbm>> -> memref<1x10000x128xf32, #tpu.memory_space<hbm>>
        %dma_wait3A_31 = tpu.memref_squeeze %dma_wait3A_30 : memref<1x10000x128xf32, #tpu.memory_space<hbm>> -> memref<10000x128xf32, #tpu.memory_space<hbm>>
        %dma_wait3A_32 = arith.constant 0 : i32
        %dma_wait3A_33 = tpu.memref_slice %dma_wait3A_31[%mul3A_21, %dma_wait3A_32] : memref<10000x128xf32, #tpu.memory_space<hbm>> -> memref<632x128xf32, #tpu.memory_space<hbm>>
        %dma_wait3A_34 = arith.constant 0 : i32
        %dma_wait3A_35 = tpu.memref_slice %arg11[%mul3A_19, %dma_wait3A_34] : memref<10112x128xf32, #tpu.memory_space<vmem_shared>> -> memref<632x128xf32, #tpu.memory_space<vmem_shared>>
        tpu.wait_dma2 semaphore(%run_scoped3A : memref<!tpu.dma_semaphore, #tpu.memory_space<semaphore_mem>>) src(%dma_wait3A_35 : memref<632x128xf32, #tpu.memory_space<vmem_shared>>) dst(%dma_wait3A_33 : memref<632x128xf32, #tpu.memory_space<hbm>>)
        tpu.yield
      }) : () -> ()
    } else {
    }
    %eq3A = arith.constant 15 : i32
    %eq3A_14 = arith.cmpi eq, %arg1, %eq3A : i32
    %convert_element_type3A_15 = arith.extui %eq3A_14 : i1 to i32
    %cond3A_16 = arith.constant 0 : i32
    %cond3A_17 = arith.cmpi ne, %convert_element_type3A_15, %cond3A_16 : i32
    scf.if %cond3A_17 {
      "tpu.region"() ({
        %run_scoped3A = tpu.sem_alloc : memref<!tpu.dma_semaphore, #tpu.memory_space<semaphore_mem>>
        %dma_start3A = arith.constant 0 : i32
        %dma_start3A_18 = arith.constant 0 : i32
        %dma_start3A_19 = tpu.memref_slice %arg6[%arg0, %dma_start3A, %dma_start3A_18] : memref<2x10000x128xf32, #tpu.memory_space<hbm>> -> memref<1x10000x128xf32, #tpu.memory_space<hbm>>
        %dma_start3A_20 = tpu.memref_squeeze %dma_start3A_19 : memref<1x10000x128xf32, #tpu.memory_space<hbm>> -> memref<10000x128xf32, #tpu.memory_space<hbm>>
        %dma_start3A_21 = arith.constant 9480 : i32
        %dma_start3A_22 = arith.constant 0 : i32
        %dma_start3A_23 = tpu.memref_slice %dma_start3A_20[%dma_start3A_21, %dma_start3A_22] : memref<10000x128xf32, #tpu.memory_space<hbm>> -> memref<520x128xf32, #tpu.memory_space<hbm>>
        %dma_start3A_24 = arith.constant 9480 : i32
        %dma_start3A_25 = arith.constant 0 : i32
        %dma_start3A_26 = tpu.memref_slice %arg11[%dma_start3A_24, %dma_start3A_25] : memref<10112x128xf32, #tpu.memory_space<vmem_shared>> -> memref<520x128xf32, #tpu.memory_space<vmem_shared>>
        tpu.enqueue_dma source(%dma_start3A_26 : memref<520x128xf32, #tpu.memory_space<vmem_shared>>) target(%dma_start3A_23 : memref<520x128xf32, #tpu.memory_space<hbm>>) target_semaphore(%run_scoped3A : memref<!tpu.dma_semaphore, #tpu.memory_space<semaphore_mem>>)
        %dma_wait3A = arith.constant 0 : i32
        %dma_wait3A_27 = arith.constant 0 : i32
        %dma_wait3A_28 = tpu.memref_slice %arg6[%arg0, %dma_wait3A, %dma_wait3A_27] : memref<2x10000x128xf32, #tpu.memory_space<hbm>> -> memref<1x10000x128xf32, #tpu.memory_space<hbm>>
        %dma_wait3A_29 = tpu.memref_squeeze %dma_wait3A_28 : memref<1x10000x128xf32, #tpu.memory_space<hbm>> -> memref<10000x128xf32, #tpu.memory_space<hbm>>
        %dma_wait3A_30 = arith.constant 9480 : i32
        %dma_wait3A_31 = arith.constant 0 : i32
        %dma_wait3A_32 = tpu.memref_slice %dma_wait3A_29[%dma_wait3A_30, %dma_wait3A_31] : memref<10000x128xf32, #tpu.memory_space<hbm>> -> memref<520x128xf32, #tpu.memory_space<hbm>>
        %dma_wait3A_33 = arith.constant 9480 : i32
        %dma_wait3A_34 = arith.constant 0 : i32
        %dma_wait3A_35 = tpu.memref_slice %arg11[%dma_wait3A_33, %dma_wait3A_34] : memref<10112x128xf32, #tpu.memory_space<vmem_shared>> -> memref<520x128xf32, #tpu.memory_space<vmem_shared>>
        tpu.wait_dma2 semaphore(%run_scoped3A : memref<!tpu.dma_semaphore, #tpu.memory_space<semaphore_mem>>) src(%dma_wait3A_35 : memref<520x128xf32, #tpu.memory_space<vmem_shared>>) dst(%dma_wait3A_32 : memref<520x128xf32, #tpu.memory_space<hbm>>)
        tpu.yield
      }) : () -> ()
    } else {
    }
    return
  }
}

#map = affine_map<(d0, d1) -> (0, 0)>
#map1 = affine_map<(d0, d1) -> (0, 0, 0)>
module attributes {stable_mosaic.version = 14 : i64} {
  func.func @_sc_agg_body(%arg0: i32, %arg1: i32, %arg2: memref<10000x128xf32, #tpu.memory_space<hbm>>, %arg3: memref<2560x128xi32, #tpu.memory_space<hbm>>, %arg4: memref<2560x128xi32, #tpu.memory_space<hbm>>, %arg5: memref<10112x128xf32, #tpu.memory_space<hbm>>, %arg6: memref<2x10000x128xf32, #tpu.memory_space<hbm>>, %arg7: memref<40x128xi32, #tpu.memory_space<vmem>>, %arg8: memref<40x128xi32, #tpu.memory_space<vmem>>, %arg9: memref<128x128xf32, #tpu.memory_space<vmem>>, %arg10: memref<128x128xf32, #tpu.memory_space<vmem>>, %arg11: memref<10112x128xf32, #tpu.memory_space<vmem_shared>>, %arg12: memref<!tpu.dma_semaphore, #tpu.memory_space<semaphore_mem>>, %arg13: memref<!tpu.dma_semaphore, #tpu.memory_space<semaphore_mem>>) attributes {dimension_semantics = [#tpu.dimension_semantics<core_parallel>, #tpu.dimension_semantics<subcore_parallel>], iteration_bounds = array<i64: 2, 16>, scalar_prefetch = 0 : i64, scratch_operands = 7 : i64, tpu.core_type = #tpu.core_type<sc_vector_subcore>, window_params = [{transform_indices = #map}, {transform_indices = #map}, {transform_indices = #map}, {transform_indices = #map}, {transform_indices = #map1}]} {
    %mul3A = arith.constant 16 : i32
    %mul3A_0 = arith.muli %arg0, %mul3A : i32
    %add3A = arith.addi %mul3A_0, %arg1 : i32
    %mul3A_1 = arith.constant 632 : i32
    %mul3A_2 = arith.muli %arg1, %mul3A_1 : i32
    %mul3A_3 = arith.constant 632 : i32
    %mul3A_4 = arith.muli %arg1, %mul3A_3 : i32
    "tpu.region"() ({
      %run_scoped3A = tpu.sem_alloc : memref<!tpu.dma_semaphore, #tpu.memory_space<semaphore_mem>>
      %dma_start3A = arith.constant 0 : i32
      %dma_start3A_18 = tpu.memref_slice %arg11[%mul3A_4, %dma_start3A] : memref<10112x128xf32, #tpu.memory_space<vmem_shared>> -> memref<632x128xf32, #tpu.memory_space<vmem_shared>>
      %dma_start3A_19 = arith.constant 0 : i32
      %dma_start3A_20 = tpu.memref_slice %arg5[%mul3A_2, %dma_start3A_19] : memref<10112x128xf32, #tpu.memory_space<hbm>> -> memref<632x128xf32, #tpu.memory_space<hbm>>
      tpu.enqueue_dma source(%dma_start3A_20 : memref<632x128xf32, #tpu.memory_space<hbm>>) target(%dma_start3A_18 : memref<632x128xf32, #tpu.memory_space<vmem_shared>>) target_semaphore(%run_scoped3A : memref<!tpu.dma_semaphore, #tpu.memory_space<semaphore_mem>>)
      %dma_wait3A = arith.constant 0 : i32
      %dma_wait3A_21 = tpu.memref_slice %arg11[%mul3A_4, %dma_wait3A] : memref<10112x128xf32, #tpu.memory_space<vmem_shared>> -> memref<632x128xf32, #tpu.memory_space<vmem_shared>>
      %dma_wait3A_22 = arith.constant 0 : i32
      %dma_wait3A_23 = tpu.memref_slice %arg5[%mul3A_2, %dma_wait3A_22] : memref<10112x128xf32, #tpu.memory_space<hbm>> -> memref<632x128xf32, #tpu.memory_space<hbm>>
      tpu.wait_dma2 semaphore(%run_scoped3A : memref<!tpu.dma_semaphore, #tpu.memory_space<semaphore_mem>>) src(%dma_wait3A_23 : memref<632x128xf32, #tpu.memory_space<hbm>>) dst(%dma_wait3A_21 : memref<632x128xf32, #tpu.memory_space<vmem_shared>>)
      tpu.yield
    }) : () -> ()
    %barrier3A = arith.constant 0 : index
    tpu.barrier barrier_id(%barrier3A)
    %mul3A_5 = arith.constant 80 : i32
    %mul3A_6 = arith.muli %add3A, %mul3A_5 : i32
    %scan3A = arith.constant 0 : i32
    %scan3A_7 = arith.constant 2 : i32
    %scan3A_8 = arith.addi %scan3A, %scan3A_7 : i32
    %scan3A_9 = arith.constant 1 : i32
    scf.for %scan3A_18 = %scan3A to %scan3A_8 step %scan3A_9  : i32 {
      %mul3A_19 = arith.constant 1 : i32
      %mul3A_20 = arith.muli %scan3A_18, %mul3A_19 : i32
      %add3A_21 = arith.constant 0 : i32
      %add3A_22 = arith.addi %add3A_21, %mul3A_20 : i32
      %mul3A_23 = arith.constant 40 : i32
      %mul3A_24 = arith.muli %add3A_22, %mul3A_23 : i32
      %add3A_25 = arith.addi %mul3A_6, %mul3A_24 : i32
      "tpu.region"() ({
        %run_scoped3A = tpu.sem_alloc : memref<!tpu.dma_semaphore, #tpu.memory_space<semaphore_mem>>
        %dma_start3A_37 = arith.constant 0 : i32
        %dma_start3A_38 = tpu.memref_slice %arg3[%add3A_25, %dma_start3A_37] : memref<2560x128xi32, #tpu.memory_space<hbm>> -> memref<40x128xi32, #tpu.memory_space<hbm>>
        %dma_start3A_39 = arith.constant 0 : i32
        %dma_start3A_40 = tpu.memref_slice %arg3[%add3A_25, %dma_start3A_39] : memref<2560x128xi32, #tpu.memory_space<hbm>> -> memref<40x128xi32, #tpu.memory_space<hbm>>
        tpu.enqueue_dma source(%dma_start3A_40 : memref<40x128xi32, #tpu.memory_space<hbm>>) target(%arg7 : memref<40x128xi32, #tpu.memory_space<vmem>>) target_semaphore(%run_scoped3A : memref<!tpu.dma_semaphore, #tpu.memory_space<semaphore_mem>>)
        %dma_wait3A = arith.constant 0 : i32
        %dma_wait3A_41 = tpu.memref_slice %arg3[%add3A_25, %dma_wait3A] : memref<2560x128xi32, #tpu.memory_space<hbm>> -> memref<40x128xi32, #tpu.memory_space<hbm>>
        %dma_wait3A_42 = arith.constant 0 : i32
        %dma_wait3A_43 = tpu.memref_slice %arg3[%add3A_25, %dma_wait3A_42] : memref<2560x128xi32, #tpu.memory_space<hbm>> -> memref<40x128xi32, #tpu.memory_space<hbm>>
        tpu.wait_dma2 semaphore(%run_scoped3A : memref<!tpu.dma_semaphore, #tpu.memory_space<semaphore_mem>>) src(%dma_wait3A_43 : memref<40x128xi32, #tpu.memory_space<hbm>>) dst(%arg7 : memref<40x128xi32, #tpu.memory_space<vmem>>)
        tpu.yield
      }) : () -> ()
      "tpu.region"() ({
        %run_scoped3A = tpu.sem_alloc : memref<!tpu.dma_semaphore, #tpu.memory_space<semaphore_mem>>
        %dma_start3A_37 = arith.constant 0 : i32
        %dma_start3A_38 = tpu.memref_slice %arg4[%add3A_25, %dma_start3A_37] : memref<2560x128xi32, #tpu.memory_space<hbm>> -> memref<40x128xi32, #tpu.memory_space<hbm>>
        %dma_start3A_39 = arith.constant 0 : i32
        %dma_start3A_40 = tpu.memref_slice %arg4[%add3A_25, %dma_start3A_39] : memref<2560x128xi32, #tpu.memory_space<hbm>> -> memref<40x128xi32, #tpu.memory_space<hbm>>
        tpu.enqueue_dma source(%dma_start3A_40 : memref<40x128xi32, #tpu.memory_space<hbm>>) target(%arg8 : memref<40x128xi32, #tpu.memory_space<vmem>>) target_semaphore(%run_scoped3A : memref<!tpu.dma_semaphore, #tpu.memory_space<semaphore_mem>>)
        %dma_wait3A = arith.constant 0 : i32
        %dma_wait3A_41 = tpu.memref_slice %arg4[%add3A_25, %dma_wait3A] : memref<2560x128xi32, #tpu.memory_space<hbm>> -> memref<40x128xi32, #tpu.memory_space<hbm>>
        %dma_wait3A_42 = arith.constant 0 : i32
        %dma_wait3A_43 = tpu.memref_slice %arg4[%add3A_25, %dma_wait3A_42] : memref<2560x128xi32, #tpu.memory_space<hbm>> -> memref<40x128xi32, #tpu.memory_space<hbm>>
        tpu.wait_dma2 semaphore(%run_scoped3A : memref<!tpu.dma_semaphore, #tpu.memory_space<semaphore_mem>>) src(%dma_wait3A_43 : memref<40x128xi32, #tpu.memory_space<hbm>>) dst(%arg8 : memref<40x128xi32, #tpu.memory_space<vmem>>)
        tpu.yield
      }) : () -> ()
      %dma_start3A = arith.constant 0 : i32
      %dma_start3A_26 = arith.constant 0 : i32
      %dma_start3A_27 = tpu.memref_slice %arg7[%dma_start3A, %dma_start3A_26] : memref<40x128xi32, #tpu.memory_space<vmem>> -> memref<1x128xi32, #tpu.memory_space<vmem>>
      %dma_start3A_28 = tpu.memref_squeeze %dma_start3A_27 : memref<1x128xi32, #tpu.memory_space<vmem>> -> memref<128xi32, #tpu.memory_space<vmem>>
      %dma_start3A_29 = arith.constant 0 : i32
      %dma_start3A_30 = arith.constant 0 : i32
      %dma_start3A_31 = tpu.memref_slice %arg2[%dma_start3A_29, %dma_start3A_30] : memref<10000x128xf32, #tpu.memory_space<hbm>> -> memref<10000x128xf32, #tpu.memory_space<hbm>>
      tpu.enqueue_indirect_dma source(%dma_start3A_31 : memref<10000x128xf32, #tpu.memory_space<hbm>>) target(%arg9 : memref<128x128xf32, #tpu.memory_space<vmem>>) offsets(%dma_start3A_28 : memref<128xi32, #tpu.memory_space<vmem>>) semaphore(%arg12 : memref<!tpu.dma_semaphore, #tpu.memory_space<semaphore_mem>>)
      %scan3A_32 = arith.constant 0 : i32
      %scan3A_33 = arith.constant 20 : i32
      %scan3A_34 = arith.addi %scan3A_32, %scan3A_33 : i32
      %scan3A_35 = arith.constant 1 : i32
      scf.for %scan3A_37 = %scan3A_32 to %scan3A_34 step %scan3A_35  : i32 {
        %mul3A_38 = arith.constant 1 : i32
        %mul3A_39 = arith.muli %scan3A_37, %mul3A_38 : i32
        %add3A_40 = arith.constant 0 : i32
        %add3A_41 = arith.addi %add3A_40, %mul3A_39 : i32
        %mul3A_42 = arith.constant 2 : i32
        %mul3A_43 = arith.muli %add3A_41, %mul3A_42 : i32
        %add3A_44 = arith.constant 1 : i32
        %add3A_45 = arith.addi %mul3A_43, %add3A_44 : i32
        %dma_start3A_46 = arith.constant 0 : i32
        %dma_start3A_47 = tpu.memref_slice %arg7[%add3A_45, %dma_start3A_46] : memref<40x128xi32, #tpu.memory_space<vmem>> -> memref<1x128xi32, #tpu.memory_space<vmem>>
        %dma_start3A_48 = tpu.memref_squeeze %dma_start3A_47 : memref<1x128xi32, #tpu.memory_space<vmem>> -> memref<128xi32, #tpu.memory_space<vmem>>
        %dma_start3A_49 = arith.constant 0 : i32
        %dma_start3A_50 = arith.constant 0 : i32
        %dma_start3A_51 = tpu.memref_slice %arg2[%dma_start3A_49, %dma_start3A_50] : memref<10000x128xf32, #tpu.memory_space<hbm>> -> memref<10000x128xf32, #tpu.memory_space<hbm>>
        tpu.enqueue_indirect_dma source(%dma_start3A_51 : memref<10000x128xf32, #tpu.memory_space<hbm>>) target(%arg10 : memref<128x128xf32, #tpu.memory_space<vmem>>) offsets(%dma_start3A_48 : memref<128xi32, #tpu.memory_space<vmem>>) semaphore(%arg13 : memref<!tpu.dma_semaphore, #tpu.memory_space<semaphore_mem>>)
        %dma_wait3A = arith.constant 0 : i32
        %dma_wait3A_52 = tpu.memref_slice %arg7[%mul3A_43, %dma_wait3A] : memref<40x128xi32, #tpu.memory_space<vmem>> -> memref<1x128xi32, #tpu.memory_space<vmem>>
        %dma_wait3A_53 = tpu.memref_squeeze %dma_wait3A_52 : memref<1x128xi32, #tpu.memory_space<vmem>> -> memref<128xi32, #tpu.memory_space<vmem>>
        %dma_wait3A_54 = arith.constant 0 : i32
        %dma_wait3A_55 = arith.constant 0 : i32
        %dma_wait3A_56 = tpu.memref_slice %arg2[%dma_wait3A_54, %dma_wait3A_55] : memref<10000x128xf32, #tpu.memory_space<hbm>> -> memref<10000x128xf32, #tpu.memory_space<hbm>>
        tpu.wait_indirect_dma semaphore(%arg12 : memref<!tpu.dma_semaphore, #tpu.memory_space<semaphore_mem>>) src(%dma_wait3A_56 : memref<10000x128xf32, #tpu.memory_space<hbm>>) dst(%arg9 : memref<128x128xf32, #tpu.memory_space<vmem>>)
        "tpu.region"() ({
          %run_scoped3A = tpu.sem_alloc : memref<!tpu.dma_semaphore, #tpu.memory_space<semaphore_mem>>
          %dma_start3A_68 = arith.constant 0 : i32
          %dma_start3A_69 = tpu.memref_slice %arg8[%mul3A_43, %dma_start3A_68] : memref<40x128xi32, #tpu.memory_space<vmem>> -> memref<1x128xi32, #tpu.memory_space<vmem>>
          %dma_start3A_70 = tpu.memref_squeeze %dma_start3A_69 : memref<1x128xi32, #tpu.memory_space<vmem>> -> memref<128xi32, #tpu.memory_space<vmem>>
          %dma_start3A_71 = arith.constant 0 : i32
          %dma_start3A_72 = arith.constant 0 : i32
          %dma_start3A_73 = tpu.memref_slice %arg11[%dma_start3A_71, %dma_start3A_72] : memref<10112x128xf32, #tpu.memory_space<vmem_shared>> -> memref<10112x128xf32, #tpu.memory_space<vmem_shared>>
          tpu.enqueue_indirect_dma source(%arg9 : memref<128x128xf32, #tpu.memory_space<vmem>>) target(%dma_start3A_73 : memref<10112x128xf32, #tpu.memory_space<vmem_shared>>) offsets(%dma_start3A_70 : memref<128xi32, #tpu.memory_space<vmem>>) semaphore(%run_scoped3A : memref<!tpu.dma_semaphore, #tpu.memory_space<semaphore_mem>>) {add = true}
          %dma_wait3A_74 = arith.constant 0 : i32
          %dma_wait3A_75 = tpu.memref_slice %arg8[%mul3A_43, %dma_wait3A_74] : memref<40x128xi32, #tpu.memory_space<vmem>> -> memref<1x128xi32, #tpu.memory_space<vmem>>
          %dma_wait3A_76 = tpu.memref_squeeze %dma_wait3A_75 : memref<1x128xi32, #tpu.memory_space<vmem>> -> memref<128xi32, #tpu.memory_space<vmem>>
          %dma_wait3A_77 = arith.constant 0 : i32
          %dma_wait3A_78 = arith.constant 0 : i32
          %dma_wait3A_79 = tpu.memref_slice %arg11[%dma_wait3A_77, %dma_wait3A_78] : memref<10112x128xf32, #tpu.memory_space<vmem_shared>> -> memref<10112x128xf32, #tpu.memory_space<vmem_shared>>
          tpu.wait_indirect_dma semaphore(%run_scoped3A : memref<!tpu.dma_semaphore, #tpu.memory_space<semaphore_mem>>) src(%arg9 : memref<128x128xf32, #tpu.memory_space<vmem>>) dst(%dma_wait3A_79 : memref<10112x128xf32, #tpu.memory_space<vmem_shared>>)
          tpu.yield
        }) : () -> ()
        %lt3A_57 = arith.constant 19 : i32
        %lt3A_58 = arith.cmpi slt, %add3A_41, %lt3A_57 : i32
        %convert_element_type3A_59 = arith.extui %lt3A_58 : i1 to i32
        %cond3A_60 = arith.constant 0 : i32
        %cond3A_61 = arith.cmpi ne, %convert_element_type3A_59, %cond3A_60 : i32
        scf.if %cond3A_61 {
          %add3A_68 = arith.constant 2 : i32
          %add3A_69 = arith.addi %mul3A_43, %add3A_68 : i32
          %dma_start3A_70 = arith.constant 0 : i32
          %dma_start3A_71 = tpu.memref_slice %arg7[%add3A_69, %dma_start3A_70] : memref<40x128xi32, #tpu.memory_space<vmem>> -> memref<1x128xi32, #tpu.memory_space<vmem>>
          %dma_start3A_72 = tpu.memref_squeeze %dma_start3A_71 : memref<1x128xi32, #tpu.memory_space<vmem>> -> memref<128xi32, #tpu.memory_space<vmem>>
          %dma_start3A_73 = arith.constant 0 : i32
          %dma_start3A_74 = arith.constant 0 : i32
          %dma_start3A_75 = tpu.memref_slice %arg2[%dma_start3A_73, %dma_start3A_74] : memref<10000x128xf32, #tpu.memory_space<hbm>> -> memref<10000x128xf32, #tpu.memory_space<hbm>>
          tpu.enqueue_indirect_dma source(%dma_start3A_75 : memref<10000x128xf32, #tpu.memory_space<hbm>>) target(%arg9 : memref<128x128xf32, #tpu.memory_space<vmem>>) offsets(%dma_start3A_72 : memref<128xi32, #tpu.memory_space<vmem>>) semaphore(%arg12 : memref<!tpu.dma_semaphore, #tpu.memory_space<semaphore_mem>>)
        } else {
        }
        %dma_wait3A_62 = arith.constant 0 : i32
        %dma_wait3A_63 = tpu.memref_slice %arg7[%add3A_45, %dma_wait3A_62] : memref<40x128xi32, #tpu.memory_space<vmem>> -> memref<1x128xi32, #tpu.memory_space<vmem>>
        %dma_wait3A_64 = tpu.memref_squeeze %dma_wait3A_63 : memref<1x128xi32, #tpu.memory_space<vmem>> -> memref<128xi32, #tpu.memory_space<vmem>>
        %dma_wait3A_65 = arith.constant 0 : i32
        %dma_wait3A_66 = arith.constant 0 : i32
        %dma_wait3A_67 = tpu.memref_slice %arg2[%dma_wait3A_65, %dma_wait3A_66] : memref<10000x128xf32, #tpu.memory_space<hbm>> -> memref<10000x128xf32, #tpu.memory_space<hbm>>
        tpu.wait_indirect_dma semaphore(%arg13 : memref<!tpu.dma_semaphore, #tpu.memory_space<semaphore_mem>>) src(%dma_wait3A_67 : memref<10000x128xf32, #tpu.memory_space<hbm>>) dst(%arg10 : memref<128x128xf32, #tpu.memory_space<vmem>>)
        "tpu.region"() ({
          %run_scoped3A = tpu.sem_alloc : memref<!tpu.dma_semaphore, #tpu.memory_space<semaphore_mem>>
          %dma_start3A_68 = arith.constant 0 : i32
          %dma_start3A_69 = tpu.memref_slice %arg8[%add3A_45, %dma_start3A_68] : memref<40x128xi32, #tpu.memory_space<vmem>> -> memref<1x128xi32, #tpu.memory_space<vmem>>
          %dma_start3A_70 = tpu.memref_squeeze %dma_start3A_69 : memref<1x128xi32, #tpu.memory_space<vmem>> -> memref<128xi32, #tpu.memory_space<vmem>>
          %dma_start3A_71 = arith.constant 0 : i32
          %dma_start3A_72 = arith.constant 0 : i32
          %dma_start3A_73 = tpu.memref_slice %arg11[%dma_start3A_71, %dma_start3A_72] : memref<10112x128xf32, #tpu.memory_space<vmem_shared>> -> memref<10112x128xf32, #tpu.memory_space<vmem_shared>>
          tpu.enqueue_indirect_dma source(%arg10 : memref<128x128xf32, #tpu.memory_space<vmem>>) target(%dma_start3A_73 : memref<10112x128xf32, #tpu.memory_space<vmem_shared>>) offsets(%dma_start3A_70 : memref<128xi32, #tpu.memory_space<vmem>>) semaphore(%run_scoped3A : memref<!tpu.dma_semaphore, #tpu.memory_space<semaphore_mem>>) {add = true}
          %dma_wait3A_74 = arith.constant 0 : i32
          %dma_wait3A_75 = tpu.memref_slice %arg8[%add3A_45, %dma_wait3A_74] : memref<40x128xi32, #tpu.memory_space<vmem>> -> memref<1x128xi32, #tpu.memory_space<vmem>>
          %dma_wait3A_76 = tpu.memref_squeeze %dma_wait3A_75 : memref<1x128xi32, #tpu.memory_space<vmem>> -> memref<128xi32, #tpu.memory_space<vmem>>
          %dma_wait3A_77 = arith.constant 0 : i32
          %dma_wait3A_78 = arith.constant 0 : i32
          %dma_wait3A_79 = tpu.memref_slice %arg11[%dma_wait3A_77, %dma_wait3A_78] : memref<10112x128xf32, #tpu.memory_space<vmem_shared>> -> memref<10112x128xf32, #tpu.memory_space<vmem_shared>>
          tpu.wait_indirect_dma semaphore(%run_scoped3A : memref<!tpu.dma_semaphore, #tpu.memory_space<semaphore_mem>>) src(%arg10 : memref<128x128xf32, #tpu.memory_space<vmem>>) dst(%dma_wait3A_79 : memref<10112x128xf32, #tpu.memory_space<vmem_shared>>)
          tpu.yield
        }) : () -> ()
      }
      %scan3A_36 = arith.constant 20 : i32
    }
    %scan3A_10 = arith.constant 2 : i32
    %barrier3A_11 = arith.constant 0 : index
    tpu.barrier barrier_id(%barrier3A_11)
    %lt3A = arith.constant 15 : i32
    %lt3A_12 = arith.cmpi slt, %arg1, %lt3A : i32
    %convert_element_type3A = arith.extui %lt3A_12 : i1 to i32
    %cond3A = arith.constant 0 : i32
    %cond3A_13 = arith.cmpi ne, %convert_element_type3A, %cond3A : i32
    scf.if %cond3A_13 {
      %mul3A_18 = arith.constant 632 : i32
      %mul3A_19 = arith.muli %arg1, %mul3A_18 : i32
      %mul3A_20 = arith.constant 632 : i32
      %mul3A_21 = arith.muli %arg1, %mul3A_20 : i32
      "tpu.region"() ({
        %run_scoped3A = tpu.sem_alloc : memref<!tpu.dma_semaphore, #tpu.memory_space<semaphore_mem>>
        %dma_start3A = arith.constant 0 : i32
        %dma_start3A_22 = arith.constant 0 : i32
        %dma_start3A_23 = tpu.memref_slice %arg6[%arg0, %dma_start3A, %dma_start3A_22] : memref<2x10000x128xf32, #tpu.memory_space<hbm>> -> memref<1x10000x128xf32, #tpu.memory_space<hbm>>
        %dma_start3A_24 = tpu.memref_squeeze %dma_start3A_23 : memref<1x10000x128xf32, #tpu.memory_space<hbm>> -> memref<10000x128xf32, #tpu.memory_space<hbm>>
        %dma_start3A_25 = arith.constant 0 : i32
        %dma_start3A_26 = tpu.memref_slice %dma_start3A_24[%mul3A_21, %dma_start3A_25] : memref<10000x128xf32, #tpu.memory_space<hbm>> -> memref<632x128xf32, #tpu.memory_space<hbm>>
        %dma_start3A_27 = arith.constant 0 : i32
        %dma_start3A_28 = tpu.memref_slice %arg11[%mul3A_19, %dma_start3A_27] : memref<10112x128xf32, #tpu.memory_space<vmem_shared>> -> memref<632x128xf32, #tpu.memory_space<vmem_shared>>
        tpu.enqueue_dma source(%dma_start3A_28 : memref<632x128xf32, #tpu.memory_space<vmem_shared>>) target(%dma_start3A_26 : memref<632x128xf32, #tpu.memory_space<hbm>>) target_semaphore(%run_scoped3A : memref<!tpu.dma_semaphore, #tpu.memory_space<semaphore_mem>>)
        %dma_wait3A = arith.constant 0 : i32
        %dma_wait3A_29 = arith.constant 0 : i32
        %dma_wait3A_30 = tpu.memref_slice %arg6[%arg0, %dma_wait3A, %dma_wait3A_29] : memref<2x10000x128xf32, #tpu.memory_space<hbm>> -> memref<1x10000x128xf32, #tpu.memory_space<hbm>>
        %dma_wait3A_31 = tpu.memref_squeeze %dma_wait3A_30 : memref<1x10000x128xf32, #tpu.memory_space<hbm>> -> memref<10000x128xf32, #tpu.memory_space<hbm>>
        %dma_wait3A_32 = arith.constant 0 : i32
        %dma_wait3A_33 = tpu.memref_slice %dma_wait3A_31[%mul3A_21, %dma_wait3A_32] : memref<10000x128xf32, #tpu.memory_space<hbm>> -> memref<632x128xf32, #tpu.memory_space<hbm>>
        %dma_wait3A_34 = arith.constant 0 : i32
        %dma_wait3A_35 = tpu.memref_slice %arg11[%mul3A_19, %dma_wait3A_34] : memref<10112x128xf32, #tpu.memory_space<vmem_shared>> -> memref<632x128xf32, #tpu.memory_space<vmem_shared>>
        tpu.wait_dma2 semaphore(%run_scoped3A : memref<!tpu.dma_semaphore, #tpu.memory_space<semaphore_mem>>) src(%dma_wait3A_35 : memref<632x128xf32, #tpu.memory_space<vmem_shared>>) dst(%dma_wait3A_33 : memref<632x128xf32, #tpu.memory_space<hbm>>)
        tpu.yield
      }) : () -> ()
    } else {
    }
    %eq3A = arith.constant 15 : i32
    %eq3A_14 = arith.cmpi eq, %arg1, %eq3A : i32
    %convert_element_type3A_15 = arith.extui %eq3A_14 : i1 to i32
    %cond3A_16 = arith.constant 0 : i32
    %cond3A_17 = arith.cmpi ne, %convert_element_type3A_15, %cond3A_16 : i32
    scf.if %cond3A_17 {
      "tpu.region"() ({
        %run_scoped3A = tpu.sem_alloc : memref<!tpu.dma_semaphore, #tpu.memory_space<semaphore_mem>>
        %dma_start3A = arith.constant 0 : i32
        %dma_start3A_18 = arith.constant 0 : i32
        %dma_start3A_19 = tpu.memref_slice %arg6[%arg0, %dma_start3A, %dma_start3A_18] : memref<2x10000x128xf32, #tpu.memory_space<hbm>> -> memref<1x10000x128xf32, #tpu.memory_space<hbm>>
        %dma_start3A_20 = tpu.memref_squeeze %dma_start3A_19 : memref<1x10000x128xf32, #tpu.memory_space<hbm>> -> memref<10000x128xf32, #tpu.memory_space<hbm>>
        %dma_start3A_21 = arith.constant 9480 : i32
        %dma_start3A_22 = arith.constant 0 : i32
        %dma_start3A_23 = tpu.memref_slice %dma_start3A_20[%dma_start3A_21, %dma_start3A_22] : memref<10000x128xf32, #tpu.memory_space<hbm>> -> memref<520x128xf32, #tpu.memory_space<hbm>>
        %dma_start3A_24 = arith.constant 9480 : i32
        %dma_start3A_25 = arith.constant 0 : i32
        %dma_start3A_26 = tpu.memref_slice %arg11[%dma_start3A_24, %dma_start3A_25] : memref<10112x128xf32, #tpu.memory_space<vmem_shared>> -> memref<520x128xf32, #tpu.memory_space<vmem_shared>>
        tpu.enqueue_dma source(%dma_start3A_26 : memref<520x128xf32, #tpu.memory_space<vmem_shared>>) target(%dma_start3A_23 : memref<520x128xf32, #tpu.memory_space<hbm>>) target_semaphore(%run_scoped3A : memref<!tpu.dma_semaphore, #tpu.memory_space<semaphore_mem>>)
        %dma_wait3A = arith.constant 0 : i32
        %dma_wait3A_27 = arith.constant 0 : i32
        %dma_wait3A_28 = tpu.memref_slice %arg6[%arg0, %dma_wait3A, %dma_wait3A_27] : memref<2x10000x128xf32, #tpu.memory_space<hbm>> -> memref<1x10000x128xf32, #tpu.memory_space<hbm>>
        %dma_wait3A_29 = tpu.memref_squeeze %dma_wait3A_28 : memref<1x10000x128xf32, #tpu.memory_space<hbm>> -> memref<10000x128xf32, #tpu.memory_space<hbm>>
        %dma_wait3A_30 = arith.constant 9480 : i32
        %dma_wait3A_31 = arith.constant 0 : i32
        %dma_wait3A_32 = tpu.memref_slice %dma_wait3A_29[%dma_wait3A_30, %dma_wait3A_31] : memref<10000x128xf32, #tpu.memory_space<hbm>> -> memref<520x128xf32, #tpu.memory_space<hbm>>
        %dma_wait3A_33 = arith.constant 9480 : i32
        %dma_wait3A_34 = arith.constant 0 : i32
        %dma_wait3A_35 = tpu.memref_slice %arg11[%dma_wait3A_33, %dma_wait3A_34] : memref<10112x128xf32, #tpu.memory_space<vmem_shared>> -> memref<520x128xf32, #tpu.memory_space<vmem_shared>>
        tpu.wait_dma2 semaphore(%run_scoped3A : memref<!tpu.dma_semaphore, #tpu.memory_space<semaphore_mem>>) src(%dma_wait3A_35 : memref<520x128xf32, #tpu.memory_space<vmem_shared>>) dst(%dma_wait3A_32 : memref<520x128xf32, #tpu.memory_space<hbm>>)
        tpu.yield
      }) : () -> ()
    } else {
    }
    return
  }
}

#map = affine_map<(d0, d1) -> (0, 0)>
#map1 = affine_map<(d0, d1) -> (0, 0, 0)>
module attributes {stable_mosaic.version = 14 : i64} {
  func.func @_sc_agg_body(%arg0: i32, %arg1: i32, %arg2: memref<10000x128xf32, #tpu.memory_space<hbm>>, %arg3: memref<2560x128xi32, #tpu.memory_space<hbm>>, %arg4: memref<2560x128xi32, #tpu.memory_space<hbm>>, %arg5: memref<10112x128xf32, #tpu.memory_space<hbm>>, %arg6: memref<2x10000x128xf32, #tpu.memory_space<hbm>>, %arg7: memref<40x128xi32, #tpu.memory_space<vmem>>, %arg8: memref<40x128xi32, #tpu.memory_space<vmem>>, %arg9: memref<128x128xf32, #tpu.memory_space<vmem>>, %arg10: memref<128x128xf32, #tpu.memory_space<vmem>>, %arg11: memref<10112x128xf32, #tpu.memory_space<vmem_shared>>, %arg12: memref<!tpu.dma_semaphore, #tpu.memory_space<semaphore_mem>>, %arg13: memref<!tpu.dma_semaphore, #tpu.memory_space<semaphore_mem>>) attributes {dimension_semantics = [#tpu.dimension_semantics<core_parallel>, #tpu.dimension_semantics<subcore_parallel>], iteration_bounds = array<i64: 2, 16>, scalar_prefetch = 0 : i64, scratch_operands = 7 : i64, tpu.core_type = #tpu.core_type<sc_vector_subcore>, window_params = [{transform_indices = #map}, {transform_indices = #map}, {transform_indices = #map}, {transform_indices = #map}, {transform_indices = #map1}]} {
    %mul3A = arith.constant 16 : i32
    %mul3A_0 = arith.muli %arg0, %mul3A : i32
    %add3A = arith.addi %mul3A_0, %arg1 : i32
    %mul3A_1 = arith.constant 632 : i32
    %mul3A_2 = arith.muli %arg1, %mul3A_1 : i32
    %mul3A_3 = arith.constant 632 : i32
    %mul3A_4 = arith.muli %arg1, %mul3A_3 : i32
    "tpu.region"() ({
      %run_scoped3A = tpu.sem_alloc : memref<!tpu.dma_semaphore, #tpu.memory_space<semaphore_mem>>
      %dma_start3A = arith.constant 0 : i32
      %dma_start3A_18 = tpu.memref_slice %arg11[%mul3A_4, %dma_start3A] : memref<10112x128xf32, #tpu.memory_space<vmem_shared>> -> memref<632x128xf32, #tpu.memory_space<vmem_shared>>
      %dma_start3A_19 = arith.constant 0 : i32
      %dma_start3A_20 = tpu.memref_slice %arg5[%mul3A_2, %dma_start3A_19] : memref<10112x128xf32, #tpu.memory_space<hbm>> -> memref<632x128xf32, #tpu.memory_space<hbm>>
      tpu.enqueue_dma source(%dma_start3A_20 : memref<632x128xf32, #tpu.memory_space<hbm>>) target(%dma_start3A_18 : memref<632x128xf32, #tpu.memory_space<vmem_shared>>) target_semaphore(%run_scoped3A : memref<!tpu.dma_semaphore, #tpu.memory_space<semaphore_mem>>)
      %dma_wait3A = arith.constant 0 : i32
      %dma_wait3A_21 = tpu.memref_slice %arg11[%mul3A_4, %dma_wait3A] : memref<10112x128xf32, #tpu.memory_space<vmem_shared>> -> memref<632x128xf32, #tpu.memory_space<vmem_shared>>
      %dma_wait3A_22 = arith.constant 0 : i32
      %dma_wait3A_23 = tpu.memref_slice %arg5[%mul3A_2, %dma_wait3A_22] : memref<10112x128xf32, #tpu.memory_space<hbm>> -> memref<632x128xf32, #tpu.memory_space<hbm>>
      tpu.wait_dma2 semaphore(%run_scoped3A : memref<!tpu.dma_semaphore, #tpu.memory_space<semaphore_mem>>) src(%dma_wait3A_23 : memref<632x128xf32, #tpu.memory_space<hbm>>) dst(%dma_wait3A_21 : memref<632x128xf32, #tpu.memory_space<vmem_shared>>)
      tpu.yield
    }) : () -> ()
    %barrier3A = arith.constant 0 : index
    tpu.barrier barrier_id(%barrier3A)
    %mul3A_5 = arith.constant 80 : i32
    %mul3A_6 = arith.muli %add3A, %mul3A_5 : i32
    %scan3A = arith.constant 0 : i32
    %scan3A_7 = arith.constant 2 : i32
    %scan3A_8 = arith.addi %scan3A, %scan3A_7 : i32
    %scan3A_9 = arith.constant 1 : i32
    scf.for %scan3A_18 = %scan3A to %scan3A_8 step %scan3A_9  : i32 {
      %mul3A_19 = arith.constant 1 : i32
      %mul3A_20 = arith.muli %scan3A_18, %mul3A_19 : i32
      %add3A_21 = arith.constant 0 : i32
      %add3A_22 = arith.addi %add3A_21, %mul3A_20 : i32
      %mul3A_23 = arith.constant 40 : i32
      %mul3A_24 = arith.muli %add3A_22, %mul3A_23 : i32
      %add3A_25 = arith.addi %mul3A_6, %mul3A_24 : i32
      "tpu.region"() ({
        %run_scoped3A = tpu.sem_alloc : memref<!tpu.dma_semaphore, #tpu.memory_space<semaphore_mem>>
        %dma_start3A_37 = arith.constant 0 : i32
        %dma_start3A_38 = tpu.memref_slice %arg3[%add3A_25, %dma_start3A_37] : memref<2560x128xi32, #tpu.memory_space<hbm>> -> memref<40x128xi32, #tpu.memory_space<hbm>>
        %dma_start3A_39 = arith.constant 0 : i32
        %dma_start3A_40 = tpu.memref_slice %arg3[%add3A_25, %dma_start3A_39] : memref<2560x128xi32, #tpu.memory_space<hbm>> -> memref<40x128xi32, #tpu.memory_space<hbm>>
        tpu.enqueue_dma source(%dma_start3A_40 : memref<40x128xi32, #tpu.memory_space<hbm>>) target(%arg7 : memref<40x128xi32, #tpu.memory_space<vmem>>) target_semaphore(%run_scoped3A : memref<!tpu.dma_semaphore, #tpu.memory_space<semaphore_mem>>)
        %dma_wait3A = arith.constant 0 : i32
        %dma_wait3A_41 = tpu.memref_slice %arg3[%add3A_25, %dma_wait3A] : memref<2560x128xi32, #tpu.memory_space<hbm>> -> memref<40x128xi32, #tpu.memory_space<hbm>>
        %dma_wait3A_42 = arith.constant 0 : i32
        %dma_wait3A_43 = tpu.memref_slice %arg3[%add3A_25, %dma_wait3A_42] : memref<2560x128xi32, #tpu.memory_space<hbm>> -> memref<40x128xi32, #tpu.memory_space<hbm>>
        tpu.wait_dma2 semaphore(%run_scoped3A : memref<!tpu.dma_semaphore, #tpu.memory_space<semaphore_mem>>) src(%dma_wait3A_43 : memref<40x128xi32, #tpu.memory_space<hbm>>) dst(%arg7 : memref<40x128xi32, #tpu.memory_space<vmem>>)
        tpu.yield
      }) : () -> ()
      "tpu.region"() ({
        %run_scoped3A = tpu.sem_alloc : memref<!tpu.dma_semaphore, #tpu.memory_space<semaphore_mem>>
        %dma_start3A_37 = arith.constant 0 : i32
        %dma_start3A_38 = tpu.memref_slice %arg4[%add3A_25, %dma_start3A_37] : memref<2560x128xi32, #tpu.memory_space<hbm>> -> memref<40x128xi32, #tpu.memory_space<hbm>>
        %dma_start3A_39 = arith.constant 0 : i32
        %dma_start3A_40 = tpu.memref_slice %arg4[%add3A_25, %dma_start3A_39] : memref<2560x128xi32, #tpu.memory_space<hbm>> -> memref<40x128xi32, #tpu.memory_space<hbm>>
        tpu.enqueue_dma source(%dma_start3A_40 : memref<40x128xi32, #tpu.memory_space<hbm>>) target(%arg8 : memref<40x128xi32, #tpu.memory_space<vmem>>) target_semaphore(%run_scoped3A : memref<!tpu.dma_semaphore, #tpu.memory_space<semaphore_mem>>)
        %dma_wait3A = arith.constant 0 : i32
        %dma_wait3A_41 = tpu.memref_slice %arg4[%add3A_25, %dma_wait3A] : memref<2560x128xi32, #tpu.memory_space<hbm>> -> memref<40x128xi32, #tpu.memory_space<hbm>>
        %dma_wait3A_42 = arith.constant 0 : i32
        %dma_wait3A_43 = tpu.memref_slice %arg4[%add3A_25, %dma_wait3A_42] : memref<2560x128xi32, #tpu.memory_space<hbm>> -> memref<40x128xi32, #tpu.memory_space<hbm>>
        tpu.wait_dma2 semaphore(%run_scoped3A : memref<!tpu.dma_semaphore, #tpu.memory_space<semaphore_mem>>) src(%dma_wait3A_43 : memref<40x128xi32, #tpu.memory_space<hbm>>) dst(%arg8 : memref<40x128xi32, #tpu.memory_space<vmem>>)
        tpu.yield
      }) : () -> ()
      %dma_start3A = arith.constant 0 : i32
      %dma_start3A_26 = arith.constant 0 : i32
      %dma_start3A_27 = tpu.memref_slice %arg7[%dma_start3A, %dma_start3A_26] : memref<40x128xi32, #tpu.memory_space<vmem>> -> memref<1x128xi32, #tpu.memory_space<vmem>>
      %dma_start3A_28 = tpu.memref_squeeze %dma_start3A_27 : memref<1x128xi32, #tpu.memory_space<vmem>> -> memref<128xi32, #tpu.memory_space<vmem>>
      %dma_start3A_29 = arith.constant 0 : i32
      %dma_start3A_30 = arith.constant 0 : i32
      %dma_start3A_31 = tpu.memref_slice %arg2[%dma_start3A_29, %dma_start3A_30] : memref<10000x128xf32, #tpu.memory_space<hbm>> -> memref<10000x128xf32, #tpu.memory_space<hbm>>
      tpu.enqueue_indirect_dma source(%dma_start3A_31 : memref<10000x128xf32, #tpu.memory_space<hbm>>) target(%arg9 : memref<128x128xf32, #tpu.memory_space<vmem>>) offsets(%dma_start3A_28 : memref<128xi32, #tpu.memory_space<vmem>>) semaphore(%arg12 : memref<!tpu.dma_semaphore, #tpu.memory_space<semaphore_mem>>)
      %scan3A_32 = arith.constant 0 : i32
      %scan3A_33 = arith.constant 20 : i32
      %scan3A_34 = arith.addi %scan3A_32, %scan3A_33 : i32
      %scan3A_35 = arith.constant 1 : i32
      scf.for %scan3A_37 = %scan3A_32 to %scan3A_34 step %scan3A_35  : i32 {
        %mul3A_38 = arith.constant 1 : i32
        %mul3A_39 = arith.muli %scan3A_37, %mul3A_38 : i32
        %add3A_40 = arith.constant 0 : i32
        %add3A_41 = arith.addi %add3A_40, %mul3A_39 : i32
        %mul3A_42 = arith.constant 2 : i32
        %mul3A_43 = arith.muli %add3A_41, %mul3A_42 : i32
        %add3A_44 = arith.constant 1 : i32
        %add3A_45 = arith.addi %mul3A_43, %add3A_44 : i32
        %dma_start3A_46 = arith.constant 0 : i32
        %dma_start3A_47 = tpu.memref_slice %arg7[%add3A_45, %dma_start3A_46] : memref<40x128xi32, #tpu.memory_space<vmem>> -> memref<1x128xi32, #tpu.memory_space<vmem>>
        %dma_start3A_48 = tpu.memref_squeeze %dma_start3A_47 : memref<1x128xi32, #tpu.memory_space<vmem>> -> memref<128xi32, #tpu.memory_space<vmem>>
        %dma_start3A_49 = arith.constant 0 : i32
        %dma_start3A_50 = arith.constant 0 : i32
        %dma_start3A_51 = tpu.memref_slice %arg2[%dma_start3A_49, %dma_start3A_50] : memref<10000x128xf32, #tpu.memory_space<hbm>> -> memref<10000x128xf32, #tpu.memory_space<hbm>>
        tpu.enqueue_indirect_dma source(%dma_start3A_51 : memref<10000x128xf32, #tpu.memory_space<hbm>>) target(%arg10 : memref<128x128xf32, #tpu.memory_space<vmem>>) offsets(%dma_start3A_48 : memref<128xi32, #tpu.memory_space<vmem>>) semaphore(%arg13 : memref<!tpu.dma_semaphore, #tpu.memory_space<semaphore_mem>>)
        %dma_wait3A = arith.constant 0 : i32
        %dma_wait3A_52 = tpu.memref_slice %arg7[%mul3A_43, %dma_wait3A] : memref<40x128xi32, #tpu.memory_space<vmem>> -> memref<1x128xi32, #tpu.memory_space<vmem>>
        %dma_wait3A_53 = tpu.memref_squeeze %dma_wait3A_52 : memref<1x128xi32, #tpu.memory_space<vmem>> -> memref<128xi32, #tpu.memory_space<vmem>>
        %dma_wait3A_54 = arith.constant 0 : i32
        %dma_wait3A_55 = arith.constant 0 : i32
        %dma_wait3A_56 = tpu.memref_slice %arg2[%dma_wait3A_54, %dma_wait3A_55] : memref<10000x128xf32, #tpu.memory_space<hbm>> -> memref<10000x128xf32, #tpu.memory_space<hbm>>
        tpu.wait_indirect_dma semaphore(%arg12 : memref<!tpu.dma_semaphore, #tpu.memory_space<semaphore_mem>>) src(%dma_wait3A_56 : memref<10000x128xf32, #tpu.memory_space<hbm>>) dst(%arg9 : memref<128x128xf32, #tpu.memory_space<vmem>>)
        "tpu.region"() ({
          %run_scoped3A = tpu.sem_alloc : memref<!tpu.dma_semaphore, #tpu.memory_space<semaphore_mem>>
          %dma_start3A_68 = arith.constant 0 : i32
          %dma_start3A_69 = tpu.memref_slice %arg8[%mul3A_43, %dma_start3A_68] : memref<40x128xi32, #tpu.memory_space<vmem>> -> memref<1x128xi32, #tpu.memory_space<vmem>>
          %dma_start3A_70 = tpu.memref_squeeze %dma_start3A_69 : memref<1x128xi32, #tpu.memory_space<vmem>> -> memref<128xi32, #tpu.memory_space<vmem>>
          %dma_start3A_71 = arith.constant 0 : i32
          %dma_start3A_72 = arith.constant 0 : i32
          %dma_start3A_73 = tpu.memref_slice %arg11[%dma_start3A_71, %dma_start3A_72] : memref<10112x128xf32, #tpu.memory_space<vmem_shared>> -> memref<10112x128xf32, #tpu.memory_space<vmem_shared>>
          tpu.enqueue_indirect_dma source(%arg9 : memref<128x128xf32, #tpu.memory_space<vmem>>) target(%dma_start3A_73 : memref<10112x128xf32, #tpu.memory_space<vmem_shared>>) offsets(%dma_start3A_70 : memref<128xi32, #tpu.memory_space<vmem>>) semaphore(%run_scoped3A : memref<!tpu.dma_semaphore, #tpu.memory_space<semaphore_mem>>) {add = true}
          %dma_wait3A_74 = arith.constant 0 : i32
          %dma_wait3A_75 = tpu.memref_slice %arg8[%mul3A_43, %dma_wait3A_74] : memref<40x128xi32, #tpu.memory_space<vmem>> -> memref<1x128xi32, #tpu.memory_space<vmem>>
          %dma_wait3A_76 = tpu.memref_squeeze %dma_wait3A_75 : memref<1x128xi32, #tpu.memory_space<vmem>> -> memref<128xi32, #tpu.memory_space<vmem>>
          %dma_wait3A_77 = arith.constant 0 : i32
          %dma_wait3A_78 = arith.constant 0 : i32
          %dma_wait3A_79 = tpu.memref_slice %arg11[%dma_wait3A_77, %dma_wait3A_78] : memref<10112x128xf32, #tpu.memory_space<vmem_shared>> -> memref<10112x128xf32, #tpu.memory_space<vmem_shared>>
          tpu.wait_indirect_dma semaphore(%run_scoped3A : memref<!tpu.dma_semaphore, #tpu.memory_space<semaphore_mem>>) src(%arg9 : memref<128x128xf32, #tpu.memory_space<vmem>>) dst(%dma_wait3A_79 : memref<10112x128xf32, #tpu.memory_space<vmem_shared>>)
          tpu.yield
        }) : () -> ()
        %lt3A_57 = arith.constant 19 : i32
        %lt3A_58 = arith.cmpi slt, %add3A_41, %lt3A_57 : i32
        %convert_element_type3A_59 = arith.extui %lt3A_58 : i1 to i32
        %cond3A_60 = arith.constant 0 : i32
        %cond3A_61 = arith.cmpi ne, %convert_element_type3A_59, %cond3A_60 : i32
        scf.if %cond3A_61 {
          %add3A_68 = arith.constant 2 : i32
          %add3A_69 = arith.addi %mul3A_43, %add3A_68 : i32
          %dma_start3A_70 = arith.constant 0 : i32
          %dma_start3A_71 = tpu.memref_slice %arg7[%add3A_69, %dma_start3A_70] : memref<40x128xi32, #tpu.memory_space<vmem>> -> memref<1x128xi32, #tpu.memory_space<vmem>>
          %dma_start3A_72 = tpu.memref_squeeze %dma_start3A_71 : memref<1x128xi32, #tpu.memory_space<vmem>> -> memref<128xi32, #tpu.memory_space<vmem>>
          %dma_start3A_73 = arith.constant 0 : i32
          %dma_start3A_74 = arith.constant 0 : i32
          %dma_start3A_75 = tpu.memref_slice %arg2[%dma_start3A_73, %dma_start3A_74] : memref<10000x128xf32, #tpu.memory_space<hbm>> -> memref<10000x128xf32, #tpu.memory_space<hbm>>
          tpu.enqueue_indirect_dma source(%dma_start3A_75 : memref<10000x128xf32, #tpu.memory_space<hbm>>) target(%arg9 : memref<128x128xf32, #tpu.memory_space<vmem>>) offsets(%dma_start3A_72 : memref<128xi32, #tpu.memory_space<vmem>>) semaphore(%arg12 : memref<!tpu.dma_semaphore, #tpu.memory_space<semaphore_mem>>)
        } else {
        }
        %dma_wait3A_62 = arith.constant 0 : i32
        %dma_wait3A_63 = tpu.memref_slice %arg7[%add3A_45, %dma_wait3A_62] : memref<40x128xi32, #tpu.memory_space<vmem>> -> memref<1x128xi32, #tpu.memory_space<vmem>>
        %dma_wait3A_64 = tpu.memref_squeeze %dma_wait3A_63 : memref<1x128xi32, #tpu.memory_space<vmem>> -> memref<128xi32, #tpu.memory_space<vmem>>
        %dma_wait3A_65 = arith.constant 0 : i32
        %dma_wait3A_66 = arith.constant 0 : i32
        %dma_wait3A_67 = tpu.memref_slice %arg2[%dma_wait3A_65, %dma_wait3A_66] : memref<10000x128xf32, #tpu.memory_space<hbm>> -> memref<10000x128xf32, #tpu.memory_space<hbm>>
        tpu.wait_indirect_dma semaphore(%arg13 : memref<!tpu.dma_semaphore, #tpu.memory_space<semaphore_mem>>) src(%dma_wait3A_67 : memref<10000x128xf32, #tpu.memory_space<hbm>>) dst(%arg10 : memref<128x128xf32, #tpu.memory_space<vmem>>)
        "tpu.region"() ({
          %run_scoped3A = tpu.sem_alloc : memref<!tpu.dma_semaphore, #tpu.memory_space<semaphore_mem>>
          %dma_start3A_68 = arith.constant 0 : i32
          %dma_start3A_69 = tpu.memref_slice %arg8[%add3A_45, %dma_start3A_68] : memref<40x128xi32, #tpu.memory_space<vmem>> -> memref<1x128xi32, #tpu.memory_space<vmem>>
          %dma_start3A_70 = tpu.memref_squeeze %dma_start3A_69 : memref<1x128xi32, #tpu.memory_space<vmem>> -> memref<128xi32, #tpu.memory_space<vmem>>
          %dma_start3A_71 = arith.constant 0 : i32
          %dma_start3A_72 = arith.constant 0 : i32
          %dma_start3A_73 = tpu.memref_slice %arg11[%dma_start3A_71, %dma_start3A_72] : memref<10112x128xf32, #tpu.memory_space<vmem_shared>> -> memref<10112x128xf32, #tpu.memory_space<vmem_shared>>
          tpu.enqueue_indirect_dma source(%arg10 : memref<128x128xf32, #tpu.memory_space<vmem>>) target(%dma_start3A_73 : memref<10112x128xf32, #tpu.memory_space<vmem_shared>>) offsets(%dma_start3A_70 : memref<128xi32, #tpu.memory_space<vmem>>) semaphore(%run_scoped3A : memref<!tpu.dma_semaphore, #tpu.memory_space<semaphore_mem>>) {add = true}
          %dma_wait3A_74 = arith.constant 0 : i32
          %dma_wait3A_75 = tpu.memref_slice %arg8[%add3A_45, %dma_wait3A_74] : memref<40x128xi32, #tpu.memory_space<vmem>> -> memref<1x128xi32, #tpu.memory_space<vmem>>
          %dma_wait3A_76 = tpu.memref_squeeze %dma_wait3A_75 : memref<1x128xi32, #tpu.memory_space<vmem>> -> memref<128xi32, #tpu.memory_space<vmem>>
          %dma_wait3A_77 = arith.constant 0 : i32
          %dma_wait3A_78 = arith.constant 0 : i32
          %dma_wait3A_79 = tpu.memref_slice %arg11[%dma_wait3A_77, %dma_wait3A_78] : memref<10112x128xf32, #tpu.memory_space<vmem_shared>> -> memref<10112x128xf32, #tpu.memory_space<vmem_shared>>
          tpu.wait_indirect_dma semaphore(%run_scoped3A : memref<!tpu.dma_semaphore, #tpu.memory_space<semaphore_mem>>) src(%arg10 : memref<128x128xf32, #tpu.memory_space<vmem>>) dst(%dma_wait3A_79 : memref<10112x128xf32, #tpu.memory_space<vmem_shared>>)
          tpu.yield
        }) : () -> ()
      }
      %scan3A_36 = arith.constant 20 : i32
    }
    %scan3A_10 = arith.constant 2 : i32
    %barrier3A_11 = arith.constant 0 : index
    tpu.barrier barrier_id(%barrier3A_11)
    %lt3A = arith.constant 15 : i32
    %lt3A_12 = arith.cmpi slt, %arg1, %lt3A : i32
    %convert_element_type3A = arith.extui %lt3A_12 : i1 to i32
    %cond3A = arith.constant 0 : i32
    %cond3A_13 = arith.cmpi ne, %convert_element_type3A, %cond3A : i32
    scf.if %cond3A_13 {
      %mul3A_18 = arith.constant 632 : i32
      %mul3A_19 = arith.muli %arg1, %mul3A_18 : i32
      %mul3A_20 = arith.constant 632 : i32
      %mul3A_21 = arith.muli %arg1, %mul3A_20 : i32
      "tpu.region"() ({
        %run_scoped3A = tpu.sem_alloc : memref<!tpu.dma_semaphore, #tpu.memory_space<semaphore_mem>>
        %dma_start3A = arith.constant 0 : i32
        %dma_start3A_22 = arith.constant 0 : i32
        %dma_start3A_23 = tpu.memref_slice %arg6[%arg0, %dma_start3A, %dma_start3A_22] : memref<2x10000x128xf32, #tpu.memory_space<hbm>> -> memref<1x10000x128xf32, #tpu.memory_space<hbm>>
        %dma_start3A_24 = tpu.memref_squeeze %dma_start3A_23 : memref<1x10000x128xf32, #tpu.memory_space<hbm>> -> memref<10000x128xf32, #tpu.memory_space<hbm>>
        %dma_start3A_25 = arith.constant 0 : i32
        %dma_start3A_26 = tpu.memref_slice %dma_start3A_24[%mul3A_21, %dma_start3A_25] : memref<10000x128xf32, #tpu.memory_space<hbm>> -> memref<632x128xf32, #tpu.memory_space<hbm>>
        %dma_start3A_27 = arith.constant 0 : i32
        %dma_start3A_28 = tpu.memref_slice %arg11[%mul3A_19, %dma_start3A_27] : memref<10112x128xf32, #tpu.memory_space<vmem_shared>> -> memref<632x128xf32, #tpu.memory_space<vmem_shared>>
        tpu.enqueue_dma source(%dma_start3A_28 : memref<632x128xf32, #tpu.memory_space<vmem_shared>>) target(%dma_start3A_26 : memref<632x128xf32, #tpu.memory_space<hbm>>) target_semaphore(%run_scoped3A : memref<!tpu.dma_semaphore, #tpu.memory_space<semaphore_mem>>)
        %dma_wait3A = arith.constant 0 : i32
        %dma_wait3A_29 = arith.constant 0 : i32
        %dma_wait3A_30 = tpu.memref_slice %arg6[%arg0, %dma_wait3A, %dma_wait3A_29] : memref<2x10000x128xf32, #tpu.memory_space<hbm>> -> memref<1x10000x128xf32, #tpu.memory_space<hbm>>
        %dma_wait3A_31 = tpu.memref_squeeze %dma_wait3A_30 : memref<1x10000x128xf32, #tpu.memory_space<hbm>> -> memref<10000x128xf32, #tpu.memory_space<hbm>>
        %dma_wait3A_32 = arith.constant 0 : i32
        %dma_wait3A_33 = tpu.memref_slice %dma_wait3A_31[%mul3A_21, %dma_wait3A_32] : memref<10000x128xf32, #tpu.memory_space<hbm>> -> memref<632x128xf32, #tpu.memory_space<hbm>>
        %dma_wait3A_34 = arith.constant 0 : i32
        %dma_wait3A_35 = tpu.memref_slice %arg11[%mul3A_19, %dma_wait3A_34] : memref<10112x128xf32, #tpu.memory_space<vmem_shared>> -> memref<632x128xf32, #tpu.memory_space<vmem_shared>>
        tpu.wait_dma2 semaphore(%run_scoped3A : memref<!tpu.dma_semaphore, #tpu.memory_space<semaphore_mem>>) src(%dma_wait3A_35 : memref<632x128xf32, #tpu.memory_space<vmem_shared>>) dst(%dma_wait3A_33 : memref<632x128xf32, #tpu.memory_space<hbm>>)
        tpu.yield
      }) : () -> ()
    } else {
    }
    %eq3A = arith.constant 15 : i32
    %eq3A_14 = arith.cmpi eq, %arg1, %eq3A : i32
    %convert_element_type3A_15 = arith.extui %eq3A_14 : i1 to i32
    %cond3A_16 = arith.constant 0 : i32
    %cond3A_17 = arith.cmpi ne, %convert_element_type3A_15, %cond3A_16 : i32
    scf.if %cond3A_17 {
      "tpu.region"() ({
        %run_scoped3A = tpu.sem_alloc : memref<!tpu.dma_semaphore, #tpu.memory_space<semaphore_mem>>
        %dma_start3A = arith.constant 0 : i32
        %dma_start3A_18 = arith.constant 0 : i32
        %dma_start3A_19 = tpu.memref_slice %arg6[%arg0, %dma_start3A, %dma_start3A_18] : memref<2x10000x128xf32, #tpu.memory_space<hbm>> -> memref<1x10000x128xf32, #tpu.memory_space<hbm>>
        %dma_start3A_20 = tpu.memref_squeeze %dma_start3A_19 : memref<1x10000x128xf32, #tpu.memory_space<hbm>> -> memref<10000x128xf32, #tpu.memory_space<hbm>>
        %dma_start3A_21 = arith.constant 9480 : i32
        %dma_start3A_22 = arith.constant 0 : i32
        %dma_start3A_23 = tpu.memref_slice %dma_start3A_20[%dma_start3A_21, %dma_start3A_22] : memref<10000x128xf32, #tpu.memory_space<hbm>> -> memref<520x128xf32, #tpu.memory_space<hbm>>
        %dma_start3A_24 = arith.constant 9480 : i32
        %dma_start3A_25 = arith.constant 0 : i32
        %dma_start3A_26 = tpu.memref_slice %arg11[%dma_start3A_24, %dma_start3A_25] : memref<10112x128xf32, #tpu.memory_space<vmem_shared>> -> memref<520x128xf32, #tpu.memory_space<vmem_shared>>
        tpu.enqueue_dma source(%dma_start3A_26 : memref<520x128xf32, #tpu.memory_space<vmem_shared>>) target(%dma_start3A_23 : memref<520x128xf32, #tpu.memory_space<hbm>>) target_semaphore(%run_scoped3A : memref<!tpu.dma_semaphore, #tpu.memory_space<semaphore_mem>>)
        %dma_wait3A = arith.constant 0 : i32
        %dma_wait3A_27 = arith.constant 0 : i32
        %dma_wait3A_28 = tpu.memref_slice %arg6[%arg0, %dma_wait3A, %dma_wait3A_27] : memref<2x10000x128xf32, #tpu.memory_space<hbm>> -> memref<1x10000x128xf32, #tpu.memory_space<hbm>>
        %dma_wait3A_29 = tpu.memref_squeeze %dma_wait3A_28 : memref<1x10000x128xf32, #tpu.memory_space<hbm>> -> memref<10000x128xf32, #tpu.memory_space<hbm>>
        %dma_wait3A_30 = arith.constant 9480 : i32
        %dma_wait3A_31 = arith.constant 0 : i32
        %dma_wait3A_32 = tpu.memref_slice %dma_wait3A_29[%dma_wait3A_30, %dma_wait3A_31] : memref<10000x128xf32, #tpu.memory_space<hbm>> -> memref<520x128xf32, #tpu.memory_space<hbm>>
        %dma_wait3A_33 = arith.constant 9480 : i32
        %dma_wait3A_34 = arith.constant 0 : i32
        %dma_wait3A_35 = tpu.memref_slice %arg11[%dma_wait3A_33, %dma_wait3A_34] : memref<10112x128xf32, #tpu.memory_space<vmem_shared>> -> memref<520x128xf32, #tpu.memory_space<vmem_shared>>
        tpu.wait_dma2 semaphore(%run_scoped3A : memref<!tpu.dma_semaphore, #tpu.memory_space<semaphore_mem>>) src(%dma_wait3A_35 : memref<520x128xf32, #tpu.memory_space<vmem_shared>>) dst(%dma_wait3A_32 : memref<520x128xf32, #tpu.memory_space<hbm>>)
        tpu.yield
      }) : () -> ()
    } else {
    }
    return
  }
}

#map = affine_map<(d0, d1) -> (0, 0)>
#map1 = affine_map<(d0, d1) -> (0, 0, 0)>
module attributes {stable_mosaic.version = 14 : i64} {
  func.func @_sc_agg_body(%arg0: i32, %arg1: i32, %arg2: memref<10000x128xf32, #tpu.memory_space<hbm>>, %arg3: memref<2560x128xi32, #tpu.memory_space<hbm>>, %arg4: memref<2560x128xi32, #tpu.memory_space<hbm>>, %arg5: memref<10112x128xf32, #tpu.memory_space<hbm>>, %arg6: memref<2x10000x128xf32, #tpu.memory_space<hbm>>, %arg7: memref<40x128xi32, #tpu.memory_space<vmem>>, %arg8: memref<40x128xi32, #tpu.memory_space<vmem>>, %arg9: memref<128x128xf32, #tpu.memory_space<vmem>>, %arg10: memref<128x128xf32, #tpu.memory_space<vmem>>, %arg11: memref<10112x128xf32, #tpu.memory_space<vmem_shared>>, %arg12: memref<!tpu.dma_semaphore, #tpu.memory_space<semaphore_mem>>, %arg13: memref<!tpu.dma_semaphore, #tpu.memory_space<semaphore_mem>>) attributes {dimension_semantics = [#tpu.dimension_semantics<core_parallel>, #tpu.dimension_semantics<subcore_parallel>], iteration_bounds = array<i64: 2, 16>, scalar_prefetch = 0 : i64, scratch_operands = 7 : i64, tpu.core_type = #tpu.core_type<sc_vector_subcore>, window_params = [{transform_indices = #map}, {transform_indices = #map}, {transform_indices = #map}, {transform_indices = #map}, {transform_indices = #map1}]} {
    %mul3A = arith.constant 16 : i32
    %mul3A_0 = arith.muli %arg0, %mul3A : i32
    %add3A = arith.addi %mul3A_0, %arg1 : i32
    %mul3A_1 = arith.constant 632 : i32
    %mul3A_2 = arith.muli %arg1, %mul3A_1 : i32
    %mul3A_3 = arith.constant 632 : i32
    %mul3A_4 = arith.muli %arg1, %mul3A_3 : i32
    "tpu.region"() ({
      %run_scoped3A = tpu.sem_alloc : memref<!tpu.dma_semaphore, #tpu.memory_space<semaphore_mem>>
      %dma_start3A = arith.constant 0 : i32
      %dma_start3A_18 = tpu.memref_slice %arg11[%mul3A_4, %dma_start3A] : memref<10112x128xf32, #tpu.memory_space<vmem_shared>> -> memref<632x128xf32, #tpu.memory_space<vmem_shared>>
      %dma_start3A_19 = arith.constant 0 : i32
      %dma_start3A_20 = tpu.memref_slice %arg5[%mul3A_2, %dma_start3A_19] : memref<10112x128xf32, #tpu.memory_space<hbm>> -> memref<632x128xf32, #tpu.memory_space<hbm>>
      tpu.enqueue_dma source(%dma_start3A_20 : memref<632x128xf32, #tpu.memory_space<hbm>>) target(%dma_start3A_18 : memref<632x128xf32, #tpu.memory_space<vmem_shared>>) target_semaphore(%run_scoped3A : memref<!tpu.dma_semaphore, #tpu.memory_space<semaphore_mem>>)
      %dma_wait3A = arith.constant 0 : i32
      %dma_wait3A_21 = tpu.memref_slice %arg11[%mul3A_4, %dma_wait3A] : memref<10112x128xf32, #tpu.memory_space<vmem_shared>> -> memref<632x128xf32, #tpu.memory_space<vmem_shared>>
      %dma_wait3A_22 = arith.constant 0 : i32
      %dma_wait3A_23 = tpu.memref_slice %arg5[%mul3A_2, %dma_wait3A_22] : memref<10112x128xf32, #tpu.memory_space<hbm>> -> memref<632x128xf32, #tpu.memory_space<hbm>>
      tpu.wait_dma2 semaphore(%run_scoped3A : memref<!tpu.dma_semaphore, #tpu.memory_space<semaphore_mem>>) src(%dma_wait3A_23 : memref<632x128xf32, #tpu.memory_space<hbm>>) dst(%dma_wait3A_21 : memref<632x128xf32, #tpu.memory_space<vmem_shared>>)
      tpu.yield
    }) : () -> ()
    %barrier3A = arith.constant 0 : index
    tpu.barrier barrier_id(%barrier3A)
    %mul3A_5 = arith.constant 80 : i32
    %mul3A_6 = arith.muli %add3A, %mul3A_5 : i32
    %scan3A = arith.constant 0 : i32
    %scan3A_7 = arith.constant 2 : i32
    %scan3A_8 = arith.addi %scan3A, %scan3A_7 : i32
    %scan3A_9 = arith.constant 1 : i32
    scf.for %scan3A_18 = %scan3A to %scan3A_8 step %scan3A_9  : i32 {
      %mul3A_19 = arith.constant 1 : i32
      %mul3A_20 = arith.muli %scan3A_18, %mul3A_19 : i32
      %add3A_21 = arith.constant 0 : i32
      %add3A_22 = arith.addi %add3A_21, %mul3A_20 : i32
      %mul3A_23 = arith.constant 40 : i32
      %mul3A_24 = arith.muli %add3A_22, %mul3A_23 : i32
      %add3A_25 = arith.addi %mul3A_6, %mul3A_24 : i32
      "tpu.region"() ({
        %run_scoped3A = tpu.sem_alloc : memref<!tpu.dma_semaphore, #tpu.memory_space<semaphore_mem>>
        %dma_start3A_37 = arith.constant 0 : i32
        %dma_start3A_38 = tpu.memref_slice %arg3[%add3A_25, %dma_start3A_37] : memref<2560x128xi32, #tpu.memory_space<hbm>> -> memref<40x128xi32, #tpu.memory_space<hbm>>
        %dma_start3A_39 = arith.constant 0 : i32
        %dma_start3A_40 = tpu.memref_slice %arg3[%add3A_25, %dma_start3A_39] : memref<2560x128xi32, #tpu.memory_space<hbm>> -> memref<40x128xi32, #tpu.memory_space<hbm>>
        tpu.enqueue_dma source(%dma_start3A_40 : memref<40x128xi32, #tpu.memory_space<hbm>>) target(%arg7 : memref<40x128xi32, #tpu.memory_space<vmem>>) target_semaphore(%run_scoped3A : memref<!tpu.dma_semaphore, #tpu.memory_space<semaphore_mem>>)
        %dma_wait3A = arith.constant 0 : i32
        %dma_wait3A_41 = tpu.memref_slice %arg3[%add3A_25, %dma_wait3A] : memref<2560x128xi32, #tpu.memory_space<hbm>> -> memref<40x128xi32, #tpu.memory_space<hbm>>
        %dma_wait3A_42 = arith.constant 0 : i32
        %dma_wait3A_43 = tpu.memref_slice %arg3[%add3A_25, %dma_wait3A_42] : memref<2560x128xi32, #tpu.memory_space<hbm>> -> memref<40x128xi32, #tpu.memory_space<hbm>>
        tpu.wait_dma2 semaphore(%run_scoped3A : memref<!tpu.dma_semaphore, #tpu.memory_space<semaphore_mem>>) src(%dma_wait3A_43 : memref<40x128xi32, #tpu.memory_space<hbm>>) dst(%arg7 : memref<40x128xi32, #tpu.memory_space<vmem>>)
        tpu.yield
      }) : () -> ()
      "tpu.region"() ({
        %run_scoped3A = tpu.sem_alloc : memref<!tpu.dma_semaphore, #tpu.memory_space<semaphore_mem>>
        %dma_start3A_37 = arith.constant 0 : i32
        %dma_start3A_38 = tpu.memref_slice %arg4[%add3A_25, %dma_start3A_37] : memref<2560x128xi32, #tpu.memory_space<hbm>> -> memref<40x128xi32, #tpu.memory_space<hbm>>
        %dma_start3A_39 = arith.constant 0 : i32
        %dma_start3A_40 = tpu.memref_slice %arg4[%add3A_25, %dma_start3A_39] : memref<2560x128xi32, #tpu.memory_space<hbm>> -> memref<40x128xi32, #tpu.memory_space<hbm>>
        tpu.enqueue_dma source(%dma_start3A_40 : memref<40x128xi32, #tpu.memory_space<hbm>>) target(%arg8 : memref<40x128xi32, #tpu.memory_space<vmem>>) target_semaphore(%run_scoped3A : memref<!tpu.dma_semaphore, #tpu.memory_space<semaphore_mem>>)
        %dma_wait3A = arith.constant 0 : i32
        %dma_wait3A_41 = tpu.memref_slice %arg4[%add3A_25, %dma_wait3A] : memref<2560x128xi32, #tpu.memory_space<hbm>> -> memref<40x128xi32, #tpu.memory_space<hbm>>
        %dma_wait3A_42 = arith.constant 0 : i32
        %dma_wait3A_43 = tpu.memref_slice %arg4[%add3A_25, %dma_wait3A_42] : memref<2560x128xi32, #tpu.memory_space<hbm>> -> memref<40x128xi32, #tpu.memory_space<hbm>>
        tpu.wait_dma2 semaphore(%run_scoped3A : memref<!tpu.dma_semaphore, #tpu.memory_space<semaphore_mem>>) src(%dma_wait3A_43 : memref<40x128xi32, #tpu.memory_space<hbm>>) dst(%arg8 : memref<40x128xi32, #tpu.memory_space<vmem>>)
        tpu.yield
      }) : () -> ()
      %dma_start3A = arith.constant 0 : i32
      %dma_start3A_26 = arith.constant 0 : i32
      %dma_start3A_27 = tpu.memref_slice %arg7[%dma_start3A, %dma_start3A_26] : memref<40x128xi32, #tpu.memory_space<vmem>> -> memref<1x128xi32, #tpu.memory_space<vmem>>
      %dma_start3A_28 = tpu.memref_squeeze %dma_start3A_27 : memref<1x128xi32, #tpu.memory_space<vmem>> -> memref<128xi32, #tpu.memory_space<vmem>>
      %dma_start3A_29 = arith.constant 0 : i32
      %dma_start3A_30 = arith.constant 0 : i32
      %dma_start3A_31 = tpu.memref_slice %arg2[%dma_start3A_29, %dma_start3A_30] : memref<10000x128xf32, #tpu.memory_space<hbm>> -> memref<10000x128xf32, #tpu.memory_space<hbm>>
      tpu.enqueue_indirect_dma source(%dma_start3A_31 : memref<10000x128xf32, #tpu.memory_space<hbm>>) target(%arg9 : memref<128x128xf32, #tpu.memory_space<vmem>>) offsets(%dma_start3A_28 : memref<128xi32, #tpu.memory_space<vmem>>) semaphore(%arg12 : memref<!tpu.dma_semaphore, #tpu.memory_space<semaphore_mem>>)
      %scan3A_32 = arith.constant 0 : i32
      %scan3A_33 = arith.constant 20 : i32
      %scan3A_34 = arith.addi %scan3A_32, %scan3A_33 : i32
      %scan3A_35 = arith.constant 1 : i32
      scf.for %scan3A_37 = %scan3A_32 to %scan3A_34 step %scan3A_35  : i32 {
        %mul3A_38 = arith.constant 1 : i32
        %mul3A_39 = arith.muli %scan3A_37, %mul3A_38 : i32
        %add3A_40 = arith.constant 0 : i32
        %add3A_41 = arith.addi %add3A_40, %mul3A_39 : i32
        %mul3A_42 = arith.constant 2 : i32
        %mul3A_43 = arith.muli %add3A_41, %mul3A_42 : i32
        %add3A_44 = arith.constant 1 : i32
        %add3A_45 = arith.addi %mul3A_43, %add3A_44 : i32
        %dma_start3A_46 = arith.constant 0 : i32
        %dma_start3A_47 = tpu.memref_slice %arg7[%add3A_45, %dma_start3A_46] : memref<40x128xi32, #tpu.memory_space<vmem>> -> memref<1x128xi32, #tpu.memory_space<vmem>>
        %dma_start3A_48 = tpu.memref_squeeze %dma_start3A_47 : memref<1x128xi32, #tpu.memory_space<vmem>> -> memref<128xi32, #tpu.memory_space<vmem>>
        %dma_start3A_49 = arith.constant 0 : i32
        %dma_start3A_50 = arith.constant 0 : i32
        %dma_start3A_51 = tpu.memref_slice %arg2[%dma_start3A_49, %dma_start3A_50] : memref<10000x128xf32, #tpu.memory_space<hbm>> -> memref<10000x128xf32, #tpu.memory_space<hbm>>
        tpu.enqueue_indirect_dma source(%dma_start3A_51 : memref<10000x128xf32, #tpu.memory_space<hbm>>) target(%arg10 : memref<128x128xf32, #tpu.memory_space<vmem>>) offsets(%dma_start3A_48 : memref<128xi32, #tpu.memory_space<vmem>>) semaphore(%arg13 : memref<!tpu.dma_semaphore, #tpu.memory_space<semaphore_mem>>)
        %dma_wait3A = arith.constant 0 : i32
        %dma_wait3A_52 = tpu.memref_slice %arg7[%mul3A_43, %dma_wait3A] : memref<40x128xi32, #tpu.memory_space<vmem>> -> memref<1x128xi32, #tpu.memory_space<vmem>>
        %dma_wait3A_53 = tpu.memref_squeeze %dma_wait3A_52 : memref<1x128xi32, #tpu.memory_space<vmem>> -> memref<128xi32, #tpu.memory_space<vmem>>
        %dma_wait3A_54 = arith.constant 0 : i32
        %dma_wait3A_55 = arith.constant 0 : i32
        %dma_wait3A_56 = tpu.memref_slice %arg2[%dma_wait3A_54, %dma_wait3A_55] : memref<10000x128xf32, #tpu.memory_space<hbm>> -> memref<10000x128xf32, #tpu.memory_space<hbm>>
        tpu.wait_indirect_dma semaphore(%arg12 : memref<!tpu.dma_semaphore, #tpu.memory_space<semaphore_mem>>) src(%dma_wait3A_56 : memref<10000x128xf32, #tpu.memory_space<hbm>>) dst(%arg9 : memref<128x128xf32, #tpu.memory_space<vmem>>)
        "tpu.region"() ({
          %run_scoped3A = tpu.sem_alloc : memref<!tpu.dma_semaphore, #tpu.memory_space<semaphore_mem>>
          %dma_start3A_68 = arith.constant 0 : i32
          %dma_start3A_69 = tpu.memref_slice %arg8[%mul3A_43, %dma_start3A_68] : memref<40x128xi32, #tpu.memory_space<vmem>> -> memref<1x128xi32, #tpu.memory_space<vmem>>
          %dma_start3A_70 = tpu.memref_squeeze %dma_start3A_69 : memref<1x128xi32, #tpu.memory_space<vmem>> -> memref<128xi32, #tpu.memory_space<vmem>>
          %dma_start3A_71 = arith.constant 0 : i32
          %dma_start3A_72 = arith.constant 0 : i32
          %dma_start3A_73 = tpu.memref_slice %arg11[%dma_start3A_71, %dma_start3A_72] : memref<10112x128xf32, #tpu.memory_space<vmem_shared>> -> memref<10112x128xf32, #tpu.memory_space<vmem_shared>>
          tpu.enqueue_indirect_dma source(%arg9 : memref<128x128xf32, #tpu.memory_space<vmem>>) target(%dma_start3A_73 : memref<10112x128xf32, #tpu.memory_space<vmem_shared>>) offsets(%dma_start3A_70 : memref<128xi32, #tpu.memory_space<vmem>>) semaphore(%run_scoped3A : memref<!tpu.dma_semaphore, #tpu.memory_space<semaphore_mem>>) {add = true}
          %dma_wait3A_74 = arith.constant 0 : i32
          %dma_wait3A_75 = tpu.memref_slice %arg8[%mul3A_43, %dma_wait3A_74] : memref<40x128xi32, #tpu.memory_space<vmem>> -> memref<1x128xi32, #tpu.memory_space<vmem>>
          %dma_wait3A_76 = tpu.memref_squeeze %dma_wait3A_75 : memref<1x128xi32, #tpu.memory_space<vmem>> -> memref<128xi32, #tpu.memory_space<vmem>>
          %dma_wait3A_77 = arith.constant 0 : i32
          %dma_wait3A_78 = arith.constant 0 : i32
          %dma_wait3A_79 = tpu.memref_slice %arg11[%dma_wait3A_77, %dma_wait3A_78] : memref<10112x128xf32, #tpu.memory_space<vmem_shared>> -> memref<10112x128xf32, #tpu.memory_space<vmem_shared>>
          tpu.wait_indirect_dma semaphore(%run_scoped3A : memref<!tpu.dma_semaphore, #tpu.memory_space<semaphore_mem>>) src(%arg9 : memref<128x128xf32, #tpu.memory_space<vmem>>) dst(%dma_wait3A_79 : memref<10112x128xf32, #tpu.memory_space<vmem_shared>>)
          tpu.yield
        }) : () -> ()
        %lt3A_57 = arith.constant 19 : i32
        %lt3A_58 = arith.cmpi slt, %add3A_41, %lt3A_57 : i32
        %convert_element_type3A_59 = arith.extui %lt3A_58 : i1 to i32
        %cond3A_60 = arith.constant 0 : i32
        %cond3A_61 = arith.cmpi ne, %convert_element_type3A_59, %cond3A_60 : i32
        scf.if %cond3A_61 {
          %add3A_68 = arith.constant 2 : i32
          %add3A_69 = arith.addi %mul3A_43, %add3A_68 : i32
          %dma_start3A_70 = arith.constant 0 : i32
          %dma_start3A_71 = tpu.memref_slice %arg7[%add3A_69, %dma_start3A_70] : memref<40x128xi32, #tpu.memory_space<vmem>> -> memref<1x128xi32, #tpu.memory_space<vmem>>
          %dma_start3A_72 = tpu.memref_squeeze %dma_start3A_71 : memref<1x128xi32, #tpu.memory_space<vmem>> -> memref<128xi32, #tpu.memory_space<vmem>>
          %dma_start3A_73 = arith.constant 0 : i32
          %dma_start3A_74 = arith.constant 0 : i32
          %dma_start3A_75 = tpu.memref_slice %arg2[%dma_start3A_73, %dma_start3A_74] : memref<10000x128xf32, #tpu.memory_space<hbm>> -> memref<10000x128xf32, #tpu.memory_space<hbm>>
          tpu.enqueue_indirect_dma source(%dma_start3A_75 : memref<10000x128xf32, #tpu.memory_space<hbm>>) target(%arg9 : memref<128x128xf32, #tpu.memory_space<vmem>>) offsets(%dma_start3A_72 : memref<128xi32, #tpu.memory_space<vmem>>) semaphore(%arg12 : memref<!tpu.dma_semaphore, #tpu.memory_space<semaphore_mem>>)
        } else {
        }
        %dma_wait3A_62 = arith.constant 0 : i32
        %dma_wait3A_63 = tpu.memref_slice %arg7[%add3A_45, %dma_wait3A_62] : memref<40x128xi32, #tpu.memory_space<vmem>> -> memref<1x128xi32, #tpu.memory_space<vmem>>
        %dma_wait3A_64 = tpu.memref_squeeze %dma_wait3A_63 : memref<1x128xi32, #tpu.memory_space<vmem>> -> memref<128xi32, #tpu.memory_space<vmem>>
        %dma_wait3A_65 = arith.constant 0 : i32
        %dma_wait3A_66 = arith.constant 0 : i32
        %dma_wait3A_67 = tpu.memref_slice %arg2[%dma_wait3A_65, %dma_wait3A_66] : memref<10000x128xf32, #tpu.memory_space<hbm>> -> memref<10000x128xf32, #tpu.memory_space<hbm>>
        tpu.wait_indirect_dma semaphore(%arg13 : memref<!tpu.dma_semaphore, #tpu.memory_space<semaphore_mem>>) src(%dma_wait3A_67 : memref<10000x128xf32, #tpu.memory_space<hbm>>) dst(%arg10 : memref<128x128xf32, #tpu.memory_space<vmem>>)
        "tpu.region"() ({
          %run_scoped3A = tpu.sem_alloc : memref<!tpu.dma_semaphore, #tpu.memory_space<semaphore_mem>>
          %dma_start3A_68 = arith.constant 0 : i32
          %dma_start3A_69 = tpu.memref_slice %arg8[%add3A_45, %dma_start3A_68] : memref<40x128xi32, #tpu.memory_space<vmem>> -> memref<1x128xi32, #tpu.memory_space<vmem>>
          %dma_start3A_70 = tpu.memref_squeeze %dma_start3A_69 : memref<1x128xi32, #tpu.memory_space<vmem>> -> memref<128xi32, #tpu.memory_space<vmem>>
          %dma_start3A_71 = arith.constant 0 : i32
          %dma_start3A_72 = arith.constant 0 : i32
          %dma_start3A_73 = tpu.memref_slice %arg11[%dma_start3A_71, %dma_start3A_72] : memref<10112x128xf32, #tpu.memory_space<vmem_shared>> -> memref<10112x128xf32, #tpu.memory_space<vmem_shared>>
          tpu.enqueue_indirect_dma source(%arg10 : memref<128x128xf32, #tpu.memory_space<vmem>>) target(%dma_start3A_73 : memref<10112x128xf32, #tpu.memory_space<vmem_shared>>) offsets(%dma_start3A_70 : memref<128xi32, #tpu.memory_space<vmem>>) semaphore(%run_scoped3A : memref<!tpu.dma_semaphore, #tpu.memory_space<semaphore_mem>>) {add = true}
          %dma_wait3A_74 = arith.constant 0 : i32
          %dma_wait3A_75 = tpu.memref_slice %arg8[%add3A_45, %dma_wait3A_74] : memref<40x128xi32, #tpu.memory_space<vmem>> -> memref<1x128xi32, #tpu.memory_space<vmem>>
          %dma_wait3A_76 = tpu.memref_squeeze %dma_wait3A_75 : memref<1x128xi32, #tpu.memory_space<vmem>> -> memref<128xi32, #tpu.memory_space<vmem>>
          %dma_wait3A_77 = arith.constant 0 : i32
          %dma_wait3A_78 = arith.constant 0 : i32
          %dma_wait3A_79 = tpu.memref_slice %arg11[%dma_wait3A_77, %dma_wait3A_78] : memref<10112x128xf32, #tpu.memory_space<vmem_shared>> -> memref<10112x128xf32, #tpu.memory_space<vmem_shared>>
          tpu.wait_indirect_dma semaphore(%run_scoped3A : memref<!tpu.dma_semaphore, #tpu.memory_space<semaphore_mem>>) src(%arg10 : memref<128x128xf32, #tpu.memory_space<vmem>>) dst(%dma_wait3A_79 : memref<10112x128xf32, #tpu.memory_space<vmem_shared>>)
          tpu.yield
        }) : () -> ()
      }
      %scan3A_36 = arith.constant 20 : i32
    }
    %scan3A_10 = arith.constant 2 : i32
    %barrier3A_11 = arith.constant 0 : index
    tpu.barrier barrier_id(%barrier3A_11)
    %lt3A = arith.constant 15 : i32
    %lt3A_12 = arith.cmpi slt, %arg1, %lt3A : i32
    %convert_element_type3A = arith.extui %lt3A_12 : i1 to i32
    %cond3A = arith.constant 0 : i32
    %cond3A_13 = arith.cmpi ne, %convert_element_type3A, %cond3A : i32
    scf.if %cond3A_13 {
      %mul3A_18 = arith.constant 632 : i32
      %mul3A_19 = arith.muli %arg1, %mul3A_18 : i32
      %mul3A_20 = arith.constant 632 : i32
      %mul3A_21 = arith.muli %arg1, %mul3A_20 : i32
      "tpu.region"() ({
        %run_scoped3A = tpu.sem_alloc : memref<!tpu.dma_semaphore, #tpu.memory_space<semaphore_mem>>
        %dma_start3A = arith.constant 0 : i32
        %dma_start3A_22 = arith.constant 0 : i32
        %dma_start3A_23 = tpu.memref_slice %arg6[%arg0, %dma_start3A, %dma_start3A_22] : memref<2x10000x128xf32, #tpu.memory_space<hbm>> -> memref<1x10000x128xf32, #tpu.memory_space<hbm>>
        %dma_start3A_24 = tpu.memref_squeeze %dma_start3A_23 : memref<1x10000x128xf32, #tpu.memory_space<hbm>> -> memref<10000x128xf32, #tpu.memory_space<hbm>>
        %dma_start3A_25 = arith.constant 0 : i32
        %dma_start3A_26 = tpu.memref_slice %dma_start3A_24[%mul3A_21, %dma_start3A_25] : memref<10000x128xf32, #tpu.memory_space<hbm>> -> memref<632x128xf32, #tpu.memory_space<hbm>>
        %dma_start3A_27 = arith.constant 0 : i32
        %dma_start3A_28 = tpu.memref_slice %arg11[%mul3A_19, %dma_start3A_27] : memref<10112x128xf32, #tpu.memory_space<vmem_shared>> -> memref<632x128xf32, #tpu.memory_space<vmem_shared>>
        tpu.enqueue_dma source(%dma_start3A_28 : memref<632x128xf32, #tpu.memory_space<vmem_shared>>) target(%dma_start3A_26 : memref<632x128xf32, #tpu.memory_space<hbm>>) target_semaphore(%run_scoped3A : memref<!tpu.dma_semaphore, #tpu.memory_space<semaphore_mem>>)
        %dma_wait3A = arith.constant 0 : i32
        %dma_wait3A_29 = arith.constant 0 : i32
        %dma_wait3A_30 = tpu.memref_slice %arg6[%arg0, %dma_wait3A, %dma_wait3A_29] : memref<2x10000x128xf32, #tpu.memory_space<hbm>> -> memref<1x10000x128xf32, #tpu.memory_space<hbm>>
        %dma_wait3A_31 = tpu.memref_squeeze %dma_wait3A_30 : memref<1x10000x128xf32, #tpu.memory_space<hbm>> -> memref<10000x128xf32, #tpu.memory_space<hbm>>
        %dma_wait3A_32 = arith.constant 0 : i32
        %dma_wait3A_33 = tpu.memref_slice %dma_wait3A_31[%mul3A_21, %dma_wait3A_32] : memref<10000x128xf32, #tpu.memory_space<hbm>> -> memref<632x128xf32, #tpu.memory_space<hbm>>
        %dma_wait3A_34 = arith.constant 0 : i32
        %dma_wait3A_35 = tpu.memref_slice %arg11[%mul3A_19, %dma_wait3A_34] : memref<10112x128xf32, #tpu.memory_space<vmem_shared>> -> memref<632x128xf32, #tpu.memory_space<vmem_shared>>
        tpu.wait_dma2 semaphore(%run_scoped3A : memref<!tpu.dma_semaphore, #tpu.memory_space<semaphore_mem>>) src(%dma_wait3A_35 : memref<632x128xf32, #tpu.memory_space<vmem_shared>>) dst(%dma_wait3A_33 : memref<632x128xf32, #tpu.memory_space<hbm>>)
        tpu.yield
      }) : () -> ()
    } else {
    }
    %eq3A = arith.constant 15 : i32
    %eq3A_14 = arith.cmpi eq, %arg1, %eq3A : i32
    %convert_element_type3A_15 = arith.extui %eq3A_14 : i1 to i32
    %cond3A_16 = arith.constant 0 : i32
    %cond3A_17 = arith.cmpi ne, %convert_element_type3A_15, %cond3A_16 : i32
    scf.if %cond3A_17 {
      "tpu.region"() ({
        %run_scoped3A = tpu.sem_alloc : memref<!tpu.dma_semaphore, #tpu.memory_space<semaphore_mem>>
        %dma_start3A = arith.constant 0 : i32
        %dma_start3A_18 = arith.constant 0 : i32
        %dma_start3A_19 = tpu.memref_slice %arg6[%arg0, %dma_start3A, %dma_start3A_18] : memref<2x10000x128xf32, #tpu.memory_space<hbm>> -> memref<1x10000x128xf32, #tpu.memory_space<hbm>>
        %dma_start3A_20 = tpu.memref_squeeze %dma_start3A_19 : memref<1x10000x128xf32, #tpu.memory_space<hbm>> -> memref<10000x128xf32, #tpu.memory_space<hbm>>
        %dma_start3A_21 = arith.constant 9480 : i32
        %dma_start3A_22 = arith.constant 0 : i32
        %dma_start3A_23 = tpu.memref_slice %dma_start3A_20[%dma_start3A_21, %dma_start3A_22] : memref<10000x128xf32, #tpu.memory_space<hbm>> -> memref<520x128xf32, #tpu.memory_space<hbm>>
        %dma_start3A_24 = arith.constant 9480 : i32
        %dma_start3A_25 = arith.constant 0 : i32
        %dma_start3A_26 = tpu.memref_slice %arg11[%dma_start3A_24, %dma_start3A_25] : memref<10112x128xf32, #tpu.memory_space<vmem_shared>> -> memref<520x128xf32, #tpu.memory_space<vmem_shared>>
        tpu.enqueue_dma source(%dma_start3A_26 : memref<520x128xf32, #tpu.memory_space<vmem_shared>>) target(%dma_start3A_23 : memref<520x128xf32, #tpu.memory_space<hbm>>) target_semaphore(%run_scoped3A : memref<!tpu.dma_semaphore, #tpu.memory_space<semaphore_mem>>)
        %dma_wait3A = arith.constant 0 : i32
        %dma_wait3A_27 = arith.constant 0 : i32
        %dma_wait3A_28 = tpu.memref_slice %arg6[%arg0, %dma_wait3A, %dma_wait3A_27] : memref<2x10000x128xf32, #tpu.memory_space<hbm>> -> memref<1x10000x128xf32, #tpu.memory_space<hbm>>
        %dma_wait3A_29 = tpu.memref_squeeze %dma_wait3A_28 : memref<1x10000x128xf32, #tpu.memory_space<hbm>> -> memref<10000x128xf32, #tpu.memory_space<hbm>>
        %dma_wait3A_30 = arith.constant 9480 : i32
        %dma_wait3A_31 = arith.constant 0 : i32
        %dma_wait3A_32 = tpu.memref_slice %dma_wait3A_29[%dma_wait3A_30, %dma_wait3A_31] : memref<10000x128xf32, #tpu.memory_space<hbm>> -> memref<520x128xf32, #tpu.memory_space<hbm>>
        %dma_wait3A_33 = arith.constant 9480 : i32
        %dma_wait3A_34 = arith.constant 0 : i32
        %dma_wait3A_35 = tpu.memref_slice %arg11[%dma_wait3A_33, %dma_wait3A_34] : memref<10112x128xf32, #tpu.memory_space<vmem_shared>> -> memref<520x128xf32, #tpu.memory_space<vmem_shared>>
        tpu.wait_dma2 semaphore(%run_scoped3A : memref<!tpu.dma_semaphore, #tpu.memory_space<semaphore_mem>>) src(%dma_wait3A_35 : memref<520x128xf32, #tpu.memory_space<vmem_shared>>) dst(%dma_wait3A_32 : memref<520x128xf32, #tpu.memory_space<hbm>>)
        tpu.yield
      }) : () -> ()
    } else {
    }
    return
  }
}

module attributes {stable_mosaic.version = 14 : i64} {
  func.func @_tc_layer_body(%arg0: i32, %arg1: memref<2x2000x128xf32, #tpu.memory_space<vmem>>, %arg2: memref<2000x32xf32, #tpu.memory_space<vmem>>, %arg3: memref<2000x128xf32, #tpu.memory_space<vmem>>, %arg4: memref<128x128xf32, #tpu.memory_space<vmem>>, %arg5: memref<128x128xf32, #tpu.memory_space<vmem>>, %arg6: memref<1x128xf32, #tpu.memory_space<vmem>>, %arg7: memref<2000x128xf32, #tpu.memory_space<vmem>>) attributes {dimension_semantics = [#tpu.dimension_semantics<arbitrary>], iteration_bounds = array<i64: 5>, scalar_prefetch = 0 : i64, scratch_operands = 0 : i64, tpu.core_type = #tpu.core_type<tc>, window_params = [{transform_indices = @transform_0, window_bounds = array<i64: 2, 2000, 128>}, {transform_indices = @transform_1, window_bounds = array<i64: 2000, 32>}, {transform_indices = @transform_2, window_bounds = array<i64: 2000, 128>}, {pipeline_mode = #tpu.pipeline_mode<synchronous>, transform_indices = @transform_3, window_bounds = array<i64: 128, 128>}, {pipeline_mode = #tpu.pipeline_mode<synchronous>, transform_indices = @transform_4, window_bounds = array<i64: 128, 128>}, {pipeline_mode = #tpu.pipeline_mode<synchronous>, transform_indices = @transform_5, window_bounds = array<i64: 1, 128>}, {transform_indices = @transform_6, window_bounds = array<i64: 2000, 128>}]} {
    %get3A = arith.constant 0 : index
    %get3A_0 = arith.constant 0 : index
    %get3A_1 = arith.constant 0 : index
    %get3A_2 = vector.load %arg1[%get3A, %get3A_0, %get3A_1] : memref<2x2000x128xf32, #tpu.memory_space<vmem>>, vector<1x2000x128xf32>
    %get3A_3 = vector.shape_cast %get3A_2 : vector<1x2000x128xf32> to vector<2000x128xf32>
    %get3A_4 = arith.constant 1 : index
    %get3A_5 = arith.constant 0 : index
    %get3A_6 = arith.constant 0 : index
    %get3A_7 = vector.load %arg1[%get3A_4, %get3A_5, %get3A_6] : memref<2x2000x128xf32, #tpu.memory_space<vmem>>, vector<1x2000x128xf32>
    %get3A_8 = vector.shape_cast %get3A_7 : vector<1x2000x128xf32> to vector<2000x128xf32>
    %add3A = arith.addf %get3A_3, %get3A_8 : vector<2000x128xf32>
    %get3A_9 = arith.constant 0 : index
    %get3A_10 = arith.constant 0 : index
    %get3A_11 = vector.load %arg2[%get3A_9, %get3A_10] : memref<2000x32xf32, #tpu.memory_space<vmem>>, vector<2000x32xf32>
    %broadcast_in_dim3A = arith.constant 1.000000e+00 : f32
    %broadcast_in_dim3A_12 = vector.broadcast %broadcast_in_dim3A : f32 to vector<32x1xf32>
    %dot_general3A = arith.constant dense<0.000000e+00> : vector<2000x1xf32>
    %dot_general3A_13 = tpu.matmul %get3A_11, %broadcast_in_dim3A_12, %dot_general3A {dimension_numbers = #tpu.dot_dimension_numbers<[1], [0], [0], [1], [0, 0, 1, 1], [], []>, transpose_lhs_hint = false} : vector<2000x32xf32>, vector<32x1xf32>, vector<2000x1xf32> -> vector<2000x1xf32>
    %max3A = arith.constant 1.000000e+00 : f32
    %max3A_14 = vector.broadcast %max3A : f32 to vector<2000x1xf32>
    %max3A_15 = arith.maximumf %dot_general3A_13, %max3A_14 : vector<2000x1xf32>
    %div3A = vector.broadcast %max3A_15 : vector<2000x1xf32> to vector<2000x128xf32>
    %div3A_16 = arith.divf %add3A, %div3A : vector<2000x128xf32>
    %get3A_17 = arith.constant 0 : index
    %get3A_18 = arith.constant 0 : index
    %get3A_19 = vector.load %arg4[%get3A_17, %get3A_18] : memref<128x128xf32, #tpu.memory_space<vmem>>, vector<128x128xf32>
    %dot_general3A_20 = arith.constant dense<0.000000e+00> : vector<2000x128xf32>
    %dot_general3A_21 = tpu.matmul %div3A_16, %get3A_19, %dot_general3A_20 {dimension_numbers = #tpu.dot_dimension_numbers<[1], [0], [0], [1], [0, 0, 1, 1], [], []>, transpose_lhs_hint = false} : vector<2000x128xf32>, vector<128x128xf32>, vector<2000x128xf32> -> vector<2000x128xf32>
    %get3A_22 = arith.constant 0 : index
    %get3A_23 = arith.constant 0 : index
    %get3A_24 = vector.load %arg3[%get3A_22, %get3A_23] : memref<2000x128xf32, #tpu.memory_space<vmem>>, vector<2000x128xf32>
    %get3A_25 = arith.constant 0 : index
    %get3A_26 = arith.constant 0 : index
    %get3A_27 = vector.load %arg5[%get3A_25, %get3A_26] : memref<128x128xf32, #tpu.memory_space<vmem>>, vector<128x128xf32>
    %dot_general3A_28 = arith.constant dense<0.000000e+00> : vector<2000x128xf32>
    %dot_general3A_29 = tpu.matmul %get3A_24, %get3A_27, %dot_general3A_28 {dimension_numbers = #tpu.dot_dimension_numbers<[1], [0], [0], [1], [0, 0, 1, 1], [], []>, transpose_lhs_hint = false} : vector<2000x128xf32>, vector<128x128xf32>, vector<2000x128xf32> -> vector<2000x128xf32>
    %add3A_30 = arith.addf %dot_general3A_21, %dot_general3A_29 : vector<2000x128xf32>
    %get3A_31 = arith.constant 0 : index
    %get3A_32 = arith.constant 0 : index
    %get3A_33 = vector.load %arg6[%get3A_31, %get3A_32] : memref<1x128xf32, #tpu.memory_space<vmem>>, vector<1x128xf32>
    %add3A_34 = vector.broadcast %get3A_33 : vector<1x128xf32> to vector<2000x128xf32>
    %add3A_35 = arith.addf %add3A_30, %add3A_34 : vector<2000x128xf32>
    %max3A_36 = arith.constant 0.000000e+00 : f32
    %max3A_37 = vector.broadcast %max3A_36 : f32 to vector<2000x128xf32>
    %max3A_38 = arith.maximumf %add3A_35, %max3A_37 : vector<2000x128xf32>
    %swap3A = arith.constant 0 : index
    %swap3A_39 = arith.constant 0 : index
    %swap3A_40 = vector.load %arg7[%swap3A, %swap3A_39] : memref<2000x128xf32, #tpu.memory_space<vmem>>, vector<2000x128xf32>
    tpu.vector_store %arg7[%swap3A, %swap3A_39], %max3A_38 {strides = array<i32>} : memref<2000x128xf32, #tpu.memory_space<vmem>>, vector<2000x128xf32>,
    return
  }
  func.func @transform_0(%arg0: i32) -> (i32, i32, i32) {
    %c0_i32 = arith.constant 0 : i32
    %c0_i32_0 = arith.constant 0 : i32
    %c0_i32_1 = arith.constant 0 : i32
    return %c0_i32, %arg0, %c0_i32_0 : i32, i32, i32
  }
  func.func @transform_1(%arg0: i32) -> (i32, i32) {
    %c0_i32 = arith.constant 0 : i32
    %c0_i32_0 = arith.constant 0 : i32
    return %arg0, %c0_i32 : i32, i32
  }
  func.func @transform_2(%arg0: i32) -> (i32, i32) {
    %c0_i32 = arith.constant 0 : i32
    %c0_i32_0 = arith.constant 0 : i32
    return %arg0, %c0_i32 : i32, i32
  }
  func.func @transform_3(%arg0: i32) -> (i32, i32) {
    %c0_i32 = arith.constant 0 : i32
    %c0_i32_0 = arith.constant 0 : i32
    %c0_i32_1 = arith.constant 0 : i32
    return %c0_i32, %c0_i32_0 : i32, i32
  }
  func.func @transform_4(%arg0: i32) -> (i32, i32) {
    %c0_i32 = arith.constant 0 : i32
    %c0_i32_0 = arith.constant 0 : i32
    %c0_i32_1 = arith.constant 0 : i32
    return %c0_i32, %c0_i32_0 : i32, i32
  }
  func.func @transform_5(%arg0: i32) -> (i32, i32) {
    %c0_i32 = arith.constant 0 : i32
    %c0_i32_0 = arith.constant 0 : i32
    %c0_i32_1 = arith.constant 0 : i32
    return %c0_i32, %c0_i32_0 : i32, i32
  }
  func.func @transform_6(%arg0: i32) -> (i32, i32) {
    %c0_i32 = arith.constant 0 : i32
    %c0_i32_0 = arith.constant 0 : i32
    return %arg0, %c0_i32 : i32, i32
  }
}

module attributes {stable_mosaic.version = 14 : i64} {
  func.func @_tc_final_body(%arg0: i32, %arg1: memref<2x2000x128xf32, #tpu.memory_space<vmem>>, %arg2: memref<2000x32xf32, #tpu.memory_space<vmem>>, %arg3: memref<2000x128xf32, #tpu.memory_space<vmem>>, %arg4: memref<128x128xf32, #tpu.memory_space<vmem>>, %arg5: memref<128x128xf32, #tpu.memory_space<vmem>>, %arg6: memref<1x128xf32, #tpu.memory_space<vmem>>, %arg7: memref<2000x128xi32, #tpu.memory_space<vmem>>, %arg8: memref<128x128xf32, #tpu.memory_space<vmem>>, %arg9: memref<1x128xf32, #tpu.memory_space<vmem>>, %arg10: memref<128x128xf32, #tpu.memory_space<vmem>>, %arg11: memref<1x128xf32, #tpu.memory_space<vmem>>, %arg12: memref<128x128xf32, #tpu.memory_space<vmem>>, %arg13: memref<128x128xf32, #tpu.memory_space<vmem>>, %arg14: memref<128x128xf32, #tpu.memory_space<vmem>>) attributes {dimension_semantics = [#tpu.dimension_semantics<arbitrary>], iteration_bounds = array<i64: 5>, scalar_prefetch = 0 : i64, scratch_operands = 2 : i64, tpu.core_type = #tpu.core_type<tc>, window_params = [{transform_indices = @transform_0, window_bounds = array<i64: 2, 2000, 128>}, {transform_indices = @transform_1, window_bounds = array<i64: 2000, 32>}, {transform_indices = @transform_2, window_bounds = array<i64: 2000, 128>}, {pipeline_mode = #tpu.pipeline_mode<synchronous>, transform_indices = @transform_3, window_bounds = array<i64: 128, 128>}, {pipeline_mode = #tpu.pipeline_mode<synchronous>, transform_indices = @transform_4, window_bounds = array<i64: 128, 128>}, {pipeline_mode = #tpu.pipeline_mode<synchronous>, transform_indices = @transform_5, window_bounds = array<i64: 1, 128>}, {transform_indices = @transform_6, window_bounds = array<i64: 2000, 128>}, {pipeline_mode = #tpu.pipeline_mode<synchronous>, transform_indices = @transform_7, window_bounds = array<i64: 128, 128>}, {pipeline_mode = #tpu.pipeline_mode<synchronous>, transform_indices = @transform_8, window_bounds = array<i64: 1, 128>}, {pipeline_mode = #tpu.pipeline_mode<synchronous>, transform_indices = @transform_9, window_bounds = array<i64: 128, 128>}, {pipeline_mode = #tpu.pipeline_mode<synchronous>, transform_indices = @transform_10, window_bounds = array<i64: 1, 128>}, {pipeline_mode = #tpu.pipeline_mode<synchronous>, transform_indices = @transform_11, window_bounds = array<i64: 128, 128>}]} {
    %eq3A = arith.constant 0 : i32
    %eq3A_0 = arith.cmpi eq, %arg0, %eq3A : i32
    %convert_element_type3A = arith.extui %eq3A_0 : i1 to i32
    %cond3A = arith.constant 0 : i32
    %cond3A_1 = arith.cmpi ne, %convert_element_type3A, %cond3A : i32
    scf.if %cond3A_1 {
      %broadcast_in_dim3A_71 = arith.constant 0.000000e+00 : f32
      %broadcast_in_dim3A_72 = vector.broadcast %broadcast_in_dim3A_71 : f32 to vector<128x128xf32>
      %swap3A_73 = arith.constant 0 : index
      %swap3A_74 = arith.constant 0 : index
      %swap3A_75 = vector.load %arg13[%swap3A_73, %swap3A_74] : memref<128x128xf32, #tpu.memory_space<vmem>>, vector<128x128xf32>
      tpu.vector_store %arg13[%swap3A_73, %swap3A_74], %broadcast_in_dim3A_72 {strides = array<i32>} : memref<128x128xf32, #tpu.memory_space<vmem>>, vector<128x128xf32>,
      %broadcast_in_dim3A_76 = arith.constant 0.000000e+00 : f32
      %broadcast_in_dim3A_77 = vector.broadcast %broadcast_in_dim3A_76 : f32 to vector<128x128xf32>
      %swap3A_78 = arith.constant 0 : index
      %swap3A_79 = arith.constant 0 : index
      %swap3A_80 = vector.load %arg14[%swap3A_78, %swap3A_79] : memref<128x128xf32, #tpu.memory_space<vmem>>, vector<128x128xf32>
      tpu.vector_store %arg14[%swap3A_78, %swap3A_79], %broadcast_in_dim3A_77 {strides = array<i32>} : memref<128x128xf32, #tpu.memory_space<vmem>>, vector<128x128xf32>,
    } else {
    }
    %get3A = arith.constant 0 : index
    %get3A_2 = arith.constant 0 : index
    %get3A_3 = arith.constant 0 : index
    %get3A_4 = vector.load %arg1[%get3A, %get3A_2, %get3A_3] : memref<2x2000x128xf32, #tpu.memory_space<vmem>>, vector<1x2000x128xf32>
    %get3A_5 = vector.shape_cast %get3A_4 : vector<1x2000x128xf32> to vector<2000x128xf32>
    %get3A_6 = arith.constant 1 : index
    %get3A_7 = arith.constant 0 : index
    %get3A_8 = arith.constant 0 : index
    %get3A_9 = vector.load %arg1[%get3A_6, %get3A_7, %get3A_8] : memref<2x2000x128xf32, #tpu.memory_space<vmem>>, vector<1x2000x128xf32>
    %get3A_10 = vector.shape_cast %get3A_9 : vector<1x2000x128xf32> to vector<2000x128xf32>
    %add3A = arith.addf %get3A_5, %get3A_10 : vector<2000x128xf32>
    %get3A_11 = arith.constant 0 : index
    %get3A_12 = arith.constant 0 : index
    %get3A_13 = vector.load %arg2[%get3A_11, %get3A_12] : memref<2000x32xf32, #tpu.memory_space<vmem>>, vector<2000x32xf32>
    %broadcast_in_dim3A = arith.constant 1.000000e+00 : f32
    %broadcast_in_dim3A_14 = vector.broadcast %broadcast_in_dim3A : f32 to vector<32x1xf32>
    %dot_general3A = arith.constant dense<0.000000e+00> : vector<2000x1xf32>
    %dot_general3A_15 = tpu.matmul %get3A_13, %broadcast_in_dim3A_14, %dot_general3A {dimension_numbers = #tpu.dot_dimension_numbers<[1], [0], [0], [1], [0, 0, 1, 1], [], []>, transpose_lhs_hint = false} : vector<2000x32xf32>, vector<32x1xf32>, vector<2000x1xf32> -> vector<2000x1xf32>
    %max3A = arith.constant 1.000000e+00 : f32
    %max3A_16 = vector.broadcast %max3A : f32 to vector<2000x1xf32>
    %max3A_17 = arith.maximumf %dot_general3A_15, %max3A_16 : vector<2000x1xf32>
    %div3A = vector.broadcast %max3A_17 : vector<2000x1xf32> to vector<2000x128xf32>
    %div3A_18 = arith.divf %add3A, %div3A : vector<2000x128xf32>
    %get3A_19 = arith.constant 0 : index
    %get3A_20 = arith.constant 0 : index
    %get3A_21 = vector.load %arg4[%get3A_19, %get3A_20] : memref<128x128xf32, #tpu.memory_space<vmem>>, vector<128x128xf32>
    %dot_general3A_22 = arith.constant dense<0.000000e+00> : vector<2000x128xf32>
    %dot_general3A_23 = tpu.matmul %div3A_18, %get3A_21, %dot_general3A_22 {dimension_numbers = #tpu.dot_dimension_numbers<[1], [0], [0], [1], [0, 0, 1, 1], [], []>, transpose_lhs_hint = false} : vector<2000x128xf32>, vector<128x128xf32>, vector<2000x128xf32> -> vector<2000x128xf32>
    %get3A_24 = arith.constant 0 : index
    %get3A_25 = arith.constant 0 : index
    %get3A_26 = vector.load %arg3[%get3A_24, %get3A_25] : memref<2000x128xf32, #tpu.memory_space<vmem>>, vector<2000x128xf32>
    %get3A_27 = arith.constant 0 : index
    %get3A_28 = arith.constant 0 : index
    %get3A_29 = vector.load %arg5[%get3A_27, %get3A_28] : memref<128x128xf32, #tpu.memory_space<vmem>>, vector<128x128xf32>
    %dot_general3A_30 = arith.constant dense<0.000000e+00> : vector<2000x128xf32>
    %dot_general3A_31 = tpu.matmul %get3A_26, %get3A_29, %dot_general3A_30 {dimension_numbers = #tpu.dot_dimension_numbers<[1], [0], [0], [1], [0, 0, 1, 1], [], []>, transpose_lhs_hint = false} : vector<2000x128xf32>, vector<128x128xf32>, vector<2000x128xf32> -> vector<2000x128xf32>
    %add3A_32 = arith.addf %dot_general3A_23, %dot_general3A_31 : vector<2000x128xf32>
    %get3A_33 = arith.constant 0 : index
    %get3A_34 = arith.constant 0 : index
    %get3A_35 = vector.load %arg6[%get3A_33, %get3A_34] : memref<1x128xf32, #tpu.memory_space<vmem>>, vector<1x128xf32>
    %add3A_36 = vector.broadcast %get3A_35 : vector<1x128xf32> to vector<2000x128xf32>
    %add3A_37 = arith.addf %add3A_32, %add3A_36 : vector<2000x128xf32>
    %max3A_38 = arith.constant 0.000000e+00 : f32
    %max3A_39 = vector.broadcast %max3A_38 : f32 to vector<2000x128xf32>
    %max3A_40 = arith.maximumf %add3A_37, %max3A_39 : vector<2000x128xf32>
    %iota3A = tpu.iota {dimensions = array<i32: 1>} : vector<2000x128xi32>
    %get3A_41 = arith.constant 0 : index
    %get3A_42 = arith.constant 0 : index
    %get3A_43 = vector.load %arg7[%get3A_41, %get3A_42] : memref<2000x128xi32, #tpu.memory_space<vmem>>, vector<2000x128xi32>
    %eq3A_44 = arith.cmpi eq, %iota3A, %get3A_43 : vector<2000x128xi32>
    %convert_element_type3A_45 = arith.extui %eq3A_44 : vector<2000x128xi1> to vector<2000x128xi32>
    %convert_element_type3A_46 = arith.sitofp %convert_element_type3A_45 : vector<2000x128xi32> to vector<2000x128xf32>
    %get3A_47 = arith.constant 0 : index
    %get3A_48 = arith.constant 0 : index
    %get3A_49 = vector.load %arg13[%get3A_47, %get3A_48] : memref<128x128xf32, #tpu.memory_space<vmem>>, vector<128x128xf32>
    %dot_general3A_50 = arith.constant dense<0.000000e+00> : vector<128x128xf32>
    %dot_general3A_51 = tpu.matmul %convert_element_type3A_46, %max3A_40, %dot_general3A_50 {dimension_numbers = #tpu.dot_dimension_numbers<[0], [0], [1], [1], [0, 1, 1, 1], [], []>, transpose_lhs_hint = false} : vector<2000x128xf32>, vector<2000x128xf32>, vector<128x128xf32> -> vector<128x128xf32>
    %add3A_52 = arith.addf %get3A_49, %dot_general3A_51 : vector<128x128xf32>
    %swap3A = arith.constant 0 : index
    %swap3A_53 = arith.constant 0 : index
    %swap3A_54 = vector.load %arg13[%swap3A, %swap3A_53] : memref<128x128xf32, #tpu.memory_space<vmem>>, vector<128x128xf32>
    tpu.vector_store %arg13[%swap3A, %swap3A_53], %add3A_52 {strides = array<i32>} : memref<128x128xf32, #tpu.memory_space<vmem>>, vector<128x128xf32>,
    %get3A_55 = arith.constant 0 : index
    %get3A_56 = arith.constant 0 : index
    %get3A_57 = vector.load %arg14[%get3A_55, %get3A_56] : memref<128x128xf32, #tpu.memory_space<vmem>>, vector<128x128xf32>
    %broadcast_in_dim3A_58 = arith.constant 1.000000e+00 : f32
    %broadcast_in_dim3A_59 = vector.broadcast %broadcast_in_dim3A_58 : f32 to vector<2000x128xf32>
    %dot_general3A_60 = arith.constant dense<0.000000e+00> : vector<128x128xf32>
    %dot_general3A_61 = tpu.matmul %convert_element_type3A_46, %broadcast_in_dim3A_59, %dot_general3A_60 {dimension_numbers = #tpu.dot_dimension_numbers<[0], [0], [1], [1], [0, 1, 1, 1], [], []>, transpose_lhs_hint = false} : vector<2000x128xf32>, vector<2000x128xf32>, vector<128x128xf32> -> vector<128x128xf32>
    %add3A_62 = arith.addf %get3A_57, %dot_general3A_61 : vector<128x128xf32>
    %swap3A_63 = arith.constant 0 : index
    %swap3A_64 = arith.constant 0 : index
    %swap3A_65 = vector.load %arg14[%swap3A_63, %swap3A_64] : memref<128x128xf32, #tpu.memory_space<vmem>>, vector<128x128xf32>
    tpu.vector_store %arg14[%swap3A_63, %swap3A_64], %add3A_62 {strides = array<i32>} : memref<128x128xf32, #tpu.memory_space<vmem>>, vector<128x128xf32>,
    %eq3A_66 = arith.constant 4 : i32
    %eq3A_67 = arith.cmpi eq, %arg0, %eq3A_66 : i32
    %convert_element_type3A_68 = arith.extui %eq3A_67 : i1 to i32
    %cond3A_69 = arith.constant 0 : i32
    %cond3A_70 = arith.cmpi ne, %convert_element_type3A_68, %cond3A_69 : i32
    scf.if %cond3A_70 {
      %get3A_71 = arith.constant 0 : index
      %get3A_72 = arith.constant 0 : index
      %get3A_73 = vector.load %arg13[%get3A_71, %get3A_72] : memref<128x128xf32, #tpu.memory_space<vmem>>, vector<128x128xf32>
      %get3A_74 = arith.constant 0 : index
      %get3A_75 = arith.constant 0 : index
      %get3A_76 = vector.load %arg14[%get3A_74, %get3A_75] : memref<128x128xf32, #tpu.memory_space<vmem>>, vector<128x128xf32>
      %max3A_77 = arith.constant 1.000000e+00 : f32
      %max3A_78 = vector.broadcast %max3A_77 : f32 to vector<128x128xf32>
      %max3A_79 = arith.maximumf %get3A_76, %max3A_78 : vector<128x128xf32>
      %div3A_80 = arith.divf %get3A_73, %max3A_79 : vector<128x128xf32>
      %get3A_81 = arith.constant 0 : index
      %get3A_82 = arith.constant 0 : index
      %get3A_83 = vector.load %arg8[%get3A_81, %get3A_82] : memref<128x128xf32, #tpu.memory_space<vmem>>, vector<128x128xf32>
      %dot_general3A_84 = arith.constant dense<0.000000e+00> : vector<128x128xf32>
      %dot_general3A_85 = tpu.matmul %div3A_80, %get3A_83, %dot_general3A_84 {dimension_numbers = #tpu.dot_dimension_numbers<[1], [0], [0], [1], [0, 0, 1, 1], [], []>, transpose_lhs_hint = false} : vector<128x128xf32>, vector<128x128xf32>, vector<128x128xf32> -> vector<128x128xf32>
      %get3A_86 = arith.constant 0 : index
      %get3A_87 = arith.constant 0 : index
      %get3A_88 = vector.load %arg9[%get3A_86, %get3A_87] : memref<1x128xf32, #tpu.memory_space<vmem>>, vector<1x128xf32>
      %add3A_89 = vector.broadcast %get3A_88 : vector<1x128xf32> to vector<128x128xf32>
      %add3A_90 = arith.addf %dot_general3A_85, %add3A_89 : vector<128x128xf32>
      %max3A_91 = arith.constant 0.000000e+00 : f32
      %max3A_92 = vector.broadcast %max3A_91 : f32 to vector<128x128xf32>
      %max3A_93 = arith.maximumf %add3A_90, %max3A_92 : vector<128x128xf32>
      %get3A_94 = arith.constant 0 : index
      %get3A_95 = arith.constant 0 : index
      %get3A_96 = vector.load %arg10[%get3A_94, %get3A_95] : memref<128x128xf32, #tpu.memory_space<vmem>>, vector<128x128xf32>
      %dot_general3A_97 = arith.constant dense<0.000000e+00> : vector<128x128xf32>
      %dot_general3A_98 = tpu.matmul %max3A_93, %get3A_96, %dot_general3A_97 {dimension_numbers = #tpu.dot_dimension_numbers<[1], [0], [0], [1], [0, 0, 1, 1], [], []>, transpose_lhs_hint = false} : vector<128x128xf32>, vector<128x128xf32>, vector<128x128xf32> -> vector<128x128xf32>
      %get3A_99 = arith.constant 0 : index
      %get3A_100 = arith.constant 0 : index
      %get3A_101 = vector.load %arg11[%get3A_99, %get3A_100] : memref<1x128xf32, #tpu.memory_space<vmem>>, vector<1x128xf32>
      %add3A_102 = vector.broadcast %get3A_101 : vector<1x128xf32> to vector<128x128xf32>
      %add3A_103 = arith.addf %dot_general3A_98, %add3A_102 : vector<128x128xf32>
      %logistic3A = arith.negf %add3A_103 : vector<128x128xf32>
      %logistic3A_104 = math.exp %logistic3A : vector<128x128xf32>
      %logistic3A_105 = arith.constant 1.000000e+00 : f32
      %logistic3A_106 = vector.broadcast %logistic3A_105 : f32 to vector<128x128xf32>
      %logistic3A_107 = arith.addf %logistic3A_106, %logistic3A_104 : vector<128x128xf32>
      %logistic3A_108 = arith.divf %logistic3A_106, %logistic3A_107 : vector<128x128xf32>
      %swap3A_109 = arith.constant 0 : index
      %swap3A_110 = arith.constant 0 : index
      %swap3A_111 = vector.load %arg12[%swap3A_109, %swap3A_110] : memref<128x128xf32, #tpu.memory_space<vmem>>, vector<128x128xf32>
      tpu.vector_store %arg12[%swap3A_109, %swap3A_110], %logistic3A_108 {strides = array<i32>} : memref<128x128xf32, #tpu.memory_space<vmem>>, vector<128x128xf32>,
    } else {
    }
    return
  }
  func.func @transform_0(%arg0: i32) -> (i32, i32, i32) {
    %c0_i32 = arith.constant 0 : i32
    %c0_i32_0 = arith.constant 0 : i32
    %c0_i32_1 = arith.constant 0 : i32
    return %c0_i32, %arg0, %c0_i32_0 : i32, i32, i32
  }
  func.func @transform_1(%arg0: i32) -> (i32, i32) {
    %c0_i32 = arith.constant 0 : i32
    %c0_i32_0 = arith.constant 0 : i32
    return %arg0, %c0_i32 : i32, i32
  }
  func.func @transform_2(%arg0: i32) -> (i32, i32) {
    %c0_i32 = arith.constant 0 : i32
    %c0_i32_0 = arith.constant 0 : i32
    return %arg0, %c0_i32 : i32, i32
  }
  func.func @transform_3(%arg0: i32) -> (i32, i32) {
    %c0_i32 = arith.constant 0 : i32
    %c0_i32_0 = arith.constant 0 : i32
    %c0_i32_1 = arith.constant 0 : i32
    return %c0_i32, %c0_i32_0 : i32, i32
  }
  func.func @transform_4(%arg0: i32) -> (i32, i32) {
    %c0_i32 = arith.constant 0 : i32
    %c0_i32_0 = arith.constant 0 : i32
    %c0_i32_1 = arith.constant 0 : i32
    return %c0_i32, %c0_i32_0 : i32, i32
  }
  func.func @transform_5(%arg0: i32) -> (i32, i32) {
    %c0_i32 = arith.constant 0 : i32
    %c0_i32_0 = arith.constant 0 : i32
    %c0_i32_1 = arith.constant 0 : i32
    return %c0_i32, %c0_i32_0 : i32, i32
  }
  func.func @transform_6(%arg0: i32) -> (i32, i32) {
    %c0_i32 = arith.constant 0 : i32
    %c0_i32_0 = arith.constant 0 : i32
    return %arg0, %c0_i32 : i32, i32
  }
  func.func @transform_7(%arg0: i32) -> (i32, i32) {
    %c0_i32 = arith.constant 0 : i32
    %c0_i32_0 = arith.constant 0 : i32
    %c0_i32_1 = arith.constant 0 : i32
    return %c0_i32, %c0_i32_0 : i32, i32
  }
  func.func @transform_8(%arg0: i32) -> (i32, i32) {
    %c0_i32 = arith.constant 0 : i32
    %c0_i32_0 = arith.constant 0 : i32
    %c0_i32_1 = arith.constant 0 : i32
    return %c0_i32, %c0_i32_0 : i32, i32
  }
  func.func @transform_9(%arg0: i32) -> (i32, i32) {
    %c0_i32 = arith.constant 0 : i32
    %c0_i32_0 = arith.constant 0 : i32
    %c0_i32_1 = arith.constant 0 : i32
    return %c0_i32, %c0_i32_0 : i32, i32
  }
  func.func @transform_10(%arg0: i32) -> (i32, i32) {
    %c0_i32 = arith.constant 0 : i32
    %c0_i32_0 = arith.constant 0 : i32
    %c0_i32_1 = arith.constant 0 : i32
    return %c0_i32, %c0_i32_0 : i32, i32
  }
  func.func @transform_11(%arg0: i32) -> (i32, i32) {
    %c0_i32 = arith.constant 0 : i32
    %c0_i32_0 = arith.constant 0 : i32
    %c0_i32_1 = arith.constant 0 : i32
    return %c0_i32, %c0_i32_0 : i32, i32
  }
}

</mosaic_0001>

<sc_bundles>
// kernel: kernel.12.cloned.1.call-start
scs
__scs_entry_jumppad:
0x0: {  	(pc) =	sbr.rel $0x88, $3  }
0x1: {  	(tag) =	ssettag $0x0;
	lr =	simm.s32 $0x1  }
0x2: {  	[smem:$0x3F8B] =	sst lr;
	_ =	strace $0xD0000000  }
0x3: {  	_ = 	snop  }
0x4: {  	_ = 	snop  }
0x5: {  	_ = 	snop  }
0x6: {  	_ = 	snop  }
0x7: {  	_ = 	snop  }
__scs_overlays_trampoline_lowered:
0x8: {  	[smem:$0x3F9A] =	sst s0  }
0x9: {  	[smem:$0x3F9B] =	sst s1  }
0xa: {  	[smem:$0x3F9C] =	sst s2  }
0xb: {  	[smem:$0x3F9D] =	sst s3  }
0xc: {  	[smem:$0x3F9E] =	sst s4  }
0xd: {  	[smem:$0x3F9F] =	sst s5  }
0xe: {  	[smem:$0x3FA0] =	sst s6  }
0xf: {  	[smem:$0x3FA1] =	sst s7  }
0x10: {  	[smem:$0x3FA2] =	sst s8  }
0x11: {  	[smem:$0x3FA3] =	sst s9;
	s0 =	simm.s32 @!p0 $0x0  }
0x12: {  	s1 =	sld [smem:$0x3F89];
	s0 =	simm.s32 @p0 $0x1  }
0x13: {  	[smem:$0x3FA4] =	sst s0;
	s0 =	simm.s32 @!p1 $0x0  }
0x14: {  	s2 =	sld [smem:$0x3F88];
	s0 =	simm.s32 @p1 $0x1  }
0x15: {  	[smem:$0x3FA5] =	sst s0;
	s0 =	simm.s32 @!p2 $0x0  }
0x16: {  	s3 =	sld [smem:$0x3FDB];
	s0 =	simm.s32 @p2 $0x1  }
0x17: {  	s4 =	simm.s32 $0x1BF5;
	[smem:$0x3FA7] =	sst s0  }
0x18: {  	s0 =	sld [smem:$0x3F8A];
	_ =	swait.ge [sflag:s4], $0x0  }
0x19: {  	s7 =	sld [smem:$0x3F8B]  }
0x1a: {  	s8 =	sadd.s32 $0xFFFFE003, lr  }
0x1b: {  	s9 =	sadd.s32 $0xFFFFFEF7, lr;
	s5 =	simm.s32 $0xFFFFFFFF;
	p2 =	slt.u32 s8, $0xFFFFF086  }
0x1c: {  	p1 =	slt.u32 s9, $0xF7A;
	s5 =	simm.s32 @!p2 $0x0  }
0x1d: {  	s5 =	simm.s32 @p1 $0x1;
	p0 =	seq.s32 s7, s2  }
0x1e: {  	s7 =	smul.u32 @!p0 $0xF7A, s2;
	p2 =	seq.s32 @!p0 s5, $0x0  }
0x1f: {  	s9 =	smul.u32 $0xF7A, s1;
	s8 =	simm.s32 @!p0 $0x1BF5;
	p2 =	por !p2, p0  }
0x20: {  	[sflag:s8] =	ssyncset.s32 @!p0 $0xFFFFF086;
	s6 =	sadd.s32 @!p0 s3, s7;
	s7 =	simm.s32 @!p0 $0x108  }
0x21: {  	s3 =	sadd.s32 s3, s9;
	s6 =	sadd.s32 @!p0 $0x88, s6;
	s7 =	simm.s32 @p2 $0x1082  }
0x22: {  	[simem:s7], [sflag:s8] =	dma.local @!p0 [hbm:s6], $0xF7A  }
0x23: {  	s9 =	sor.u32 $0xD0000000, s2;
	s6 =	simm.s32 $0x108;
	_ =	swait.ge @!p0 [sflag:s8], $0x0  }
0x24: {  	s3 =	sadd.s32 $0x88, s3;
	s6 =	simm.s32 @!p1 $0x1082;
	[sflag:s4] =	ssyncset.s32 $0xFFFFF086  }
0x25: {  	[simem:s6], [sflag:s4] =	dma.local [hbm:s3], $0xF7A  }
0x26: {  	[smem:$0x3F8B] =	sst s1;
	(tag) =	ssettag s2;
	_ =	strace s9  }
0x27: {  	s1 =	sld [smem:$0x3F9B]  }
0x28: {  	s2 =	sld [smem:$0x3F9C]  }
0x29: {  	s4 =	sld [smem:$0x3F9E]  }
0x2a: {  	p0 =	seq.s32 s5, $0x0;
	s5 =	sld [smem:$0x3F9F]  }
0x2b: {  	s6 =	sld [smem:$0x3FA0]  }
0x2c: {  	s7 =	sld [smem:$0x3FA1]  }
0x2d: {  	s3 =	simm.s32 $0x108;
	s8 =	sld [smem:$0x3FA2]  }
0x2e: {  	s3 =	simm.s32 @!p0 $0x1082;
	s9 =	sld [smem:$0x3FA3]  }
0x2f: {  	lr =	sadd.s32 s0, s3;
	s0 =	sld [smem:$0x3F9A]  }
0x30: {  	s3 =	sld [smem:$0x3F9D]  }
0x31: {  	[smem:$0x3FA6] =	sst s10  }
0x32: {  	s10 =	sld [smem:$0x3FA4];
	_ =	sdelay $0x3  }
0x33: {  	p0 =	seq.s32 s10, $0x1;
	s10 =	sld [smem:$0x3FA6];
	_ =	sdelay $0x3  }
0x34: {  	[smem:$0x3FA6] =	sst s10  }
0x35: {  	s10 =	sld [smem:$0x3FA5];
	_ =	sdelay $0x3  }
0x36: {  	p1 =	seq.s32 s10, $0x1;
	s10 =	sld [smem:$0x3FA6];
	_ =	sdelay $0x3  }
0x37: {  	[smem:$0x3FA6] =	sst s10  }
0x38: {  	s10 =	sld [smem:$0x3FA7]  }
0x39: {  	_ = 	snop;
	(pc) =	sbr.ind lr, $3  }
0x3a: {  	_ = 	snop  }
0x3b: {  	_ = 	snop  }
0x3c: {  	p2 =	seq.s32 s10, $0x1;
	s10 =	sld [smem:$0x3FA6]  }
0x3d: {  	_ =	shalt  }
0x3e: {  	_ =	shalt  }
0x3f: {  	_ =	shalt  }
0x40: {  	_ =	shalt  }
0x41: {  	_ =	shalt  }
0x42: {  	_ =	shalt  }
0x43: {  	_ =	shalt  }
0x44: {  	_ =	shalt  }
0x45: {  	_ =	shalt  }
0x46: {  	_ =	shalt  }
0x47: {  	_ =	shalt  }
0x48: {  	_ =	shalt  }
0x49: {  	_ =	shalt  }
0x4a: {  	_ =	shalt  }
0x4b: {  	_ =	shalt  }
0x4c: {  	_ =	shalt  }
0x4d: {  	_ =	shalt  }
0x4e: {  	_ =	shalt  }
0x4f: {  	_ =	shalt  }
0x50: {  	_ =	shalt  }
0x51: {  	_ =	shalt  }
0x52: {  	_ =	shalt  }
0x53: {  	_ =	shalt  }
0x54: {  	_ =	shalt  }
0x55: {  	_ =	shalt  }
0x56: {  	_ =	shalt  }
0x57: {  	_ =	shalt  }
0x58: {  	_ =	shalt  }
0x59: {  	_ =	shalt  }
0x5a: {  	_ =	shalt  }
0x5b: {  	_ =	shalt  }
0x5c: {  	_ =	shalt  }
0x5d: {  	_ =	shalt  }
0x5e: {  	_ =	shalt  }
0x5f: {  	_ =	shalt  }
0x60: {  	_ =	shalt  }
0x61: {  	_ =	shalt  }
0x62: {  	_ =	shalt  }
0x63: {  	_ =	shalt  }
0x64: {  	_ =	shalt  }
0x65: {  	_ =	shalt  }
0x66: {  	_ =	shalt  }
0x67: {  	_ =	shalt  }
0x68: {  	_ =	shalt  }
0x69: {  	_ =	shalt  }
0x6a: {  	_ =	shalt  }
0x6b: {  	_ =	shalt  }
0x6c: {  	_ =	shalt  }
0x6d: {  	_ =	shalt  }
0x6e: {  	_ =	shalt  }
0x6f: {  	_ =	shalt  }
0x70: {  	_ =	shalt  }
0x71: {  	_ =	shalt  }
0x72: {  	_ =	shalt  }
0x73: {  	_ =	shalt  }
0x74: {  	_ =	shalt  }
0x75: {  	_ =	shalt  }
0x76: {  	_ =	shalt  }
0x77: {  	_ =	shalt  }
0x78: {  	_ =	shalt  }
0x79: {  	_ =	shalt  }
0x7a: {  	_ =	shalt  }
0x7b: {  	_ =	shalt  }
0x7c: {  	_ =	shalt  }
0x7d: {  	_ =	shalt  }
0x7e: {  	_ =	shalt  }
0x7f: {  	_ =	shalt  }
0x80: {  	_ =	shalt  }
0x81: {  	_ =	shalt  }
0x82: {  	_ =	shalt  }
0x83: {  	_ =	shalt  }
0x84: {  	_ =	shalt  }
0x85: {  	_ =	shalt  }
0x86: {  	_ =	shalt  }
0x87: {  	_ =	shalt  }
.Lfunc_end0:
.L_simem_size_0:
called_computation_lowered:
.L_overlay_start_0:
0x88: {  	s2 =	sld [smem:$0x3FD9]  }
0x89: {  	s3 =	sld [smem:$0x3FFE];
	_ =	sdelay $0x1  }
0x8a: {  	s1 =	srdreg.scid  }
0x8b: {  	s0 =	sand.u32 $0x1, s1  }
0x8c: {  	s17 =	sshll.u32 s0, $0xA;
	s2 =	sadd.s32 s3, s2  }
0x8d: {  	s2 =	sadd.s32 s2, s17  }
0x8e: {  	[smem:$0x3FB2] =	sst s2  }
0x8f: {  	_ = 	snop  }
0x90: {  	s2 =	sld [smem:$0x3FC9];
	(tm) =	ssettm $0x1  }
0x91: {  	s18 =	sld [smem:$0x3FFB];
	_ =	sdelay $0x3  }
0x92: {  	_ =	strace s18  }
0x93: {  	s3 =	sld [smem:$0x3FFC];
	_ =	sdelay $0x3  }
0x94: {  	_ =	strace s3  }
0x95: {  	s3 =	sld [smem:$0x3FFD];
	_ =	sdelay $0x3  }
0x96: {  	_ =	strace s3  }
0x97: {  	_ =	strace $0x8FFFFFFF  }
0x98: {  	s19 =	sld [smem:$0x3FDB];
	_ =	sdelay $0x1  }
0x99: {  	s4 =	simm.s32 $_scs_section_size  }
0x9a: {  	s5 =	simm.s32 $_size__tile_overlayer_lowered;
	s6 =	simm.s32 $_tile_overlayer_lowered  }
0x9b: {  	s22 =	simm.s32 $0x1BFF;
	s21 =	sshll.u32 s6, $0x1;
	s3 =	sadd.s32 s4, s19  }
0x9c: {  	s7 =	simm.s32 $0x0;
	s20 =	sshll.u32 s5, $0x1;
	s5 =	sadd.s32 s21, s3  }
0x9d: {  	[timem:s7], [sflag:s22] =	dma.local [hbm:s5], s20  }
0x9e: {  	_ =	swait.ge [sflag:s22], s20  }
0x9f: {  	s4 =	ssub.s32 $0x0, s20;
	[sflag:s22] =	ssyncset.done $0x0  }
0xa0: {  	[sflag:s22] =	ssyncadd.s32 s4;
	_ =	sdelay $0x1  }
0xa1: {  	s23 =	simm.s32 $0x1B8B  }
0xa2: {  	_ =	swait.ge [sflag:s23], $0x1  }
0xa3: {  	[sflag:s23] =	ssyncset.done $0x0  }
0xa4: {  	s25 =	simm.s32 $0x1B8E;
	s24 =	sld [smem:$0x3FFE];
	[sflag:s23] =	ssyncadd.s32 $0xFFFFFFFF  }
0xa5: {  	s26 =	simm.s32 $execute0_lowered;
	[smem:$0x3FD2] =	sst s25  }
0xa6: {  	s5 =	sshll.u32 s26, $0x1;
	_ =	strace $0x80000046;
	[dreg:$0x1] =	wrdreg $0xFFFFFFFF  }
0xa7: {  	s28 =	simm.s32 $_size_execute0_lowered;
	s3 =	sadd.s32 s3, s5;
	[dreg:$0x0] =	wrdreg $0x0  }
0xa8: {  	s5 =	sshll.u32 s28, $0x1;
	[dreg:$0x2] =	wrdreg s3  }
0xa9: {  	[dreg:$0x3] =	wrdreg s5  }
0xaa: {  	[dreg:$0x4] =	wrdreg $0xC0  }
0xab: {  	_ =	task [dreg:s7], $0x5FFFF  }
0xac: {  	[dreg:$0x1] =	wrdreg $0xFFFFFFFF  }
0xad: {  	[dreg:$0x0] =	wrdreg $0x60  }
0xae: {  	[dreg:$0x2] =	wrdreg s2  }
0xaf: {  	[dreg:$0x3] =	wrdreg s24  }
0xb0: {  	[dreg:$0x4] =	wrdreg $0x90000  }
0xb1: {  	[dreg:$0x5] =	wrdreg $0x9  }
0xb2: {  	_ =	task.clear_ibuf [dreg:s7], $0x6FFFF;
	_ =	strace $0x90000046  }
0xb3: {  	s29 =	simm.s32 $0x9;
	_ =	strace $0x80000048  }
0xb4: {  	_ =	swait.ge [sflag:s29], $0x1  }
0xb5: {  	[sflag:s29] =	ssyncadd.s32 $0xFFFFFFFF  }
0xb6: {  	_ =	strace $0x90000048  }
0xb7: {  	_ =	sfence  }
0xb8: {  	s30 =	sld [smem:$0x0];
	_ =	sdelay $0x2  }
0xb9: {  	s31 =	sshll.u32 s1, $0xD;
	s1 =	sshrl.u32 s1, $0x2  }
0xba: {  	s3 =	sand.u32 $0x4000, s31;
	s1 =	sadd.s32 s1, s30  }
0xbb: {  	s0 =	sor.u32 s3, s0;
	s1 =	sshll.u32 s1, $0x11  }
0xbc: {  	s0 =	sor.u32 s1, s0  }
0xbd: {  	s0 =	sadd.s32 $0x8F2B, s0  }
0xbe: {  	[sflag:s0] =	ssyncadd.remote.s32 $0x1  }
0xbf: {  	_ =	sfence.sel $0xFFFF  }
0xc0: {  	[dreg:$0x0] =	wrdreg $0xFFFFFFFF;
	(pc) =	sbr.abs _section_cstart, $3  }
0xc1: {  	[dreg:$0x1] =	wrdreg $0xFFFFFFFF  }
0xc2: {  	_ =	task.clear_ibuf [dreg:s7], $0x2FFFF;
	_ =	strace $0x9FFFFFFF  }
0xc3: {  	(tm) =	ssettm $0x7FFFFFFF  }
tec
execute0_lowered:
.L_overlay_start_1:
0x0: {  	(tag) =	ssettag $0x1  }
0x1: {  	s1 =	rddreg [dreg:$0x0]  }
0x2: {  	s0 =	rddreg [dreg:$0x1]  }
0x3: {  	s2 =	rddreg [dreg:$0x2];
	s3 =	srdreg.scid  }
0x4: {  	s4 =	simm.s32 $0x0;
	s26 =	stileid.u32;
	s16 =	simm.s32 $0x3  }
0x5: {  	s17 =	simm.s32 $0x800;
	s18 =	simm.s32 $0x80;
	s19 =	simm.s32 $0x1000  }
0x6: {  	s20 =	simm.s32 $0x5000;
	s21 =	simm.s32 $0x1;
	s22 =	simm.s32 $0x2  }
0x7: {  	s23 =	simm.s32 $0x1CC00;
	s24 =	simm.s32 $0x780;
	s28 =	simm.s32 $0xF80  }
0x8: {  	s8 =	sand.u32 $0x1, s3;
	[smem:$0x7FF] =	sst s4;
	s6 =	smul.u32 $0x2780, s26  }
0x9: {  	s7 =	sadd.s32 $0x4A00, s0;
	s10 =	sshll.u32 s26, $0x7;
	s29 =	smul.u32 $0x4F000, s26  }
0xa: {  	s31 =	sshll.u32 s26, $0x6;
	s25 =	sadd.s32 $0x128400, s2;
	p0 =	seq.s32 s26, $0xF  }
0xb: {  	s5 =	sshll.u32 s8, $0x4;
	_ =	strace $0x80000047;
	s13 =	smul.u32 $0x27100, s8  }
0xc: {  	s10 =	sand.u32 $0x380, s10;
	s8 =	ssub.s32 $0x2, s8;
	s11 =	sor.u32 s26, s5  }
0xd: {  	s25 =	sshrl.u32 @p0 s25, $0x3;
	s5 =	sadd.s32 $0xEA00, s0;
	s9 =	sshrl.u32 s11, $0x3  }
0xe: {  	s12 =	sadd.s32 s6, s0;
	s14 =	sshrl.u32 s8, $0x1;
	s9 =	smul.u32 $0x13C00, s9  }
0xf: {  	s30 =	sshrl.u32 s29, $0x2;
	s26 =	simm.s32 $0xF00;
	s13 =	sadd.s32 s13, s0  }
0x10: {  	s14 =	ssub.s32 s8, s14;
	s8 =	sadd.s32 s30, s2;
	s9 =	sor.u32 s10, s9  }
0x11: {  	s11 =	smul.u32 $0x2800, s11;
	s14 =	smax.u32 s14, $0x1;
	s9 =	sshrl.u32 s9, $0x3  }
0x12: {  	s15 =	sshrl.u32 s8, $0x3;
	s10 =	sor.u32 $0x1C03, s31;
	s0 =	sadd.s32 s9, s0  }
0x13: {  	v0 =	vimm.f32 $0.0e+00;
	v1 =	vimm.f32 $1.000000000e+00;
	s9 =	sadd.s32 $0x18A00, s12;
	s12 =	sadd.s32 $0x4A000, s13;
	s13 =	sadd.s32 $0x40200, s0  }
.LBB2_1:
0x14: {  	[spmem:s15], [sflag:s10] =	dma.local [hbm:s9], $0x2780  }
0x15: {  	_ =	swait.ge [sflag:s16], $0x2780  }
0x16: {  	[sflag:s16] =	ssyncset.done $0x0  }
0x17: {  	s0 =	simm.s32 $0x40;
	s30 =	simm.s32 $0x0;
	[sflag:s16] =	ssyncadd.s32 $0xFFFFD880  }
.LBB2_2:
0x18: {  	p1 =	sne.s32 s0, $0x9C40;
	[tilespmem:s30+$0x1CC00] =	vst v0;
	s30 =	smov.u32 s0;
	s0 =	sadd.s32 $0x40, s0  }
.Ltmp0:
0x19: {  	(pc) =	sbr.rel @p1 .LBB2_2-.Ltmp0, $2  }
0x1a: {  	_ =	sdelay $0x2  }
0x1b: {  	s30 =	sshra.s32 s30, $0x2  }
0x1c: {  	[tilespmem:s30+$0x1CC00] =	vst v0  }
0x1d: {  	s30 =	simm.s32 $0x0;
	s31 =	simm.s32 $0x0;
	[bflag:$0x0] =	sbarrier.arrive $0xFFFF  }
.LBB2_4:
0x1e: {  	s0 =	sshll.u32 s31, $0xB  }
0x1f: {  	s0 =	sadd.s32 s11, s0  }
0x20: {  	s0 =	sshrl.u32 s0, $0x3  }
0x21: {  	s3 =	sadd.s32 s5, s0  }
0x22: {  	[tilespmem:s30], [sflag:$0x3] =	stream.linear.gather [hbm4b:s3+s30], $0x800, $0x38;
	[tilespmem:$0x1F380] =	vst v63  }
0x23: {  	_ =	swait.ge [sflag:s16], $0x800  }
0x24: {  	[sflag:s16] =	ssyncset.done $0x0  }
0x25: {  	s0 =	sadd.s32 s7, s0;
	[sflag:s16] =	ssyncadd.s32 $0xFFFFF800  }
0x26: {  	[tilespmem:s17], [sflag:$0x3] =	stream.linear.gather [hbm4b:s0+s30], $0x800, $0x38;
	[tilespmem:$0x1F380] =	vst v63  }
0x27: {  	_ =	swait.ge [sflag:s16], $0x800  }
0x28: {  	[sflag:s16] =	ssyncset.done $0x0  }
0x29: {  	s0 =	simm.s32 $0x0;
	[sflag:s16] =	ssyncadd.s32 $0xFFFFF800  }
0x2a: {  	[tilespmem:s19], [sflag:$0x1] =	stream.indirect.gather [hbm4b:s1+s18], $0x80, s30, s18, $0xb8;
	[tilespmem:$0x1F380] =	vst v63  }
.LBB2_5:
0x2b: {  	s3 =	sshra.s32 s0, $0x2  }
0x2c: {  	s29 =	sadd.s32 $0x80, s3  }
0x2d: {  	[tilespmem:s20], [sflag:$0x2] =	stream.indirect.gather [hbm4b:s1+s18], $0x80, s29, s18, $0xb8;
	[tilespmem:$0x1F380] =	vst v63  }
0x2e: {  	_ =	swait.ge [sflag:s21], $0x4000  }
0x2f: {  	[sflag:s21] =	ssyncset.done $0x0  }
0x30: {  	s29 =	sadd.s32 $0x800, s3;
	[sflag:s21] =	ssyncadd.s32 $0xFFFFC000  }
0x31: {  	[spmem:s2] =	stream.indirect.scatter.add.f32 [tilespmem:s19], [sflag:$0x3], $0x80, s29, s18, $0xb8;
	[tilespmem:$0x1F380] =	vst v63  }
0x32: {  	_ =	swait.ge [sflag:s16], $0x4000  }
0x33: {  	[sflag:s16] =	ssyncset.done $0x0  }
0x34: {  	s29 =	sadd.s32 $0x100, s3;
	[sflag:s16] =	ssyncadd.s32 $0xFFFFC000  }
0x35: {  	[tilespmem:s19], [sflag:$0x1] =	stream.indirect.gather [hbm4b:s1+s18], $0x80, s29, s18, $0xb8;
	[tilespmem:$0x1F380] =	vst v63  }
0x36: {  	_ =	swait.ge [sflag:s22], $0x4000  }
0x37: {  	[sflag:s22] =	ssyncset.done $0x0  }
0x38: {  	s29 =	sadd.s32 $0x880, s3;
	[sflag:s22] =	ssyncadd.s32 $0xFFFFC000  }
0x39: {  	[spmem:s2] =	stream.indirect.scatter.add.f32 [tilespmem:s20], [sflag:$0x3], $0x80, s29, s18, $0xb8;
	[tilespmem:$0x1F380] =	vst v63  }
0x3a: {  	_ =	swait.ge [sflag:s16], $0x4000  }
0x3b: {  	[sflag:s16] =	ssyncset.done $0x0  }
0x3c: {  	[sflag:s16] =	ssyncadd.s32 $0xFFFFC000  }
0x3d: {  	v2 =	vld [tilespmem:s3+$0x800];
	_ =	sdelay $0x7  }
0x3e: {  	[tilespmem:v2+s23+$0x0] =	vst.idx.add.f32.msk $0xffff, v1  }
0x3f: {  	v2 =	vld [tilespmem:s3+$0x880];
	_ =	sdelay $0x7  }
0x40: {  	[tilespmem:v2+s23+$0x0] =	vst.idx.add.f32.msk $0xffff, v1  }
0x41: {  	v2 =	vld [tilespmem:s3+$0x810];
	_ =	sdelay $0x7  }
0x42: {  	[tilespmem:v2+s23+$0x0] =	vst.idx.add.f32.msk $0xffff, v1  }
0x43: {  	v2 =	vld [tilespmem:s3+$0x890];
	_ =	sdelay $0x7  }
0x44: {  	[tilespmem:v2+s23+$0x0] =	vst.idx.add.f32.msk $0xffff, v1  }
0x45: {  	v2 =	vld [tilespmem:s3+$0x820];
	_ =	sdelay $0x7  }
0x46: {  	[tilespmem:v2+s23+$0x0] =	vst.idx.add.f32.msk $0xffff, v1  }
0x47: {  	v2 =	vld [tilespmem:s3+$0x8A0];
	_ =	sdelay $0x7  }
0x48: {  	[tilespmem:v2+s23+$0x0] =	vst.idx.add.f32.msk $0xffff, v1  }
0x49: {  	v2 =	vld [tilespmem:s3+$0x830];
	_ =	sdelay $0x7  }
0x4a: {  	[tilespmem:v2+s23+$0x0] =	vst.idx.add.f32.msk $0xffff, v1  }
0x4b: {  	v2 =	vld [tilespmem:s3+$0x8B0];
	_ =	sdelay $0x7  }
0x4c: {  	[tilespmem:v2+s23+$0x0] =	vst.idx.add.f32.msk $0xffff, v1  }
0x4d: {  	v2 =	vld [tilespmem:s3+$0x840];
	_ =	sdelay $0x7  }
0x4e: {  	[tilespmem:v2+s23+$0x0] =	vst.idx.add.f32.msk $0xffff, v1  }
0x4f: {  	v2 =	vld [tilespmem:s3+$0x8C0];
	_ =	sdelay $0x7  }
0x50: {  	[tilespmem:v2+s23+$0x0] =	vst.idx.add.f32.msk $0xffff, v1  }
0x51: {  	v2 =	vld [tilespmem:s3+$0x850];
	_ =	sdelay $0x7  }
0x52: {  	[tilespmem:v2+s23+$0x0] =	vst.idx.add.f32.msk $0xffff, v1  }
0x53: {  	v2 =	vld [tilespmem:s3+$0x8D0];
	_ =	sdelay $0x7  }
0x54: {  	[tilespmem:v2+s23+$0x0] =	vst.idx.add.f32.msk $0xffff, v1  }
0x55: {  	v2 =	vld [tilespmem:s3+$0x860];
	_ =	sdelay $0x7  }
0x56: {  	[tilespmem:v2+s23+$0x0] =	vst.idx.add.f32.msk $0xffff, v1  }
0x57: {  	v2 =	vld [tilespmem:s3+$0x8E0];
	_ =	sdelay $0x7  }
0x58: {  	[tilespmem:v2+s23+$0x0] =	vst.idx.add.f32.msk $0xffff, v1  }
0x59: {  	v2 =	vld [tilespmem:s3+$0x870];
	_ =	sdelay $0x7  }
0x5a: {  	[tilespmem:v2+s23+$0x0] =	vst.idx.add.f32.msk $0xffff, v1  }
0x5b: {  	v2 =	vld [tilespmem:s3+$0x8F0];
	_ =	sdelay $0x2  }
0x5c: {  	p1 =	sne.s32 s0, $0x1800  }
.Ltmp1:
0x5d: {  	_ = 	snop;
	(pc) =	sbr.rel @p1 .LBB2_5-.Ltmp1, $2  }
0x5e: {  	_ =	sdelay $0x2  }
0x5f: {  	s0 =	sadd.s32 $0x400, s0;
	[tilespmem:v2+s23+$0x0] =	vst.idx.add.f32.msk $0xffff, v1  }
0x60: {  	[tilespmem:s20], [sflag:$0x2] =	stream.indirect.gather [hbm4b:s1+s18], $0x80, s24, s18, $0xb8;
	[tilespmem:$0x1F380] =	vst v63  }
0x61: {  	_ =	swait.ge [sflag:s21], $0x4000  }
0x62: {  	[sflag:s21] =	ssyncset.done $0x0  }
0x63: {  	[sflag:s21] =	ssyncadd.s32 $0xFFFFC000  }
0x64: {  	[spmem:s2] =	stream.indirect.scatter.add.f32 [tilespmem:s19], [sflag:$0x3], $0x80, s26, s18, $0xb8;
	[tilespmem:$0x1F380] =	vst v63  }
0x65: {  	_ =	swait.ge [sflag:s16], $0x4000  }
0x66: {  	[sflag:s16] =	ssyncset.done $0x0  }
0x67: {  	[sflag:s16] =	ssyncadd.s32 $0xFFFFC000  }
0x68: {  	_ =	swait.ge [sflag:s22], $0x4000  }
0x69: {  	[sflag:s22] =	ssyncset.done $0x0  }
0x6a: {  	[sflag:s22] =	ssyncadd.s32 $0xFFFFC000  }
0x6b: {  	[spmem:s2] =	stream.indirect.scatter.add.f32 [tilespmem:s20], [sflag:$0x3], $0x80, s28, s18, $0xb8;
	[tilespmem:$0x1F380] =	vst v63  }
0x6c: {  	_ =	swait.ge [sflag:s16], $0x4000  }
0x6d: {  	[sflag:s16] =	ssyncset.done $0x0  }
0x6e: {  	[sflag:s16] =	ssyncadd.s32 $0xFFFFC000  }
0x6f: {  	v2 =	vld [tilespmem:$0xF00];
	_ =	sdelay $0x7  }
0x70: {  	[tilespmem:v2+s23+$0x0] =	vst.idx.add.f32.msk $0xffff, v1  }
0x71: {  	v2 =	vld [tilespmem:$0xF80];
	_ =	sdelay $0x7  }
0x72: {  	[tilespmem:v2+s23+$0x0] =	vst.idx.add.f32.msk $0xffff, v1  }
0x73: {  	v2 =	vld [tilespmem:$0xF10];
	_ =	sdelay $0x7  }
0x74: {  	[tilespmem:v2+s23+$0x0] =	vst.idx.add.f32.msk $0xffff, v1  }
0x75: {  	v2 =	vld [tilespmem:$0xF90];
	_ =	sdelay $0x7  }
0x76: {  	[tilespmem:v2+s23+$0x0] =	vst.idx.add.f32.msk $0xffff, v1  }
0x77: {  	v2 =	vld [tilespmem:$0xF20];
	_ =	sdelay $0x7  }
0x78: {  	[tilespmem:v2+s23+$0x0] =	vst.idx.add.f32.msk $0xffff, v1  }
0x79: {  	v2 =	vld [tilespmem:$0xFA0];
	_ =	sdelay $0x7  }
0x7a: {  	[tilespmem:v2+s23+$0x0] =	vst.idx.add.f32.msk $0xffff, v1  }
0x7b: {  	v2 =	vld [tilespmem:$0xF30];
	_ =	sdelay $0x7  }
0x7c: {  	[tilespmem:v2+s23+$0x0] =	vst.idx.add.f32.msk $0xffff, v1  }
0x7d: {  	v2 =	vld [tilespmem:$0xFB0];
	_ =	sdelay $0x7  }
0x7e: {  	[tilespmem:v2+s23+$0x0] =	vst.idx.add.f32.msk $0xffff, v1  }
0x7f: {  	v2 =	vld [tilespmem:$0xF40];
	_ =	sdelay $0x7  }
0x80: {  	[tilespmem:v2+s23+$0x0] =	vst.idx.add.f32.msk $0xffff, v1  }
0x81: {  	v2 =	vld [tilespmem:$0xFC0];
	_ =	sdelay $0x7  }
0x82: {  	[tilespmem:v2+s23+$0x0] =	vst.idx.add.f32.msk $0xffff, v1  }
0x83: {  	v2 =	vld [tilespmem:$0xF50];
	_ =	sdelay $0x7  }
0x84: {  	[tilespmem:v2+s23+$0x0] =	vst.idx.add.f32.msk $0xffff, v1  }
0x85: {  	v2 =	vld [tilespmem:$0xFD0];
	_ =	sdelay $0x7  }
0x86: {  	[tilespmem:v2+s23+$0x0] =	vst.idx.add.f32.msk $0xffff, v1  }
0x87: {  	v2 =	vld [tilespmem:$0xF60];
	_ =	sdelay $0x7  }
0x88: {  	[tilespmem:v2+s23+$0x0] =	vst.idx.add.f32.msk $0xffff, v1  }
0x89: {  	v2 =	vld [tilespmem:$0xFE0];
	_ =	sdelay $0x7  }
0x8a: {  	[tilespmem:v2+s23+$0x0] =	vst.idx.add.f32.msk $0xffff, v1  }
0x8b: {  	v2 =	vld [tilespmem:$0xF70];
	_ =	sdelay $0x7  }
0x8c: {  	[tilespmem:v2+s23+$0x0] =	vst.idx.add.f32.msk $0xffff, v1  }
0x8d: {  	v2 =	vld [tilespmem:$0xFF0];
	_ =	sdelay $0x1  }
0x8e: {  	s31 =	sadd.s32 $0x1, s31  }
0x8f: {  	p1 =	sne.s32 s31, $0x5  }
.Ltmp2:
0x90: {  	_ = 	snop;
	(pc) =	sbr.rel @p1 .LBB2_4-.Ltmp2, $2  }
0x91: {  	_ =	sdelay $0x2  }
0x92: {  	[tilespmem:v2+s23+$0x0] =	vst.idx.add.f32.msk $0xffff, v1  }
0x93: {  	[bflag:$0x0] =	sbarrier.arrive $0xFFFF;
	s0 =	sadd.s32 @p0 $0x25080, s12  }
0x94: {  	[hbm:s0], [sflag:s10] =	dma.local @p0 [spmem:s25], $0x2080  }
0x95: {  	s0 =	simm.s32 @p0 $0x3  }
0x96: {  	_ =	swait.ge @p0 [sflag:s0], $0x2080  }
0x97: {  	[sflag:s0] =	ssyncset.done @p0 $0x0  }
0x98: {  	s3 =	sshrl.u32 @!p0 s8, $0x3;
	[sflag:s0] =	ssyncadd.s32 @p0 $0xFFFFDF80;
	s0 =	sadd.s32 @!p0 s6, s12  }
0x99: {  	[hbm:s0], [sflag:s10] =	dma.local @!p0 [spmem:s3], $0x2780  }
0x9a: {  	s0 =	simm.s32 @!p0 $0x3  }
0x9b: {  	s4 =	sadd.s32 $0x1, s4;
	_ =	swait.ge @!p0 [sflag:s0], $0x2780  }
0x9c: {  	p1 =	sne.s32 s4, s14;
	[sflag:s0] =	ssyncset.done @!p0 $0x0  }
.Ltmp3:
0x9d: {  	s31 =	simm.s32 $0x400;
	[sflag:s0] =	ssyncadd.s32 @!p0 $0xFFFFD880;
	(pc) =	sbr.rel @p1 .LBB2_1-.Ltmp3, $4  }
0x9e: {  	[hbm4b:s13+s18] =	stream.strided.scatter [tilespmem:s23], [sflag:$0x3], $0x2780, s31, s18, $0x38;
	[tilespmem:$0x1F380] =	vst v63  }
0x9f: {  	_ =	swait.ge [sflag:s16], $0x2780  }
0xa0: {  	[sflag:s16] =	ssyncset.done $0x0  }
0xa1: {  	[sflag:s16] =	ssyncadd.s32 $0xFFFFD880  }
0xa2: {  	_ =	sfence.sel $0x180000  }
0xa3: {  	[bflag:$0x0] =	sbarrier.arrive $0xFFFF  }
0xa4: {  	_ =	strace $0x90000047  }
0xa5: {  	s0 =	stileid.u32;
	[bflag:$0x2] =	sbarrier.arrive $0xFFFF  }
0xa6: {  	p0 =	sne.s32 s0, $0x0;
	s0 =	rddreg [dreg:$0x3]  }
0xa7: {  	s0 =	sadd.s32 @!p0 $0x100000, s0  }
0xa8: {  	[sflag:s0] =	ssyncadd.tile.s32 @!p0 $0x1;
	_ =	shalt  }
.Lfunc_end2:
_tile_overlayer_lowered:
.L_overlay_start_2:
0xa9: {  	(tag) =	ssettag $0x2  }
0xaa: {  	s0 =	rddreg [dreg:$0x0];
	s2 =	stileid.u32  }
0xab: {  	s1 =	rddreg [dreg:$0x1];
	p0 =	sne.s32 s2, $0x0  }
0xac: {  	s3 =	rddreg [dreg:$0x2];
	[bflag:$0x3] =	sbarrier.arrive $0xFFFF;
	s2 =	simm.s32 @!p0 $0x1C03  }
0xad: {  	[timem:s3], [sflag:s2] =	dma.local @!p0 [hbm:s0], s1  }
0xae: {  	s0 =	simm.s32 @!p0 $0x3  }
0xaf: {  	_ =	swait.ge @!p0 [sflag:s0], s1  }
0xb0: {  	s1 =	ssub.s32 @!p0 $0x0, s1;
	[sflag:s0] =	ssyncset.done @!p0 $0x0  }
0xb1: {  	[sflag:s0] =	ssyncadd.s32 @!p0 s1  }
0xb2: {  	[bflag:$0x3] =	sbarrier.arrive $0xFFFF  }
0xb3: {  	_ =	shalt  }

// kernel: kernel.15.cloned.1.call-start
scs
__scs_entry_jumppad:
0x0: {  	(pc) =	sbr.rel $0x88, $3  }
0x1: {  	(tag) =	ssettag $0x0;
	lr =	simm.s32 $0x1  }
0x2: {  	[smem:$0x3F8B] =	sst lr;
	_ =	strace $0xD0000000  }
0x3: {  	_ = 	snop  }
0x4: {  	_ = 	snop  }
0x5: {  	_ = 	snop  }
0x6: {  	_ = 	snop  }
0x7: {  	_ = 	snop  }
__scs_overlays_trampoline_lowered:
0x8: {  	[smem:$0x3F9A] =	sst s0  }
0x9: {  	[smem:$0x3F9B] =	sst s1  }
0xa: {  	[smem:$0x3F9C] =	sst s2  }
0xb: {  	[smem:$0x3F9D] =	sst s3  }
0xc: {  	[smem:$0x3F9E] =	sst s4  }
0xd: {  	[smem:$0x3F9F] =	sst s5  }
0xe: {  	[smem:$0x3FA0] =	sst s6  }
0xf: {  	[smem:$0x3FA1] =	sst s7  }
0x10: {  	[smem:$0x3FA2] =	sst s8  }
0x11: {  	[smem:$0x3FA3] =	sst s9;
	s0 =	simm.s32 @!p0 $0x0  }
0x12: {  	s1 =	sld [smem:$0x3F89];
	s0 =	simm.s32 @p0 $0x1  }
0x13: {  	[smem:$0x3FA4] =	sst s0;
	s0 =	simm.s32 @!p1 $0x0  }
0x14: {  	s2 =	sld [smem:$0x3F88];
	s0 =	simm.s32 @p1 $0x1  }
0x15: {  	[smem:$0x3FA5] =	sst s0;
	s0 =	simm.s32 @!p2 $0x0  }
0x16: {  	s3 =	sld [smem:$0x3FDB];
	s0 =	simm.s32 @p2 $0x1  }
0x17: {  	s4 =	simm.s32 $0x1BF5;
	[smem:$0x3FA7] =	sst s0  }
0x18: {  	s0 =	sld [smem:$0x3F8A];
	_ =	swait.ge [sflag:s4], $0x0  }
0x19: {  	s7 =	sld [smem:$0x3F8B]  }
0x1a: {  	s8 =	sadd.s32 $0xFFFFE003, lr  }
0x1b: {  	s9 =	sadd.s32 $0xFFFFFEF7, lr;
	s5 =	simm.s32 $0xFFFFFFFF;
	p2 =	slt.u32 s8, $0xFFFFF086  }
0x1c: {  	p1 =	slt.u32 s9, $0xF7A;
	s5 =	simm.s32 @!p2 $0x0  }
0x1d: {  	s5 =	simm.s32 @p1 $0x1;
	p0 =	seq.s32 s7, s2  }
0x1e: {  	s7 =	smul.u32 @!p0 $0xF7A, s2;
	p2 =	seq.s32 @!p0 s5, $0x0  }
0x1f: {  	s9 =	smul.u32 $0xF7A, s1;
	s8 =	simm.s32 @!p0 $0x1BF5;
	p2 =	por !p2, p0  }
0x20: {  	[sflag:s8] =	ssyncset.s32 @!p0 $0xFFFFF086;
	s6 =	sadd.s32 @!p0 s3, s7;
	s7 =	simm.s32 @!p0 $0x108  }
0x21: {  	s3 =	sadd.s32 s3, s9;
	s6 =	sadd.s32 @!p0 $0x88, s6;
	s7 =	simm.s32 @p2 $0x1082  }
0x22: {  	[simem:s7], [sflag:s8] =	dma.local @!p0 [hbm:s6], $0xF7A  }
0x23: {  	s9 =	sor.u32 $0xD0000000, s2;
	s6 =	simm.s32 $0x108;
	_ =	swait.ge @!p0 [sflag:s8], $0x0  }
0x24: {  	s3 =	sadd.s32 $0x88, s3;
	s6 =	simm.s32 @!p1 $0x1082;
	[sflag:s4] =	ssyncset.s32 $0xFFFFF086  }
0x25: {  	[simem:s6], [sflag:s4] =	dma.local [hbm:s3], $0xF7A  }
0x26: {  	[smem:$0x3F8B] =	sst s1;
	(tag) =	ssettag s2;
	_ =	strace s9  }
0x27: {  	s1 =	sld [smem:$0x3F9B]  }
0x28: {  	s2 =	sld [smem:$0x3F9C]  }
0x29: {  	s4 =	sld [smem:$0x3F9E]  }
0x2a: {  	p0 =	seq.s32 s5, $0x0;
	s5 =	sld [smem:$0x3F9F]  }
0x2b: {  	s6 =	sld [smem:$0x3FA0]  }
0x2c: {  	s7 =	sld [smem:$0x3FA1]  }
0x2d: {  	s3 =	simm.s32 $0x108;
	s8 =	sld [smem:$0x3FA2]  }
0x2e: {  	s3 =	simm.s32 @!p0 $0x1082;
	s9 =	sld [smem:$0x3FA3]  }
0x2f: {  	lr =	sadd.s32 s0, s3;
	s0 =	sld [smem:$0x3F9A]  }
0x30: {  	s3 =	sld [smem:$0x3F9D]  }
0x31: {  	[smem:$0x3FA6] =	sst s10  }
0x32: {  	s10 =	sld [smem:$0x3FA4];
	_ =	sdelay $0x3  }
0x33: {  	p0 =	seq.s32 s10, $0x1;
	s10 =	sld [smem:$0x3FA6];
	_ =	sdelay $0x3  }
0x34: {  	[smem:$0x3FA6] =	sst s10  }
0x35: {  	s10 =	sld [smem:$0x3FA5];
	_ =	sdelay $0x3  }
0x36: {  	p1 =	seq.s32 s10, $0x1;
	s10 =	sld [smem:$0x3FA6];
	_ =	sdelay $0x3  }
0x37: {  	[smem:$0x3FA6] =	sst s10  }
0x38: {  	s10 =	sld [smem:$0x3FA7]  }
0x39: {  	_ = 	snop;
	(pc) =	sbr.ind lr, $3  }
0x3a: {  	_ = 	snop  }
0x3b: {  	_ = 	snop  }
0x3c: {  	p2 =	seq.s32 s10, $0x1;
	s10 =	sld [smem:$0x3FA6]  }
0x3d: {  	_ =	shalt  }
0x3e: {  	_ =	shalt  }
0x3f: {  	_ =	shalt  }
0x40: {  	_ =	shalt  }
0x41: {  	_ =	shalt  }
0x42: {  	_ =	shalt  }
0x43: {  	_ =	shalt  }
0x44: {  	_ =	shalt  }
0x45: {  	_ =	shalt  }
0x46: {  	_ =	shalt  }
0x47: {  	_ =	shalt  }
0x48: {  	_ =	shalt  }
0x49: {  	_ =	shalt  }
0x4a: {  	_ =	shalt  }
0x4b: {  	_ =	shalt  }
0x4c: {  	_ =	shalt  }
0x4d: {  	_ =	shalt  }
0x4e: {  	_ =	shalt  }
0x4f: {  	_ =	shalt  }
0x50: {  	_ =	shalt  }
0x51: {  	_ =	shalt  }
0x52: {  	_ =	shalt  }
0x53: {  	_ =	shalt  }
0x54: {  	_ =	shalt  }
0x55: {  	_ =	shalt  }
0x56: {  	_ =	shalt  }
0x57: {  	_ =	shalt  }
0x58: {  	_ =	shalt  }
0x59: {  	_ =	shalt  }
0x5a: {  	_ =	shalt  }
0x5b: {  	_ =	shalt  }
0x5c: {  	_ =	shalt  }
0x5d: {  	_ =	shalt  }
0x5e: {  	_ =	shalt  }
0x5f: {  	_ =	shalt  }
0x60: {  	_ =	shalt  }
0x61: {  	_ =	shalt  }
0x62: {  	_ =	shalt  }
0x63: {  	_ =	shalt  }
0x64: {  	_ =	shalt  }
0x65: {  	_ =	shalt  }
0x66: {  	_ =	shalt  }
0x67: {  	_ =	shalt  }
0x68: {  	_ =	shalt  }
0x69: {  	_ =	shalt  }
0x6a: {  	_ =	shalt  }
0x6b: {  	_ =	shalt  }
0x6c: {  	_ =	shalt  }
0x6d: {  	_ =	shalt  }
0x6e: {  	_ =	shalt  }
0x6f: {  	_ =	shalt  }
0x70: {  	_ =	shalt  }
0x71: {  	_ =	shalt  }
0x72: {  	_ =	shalt  }
0x73: {  	_ =	shalt  }
0x74: {  	_ =	shalt  }
0x75: {  	_ =	shalt  }
0x76: {  	_ =	shalt  }
0x77: {  	_ =	shalt  }
0x78: {  	_ =	shalt  }
0x79: {  	_ =	shalt  }
0x7a: {  	_ =	shalt  }
0x7b: {  	_ =	shalt  }
0x7c: {  	_ =	shalt  }
0x7d: {  	_ =	shalt  }
0x7e: {  	_ =	shalt  }
0x7f: {  	_ =	shalt  }
0x80: {  	_ =	shalt  }
0x81: {  	_ =	shalt  }
0x82: {  	_ =	shalt  }
0x83: {  	_ =	shalt  }
0x84: {  	_ =	shalt  }
0x85: {  	_ =	shalt  }
0x86: {  	_ =	shalt  }
0x87: {  	_ =	shalt  }
.Lfunc_end0:
.L_simem_size_0:
called_computation.1_lowered:
.L_overlay_start_0:
0x88: {  	s2 =	sld [smem:$0x3FD9]  }
0x89: {  	s3 =	sld [smem:$0x3FFE];
	_ =	sdelay $0x1  }
0x8a: {  	s1 =	srdreg.scid  }
0x8b: {  	s0 =	sand.u32 $0x1, s1  }
0x8c: {  	s16 =	sshll.u32 s0, $0xA;
	s2 =	sadd.s32 s3, s2  }
0x8d: {  	s2 =	sadd.s32 s2, s16  }
0x8e: {  	[smem:$0x3FB2] =	sst s2  }
0x8f: {  	_ = 	snop  }
0x90: {  	(tm) =	ssettm $0x1  }
0x91: {  	s17 =	sld [smem:$0x3FFB];
	_ =	sdelay $0x3  }
0x92: {  	_ =	strace s17  }
0x93: {  	s2 =	sld [smem:$0x3FFC];
	_ =	sdelay $0x3  }
0x94: {  	_ =	strace s2  }
0x95: {  	s2 =	sld [smem:$0x3FFD];
	_ =	sdelay $0x3  }
0x96: {  	_ =	strace s2  }
0x97: {  	_ =	strace $0x8FFFFFFF  }
0x98: {  	s18 =	sld [smem:$0x3FDB];
	_ =	sdelay $0x1  }
0x99: {  	s19 =	simm.s32 $_scs_section_size  }
0x9a: {  	s4 =	simm.s32 $_size__tile_overlayer_lowered;
	s5 =	simm.s32 $_tile_overlayer_lowered  }
0x9b: {  	s22 =	simm.s32 $0x1BFF;
	s21 =	sshll.u32 s5, $0x1;
	s2 =	sadd.s32 s19, s18  }
0x9c: {  	s6 =	simm.s32 $0x0;
	s20 =	sshll.u32 s4, $0x1;
	s4 =	sadd.s32 s21, s2  }
0x9d: {  	[timem:s6], [sflag:s22] =	dma.local [hbm:s4], s20  }
0x9e: {  	_ =	swait.ge [sflag:s22], s20  }
0x9f: {  	s3 =	ssub.s32 $0x0, s20;
	[sflag:s22] =	ssyncset.done $0x0  }
0xa0: {  	[sflag:s22] =	ssyncadd.s32 s3;
	_ =	sdelay $0x1  }
0xa1: {  	s23 =	simm.s32 $0x1B8B  }
0xa2: {  	_ =	swait.ge [sflag:s23], $0x1  }
0xa3: {  	[sflag:s23] =	ssyncset.done $0x0  }
0xa4: {  	s25 =	simm.s32 $0x1B8E;
	s24 =	sld [smem:$0x3FFE];
	[sflag:s23] =	ssyncadd.s32 $0xFFFFFFFF  }
0xa5: {  	s26 =	simm.s32 $execute0_lowered;
	[smem:$0x3FD2] =	sst s25  }
0xa6: {  	s4 =	sshll.u32 s26, $0x1;
	_ =	strace $0x80000049;
	[dreg:$0x1] =	wrdreg $0xFFFFFFFF  }
0xa7: {  	s28 =	simm.s32 $_size_execute0_lowered;
	s2 =	sadd.s32 s2, s4;
	[dreg:$0x0] =	wrdreg $0x0  }
0xa8: {  	s4 =	sshll.u32 s28, $0x1;
	[dreg:$0x2] =	wrdreg s2  }
0xa9: {  	[dreg:$0x3] =	wrdreg s4  }
0xaa: {  	[dreg:$0x4] =	wrdreg $0xC0  }
0xab: {  	_ =	task [dreg:s6], $0x5FFFF  }
0xac: {  	[dreg:$0x1] =	wrdreg $0xFFFFFFFF  }
0xad: {  	[dreg:$0x0] =	wrdreg $0x60  }
0xae: {  	[dreg:$0x2] =	wrdreg s24  }
0xaf: {  	[dreg:$0x3] =	wrdreg $0xA8000  }
0xb0: {  	[dreg:$0x4] =	wrdreg $0x9  }
0xb1: {  	_ =	task.clear_ibuf [dreg:s6], $0x5FFFF;
	_ =	strace $0x90000049  }
0xb2: {  	s29 =	simm.s32 $0x9;
	_ =	strace $0x8000004B  }
0xb3: {  	_ =	swait.ge [sflag:s29], $0x1  }
0xb4: {  	[sflag:s29] =	ssyncadd.s32 $0xFFFFFFFF  }
0xb5: {  	_ =	strace $0x9000004B  }
0xb6: {  	_ =	sfence  }
0xb7: {  	s30 =	sld [smem:$0x0];
	_ =	sdelay $0x2  }
0xb8: {  	s31 =	sshll.u32 s1, $0xD;
	s1 =	sshrl.u32 s1, $0x2  }
0xb9: {  	s3 =	sand.u32 $0x4000, s31;
	s1 =	sadd.s32 s1, s30  }
0xba: {  	s0 =	sor.u32 s3, s0;
	s1 =	sshll.u32 s1, $0x11  }
0xbb: {  	s0 =	sor.u32 s1, s0  }
0xbc: {  	s0 =	sadd.s32 $0x8F2B, s0  }
0xbd: {  	[sflag:s0] =	ssyncadd.remote.s32 $0x1  }
0xbe: {  	_ =	sfence.sel $0xFFFF  }
0xbf: {  	[dreg:$0x0] =	wrdreg $0xFFFFFFFF;
	(pc) =	sbr.abs _section_cstart, $3  }
0xc0: {  	[dreg:$0x1] =	wrdreg $0xFFFFFFFF  }
0xc1: {  	_ =	task.clear_ibuf [dreg:s6], $0x2FFFF;
	_ =	strace $0x9FFFFFFF  }
0xc2: {  	(tm) =	ssettm $0x7FFFFFFF  }
0xc3: {  	_ =	shalt  }
tec
execute0_lowered:
.L_overlay_start_1:
0x0: {  	(tag) =	ssettag $0x1  }
0x1: {  	s6 =	rddreg [dreg:$0x0]  }
0x2: {  	s1 =	rddreg [dreg:$0x1];
	s3 =	simm.s32 $0x0;
	s0 =	stileid.u32  }
0x3: {  	s7 =	srdreg.scid;
	s17 =	simm.s32 $0x1400;
	s18 =	simm.s32 $0x80  }
0x4: {  	s19 =	simm.s32 $0x2800;
	s20 =	simm.s32 $0x6800;
	s21 =	simm.s32 $0x1  }
0x5: {  	s22 =	simm.s32 $0x2;
	s23 =	simm.s32 $0x1380;
	s24 =	simm.s32 $0x2700  }
0x6: {  	s26 =	simm.s32 $0x2780;
	s28 =	simm.s32 $0x0;
	[smem:$0x7FF] =	sst s3  }
0x7: {  	s4 =	sadd.s32 $0x40200, s6;
	s5 =	smul.u32 $0x2780, s0;
	s7 =	sand.u32 $0x1, s7  }
0x8: {  	s13 =	sadd.s32 $0xEA00, s6;
	s14 =	sadd.s32 $0x4A00, s6;
	s11 =	smul.u32 $0x4F000, s0  }
0x9: {  	s31 =	sshll.u32 s0, $0x6;
	s25 =	sadd.s32 $0x128400, s1;
	p0 =	seq.s32 s0, $0xF  }
0xa: {  	_ =	strace $0x8000004A;
	s8 =	smul.u32 $0x27100, s7;
	s10 =	ssub.s32 $0x2, s7  }
0xb: {  	s7 =	sshll.u32 s7, $0x4;
	s25 =	sshrl.u32 @p0 s25, $0x3;
	s9 =	sadd.s32 s5, s6  }
0xc: {  	s29 =	sshrl.u32 s10, $0x1;
	s30 =	sshrl.u32 s11, $0x2;
	s7 =	sor.u32 s0, s7  }
0xd: {  	s12 =	sadd.s32 s8, s6;
	s10 =	ssub.s32 s10, s29;
	s15 =	smul.u32 $0x500, s7  }
0xe: {  	s6 =	sadd.s32 s30, s1;
	s7 =	sadd.s32 $0x18A00, s9;
	s8 =	sor.u32 $0x1C03, s31  }
0xf: {  	s9 =	sadd.s32 $0x67400, s12;
	s10 =	smax.u32 s10, $0x1;
	s16 =	sadd.s32 $0x280, s15  }
0x10: {  	s11 =	sadd.s32 s13, s15;
	s12 =	sadd.s32 s14, s15;
	s15 =	sshrl.u32 s6, $0x3  }
0x11: {  	s13 =	sadd.s32 s13, s16;
	s14 =	sadd.s32 s14, s16;
	s16 =	simm.s32 $0x3  }
.LBB2_1:
0x12: {  	[spmem:s15], [sflag:s8] =	dma.local [hbm:s7], $0x2780  }
0x13: {  	_ =	swait.ge [sflag:s16], $0x2780  }
0x14: {  	[sflag:s16] =	ssyncset.done $0x0  }
0x15: {  	[sflag:s16] =	ssyncadd.s32 $0xFFFFD880  }
0x16: {  	[bflag:$0x0] =	sbarrier.arrive $0xFFFF  }
0x17: {  	[tilespmem:s3], [sflag:$0x3] =	stream.linear.gather [hbm4b:s11+s3], $0x1400, $0x38;
	[tilespmem:$0x1E400] =	vst v63  }
0x18: {  	_ =	swait.ge [sflag:s16], $0x1400  }
0x19: {  	[sflag:s16] =	ssyncset.done $0x0  }
0x1a: {  	[sflag:s16] =	ssyncadd.s32 $0xFFFFEC00  }
0x1b: {  	[tilespmem:s17], [sflag:$0x3] =	stream.linear.gather [hbm4b:s12+s3], $0x1400, $0x38;
	[tilespmem:$0x1E400] =	vst v63  }
0x1c: {  	_ =	swait.ge [sflag:s16], $0x1400  }
0x1d: {  	[sflag:s16] =	ssyncset.done $0x0  }
0x1e: {  	[sflag:s16] =	ssyncadd.s32 $0xFFFFEC00  }
0x1f: {  	[tilespmem:s19], [sflag:$0x1] =	stream.indirect.gather [hbm4b:s4+s18], $0x80, s3, s18, $0xb8;
	[tilespmem:$0x1E400] =	vst v63  }
0x20: {  	s29 =	simm.s32 $0x80  }
0x21: {  	[tilespmem:s20], [sflag:$0x2] =	stream.indirect.gather [hbm4b:s4+s18], $0x80, s29, s18, $0xb8;
	[tilespmem:$0x1E400] =	vst v63  }
0x22: {  	_ =	swait.ge [sflag:s21], $0x4000  }
0x23: {  	[sflag:s21] =	ssyncset.done $0x0  }
0x24: {  	s29 =	simm.s32 $0x1400;
	[sflag:s21] =	ssyncadd.s32 $0xFFFFC000  }
0x25: {  	[spmem:s1] =	stream.indirect.scatter.add.f32 [tilespmem:s19], [sflag:$0x3], $0x80, s29, s18, $0xb8;
	[tilespmem:$0x1E400] =	vst v63  }
0x26: {  	_ =	swait.ge [sflag:s16], $0x4000  }
0x27: {  	[sflag:s16] =	ssyncset.done $0x0  }
0x28: {  	s29 =	simm.s32 $0x100;
	[sflag:s16] =	ssyncadd.s32 $0xFFFFC000  }
0x29: {  	[tilespmem:s19], [sflag:$0x1] =	stream.indirect.gather [hbm4b:s4+s18], $0x80, s29, s18, $0xb8;
	[tilespmem:$0x1E400] =	vst v63  }
0x2a: {  	_ =	swait.ge [sflag:s22], $0x4000  }
0x2b: {  	[sflag:s22] =	ssyncset.done $0x0  }
0x2c: {  	s29 =	simm.s32 $0x1480;
	[sflag:s22] =	ssyncadd.s32 $0xFFFFC000  }
0x2d: {  	[spmem:s1] =	stream.indirect.scatter.add.f32 [tilespmem:s20], [sflag:$0x3], $0x80, s29, s18, $0xb8;
	[tilespmem:$0x1E400] =	vst v63  }
0x2e: {  	_ =	swait.ge [sflag:s16], $0x4000  }
0x2f: {  	s30 =	simm.s32 $0x800;
	s29 =	simm.s32 $0x100;
	[sflag:s16] =	ssyncset.done $0x0  }
.LBB2_2:
0x30: {  	s31 =	sadd.s32 $0x80, s29  }
0x31: {  	[sflag:s16] =	ssyncadd.s32 $0xFFFFC000;
	s0 =	smov.u32 s30;
	s2 =	sadd.s32 $0x400, s30  }
0x32: {  	[tilespmem:s20], [sflag:$0x2] =	stream.indirect.gather [hbm4b:s4+s18], $0x80, s31, s18, $0xb8;
	[tilespmem:$0x1E400] =	vst v63  }
0x33: {  	p1 =	sne.s32 s30, $0x4800;
	_ =	swait.ge [sflag:s21], $0x4000  }
0x34: {  	[sflag:s21] =	ssyncset.done $0x0  }
0x35: {  	s30 =	sadd.s32 $0x1400, s29;
	[sflag:s21] =	ssyncadd.s32 $0xFFFFC000  }
0x36: {  	[spmem:s1] =	stream.indirect.scatter.add.f32 [tilespmem:s19], [sflag:$0x3], $0x80, s30, s18, $0xb8;
	[tilespmem:$0x1E400] =	vst v63  }
0x37: {  	_ =	swait.ge [sflag:s16], $0x4000  }
0x38: {  	[sflag:s16] =	ssyncset.done $0x0  }
0x39: {  	s30 =	sadd.s32 $0x100, s29;
	[sflag:s16] =	ssyncadd.s32 $0xFFFFC000  }
0x3a: {  	[tilespmem:s19], [sflag:$0x1] =	stream.indirect.gather [hbm4b:s4+s18], $0x80, s30, s18, $0xb8;
	[tilespmem:$0x1E400] =	vst v63  }
0x3b: {  	_ =	swait.ge [sflag:s22], $0x4000  }
.Ltmp0:
0x3c: {  	[sflag:s22] =	ssyncset.done $0x0;
	(pc) =	sbr.rel @p1 .LBB2_2-.Ltmp0, $4  }
0x3d: {  	s29 =	sadd.s32 $0x1480, s29;
	[sflag:s22] =	ssyncadd.s32 $0xFFFFC000  }
0x3e: {  	[spmem:s1] =	stream.indirect.scatter.add.f32 [tilespmem:s20], [sflag:$0x3], $0x80, s29, s18, $0xb8;
	[tilespmem:$0x1E400] =	vst v63  }
0x3f: {  	_ =	swait.ge [sflag:s16], $0x4000  }
0x40: {  	s30 =	smov.u32 s2;
	s29 =	sshra.s32 s0, $0x2;
	[sflag:s16] =	ssyncset.done $0x0  }
0x41: {  	s0 =	sadd.s32 $0x80, s29;
	[sflag:s16] =	ssyncadd.s32 $0xFFFFC000  }
0x42: {  	[tilespmem:s20], [sflag:$0x2] =	stream.indirect.gather [hbm4b:s4+s18], $0x80, s0, s18, $0xb8;
	[tilespmem:$0x1E400] =	vst v63  }
0x43: {  	_ =	swait.ge [sflag:s21], $0x4000  }
0x44: {  	[sflag:s21] =	ssyncset.done $0x0  }
0x45: {  	s2 =	sadd.s32 $0x1400, s29;
	[sflag:s21] =	ssyncadd.s32 $0xFFFFC000  }
0x46: {  	[spmem:s1] =	stream.indirect.scatter.add.f32 [tilespmem:s19], [sflag:$0x3], $0x80, s2, s18, $0xb8;
	[tilespmem:$0x1E400] =	vst v63  }
0x47: {  	_ =	swait.ge [sflag:s16], $0x4000  }
0x48: {  	[sflag:s16] =	ssyncset.done $0x0  }
0x49: {  	s31 =	sadd.s32 $0x100, s29;
	[sflag:s16] =	ssyncadd.s32 $0xFFFFC000  }
0x4a: {  	[tilespmem:s19], [sflag:$0x1] =	stream.indirect.gather [hbm4b:s4+s18], $0x80, s31, s18, $0xb8;
	[tilespmem:$0x1E400] =	vst v63  }
0x4b: {  	_ =	swait.ge [sflag:s22], $0x4000  }
0x4c: {  	[sflag:s22] =	ssyncset.done $0x0  }
0x4d: {  	s2 =	sadd.s32 $0x1480, s29;
	[sflag:s22] =	ssyncadd.s32 $0xFFFFC000  }
0x4e: {  	[spmem:s1] =	stream.indirect.scatter.add.f32 [tilespmem:s20], [sflag:$0x3], $0x80, s2, s18, $0xb8;
	[tilespmem:$0x1E400] =	vst v63  }
0x4f: {  	_ =	swait.ge [sflag:s16], $0x4000  }
0x50: {  	[sflag:s16] =	ssyncset.done $0x0  }
0x51: {  	[sflag:s16] =	ssyncadd.s32 $0xFFFFC000  }
0x52: {  	[tilespmem:s20], [sflag:$0x2] =	stream.indirect.gather [hbm4b:s4+s18], $0x80, s23, s18, $0xb8;
	[tilespmem:$0x1E400] =	vst v63  }
0x53: {  	_ =	swait.ge [sflag:s21], $0x4000  }
0x54: {  	[sflag:s21] =	ssyncset.done $0x0  }
0x55: {  	[sflag:s21] =	ssyncadd.s32 $0xFFFFC000  }
0x56: {  	[spmem:s1] =	stream.indirect.scatter.add.f32 [tilespmem:s19], [sflag:$0x3], $0x80, s24, s18, $0xb8;
	[tilespmem:$0x1E400] =	vst v63  }
0x57: {  	_ =	swait.ge [sflag:s16], $0x4000  }
0x58: {  	[sflag:s16] =	ssyncset.done $0x0  }
0x59: {  	[sflag:s16] =	ssyncadd.s32 $0xFFFFC000  }
0x5a: {  	_ =	swait.ge [sflag:s22], $0x4000  }
0x5b: {  	[sflag:s22] =	ssyncset.done $0x0  }
0x5c: {  	[sflag:s22] =	ssyncadd.s32 $0xFFFFC000  }
0x5d: {  	[spmem:s1] =	stream.indirect.scatter.add.f32 [tilespmem:s20], [sflag:$0x3], $0x80, s26, s18, $0xb8;
	[tilespmem:$0x1E400] =	vst v63  }
0x5e: {  	_ =	swait.ge [sflag:s16], $0x4000  }
0x5f: {  	[sflag:s16] =	ssyncset.done $0x0  }
0x60: {  	s31 =	simm.s32 $0x0;
	[sflag:s16] =	ssyncadd.s32 $0xFFFFC000  }
0x61: {  	[tilespmem:s31], [sflag:$0x3] =	stream.linear.gather [hbm4b:s13+s31], $0x1400, $0x38;
	[tilespmem:$0x1E400] =	vst v63  }
0x62: {  	_ =	swait.ge [sflag:s16], $0x1400  }
0x63: {  	[sflag:s16] =	ssyncset.done $0x0  }
0x64: {  	[sflag:s16] =	ssyncadd.s32 $0xFFFFEC00  }
0x65: {  	[tilespmem:s17], [sflag:$0x3] =	stream.linear.gather [hbm4b:s14+s31], $0x1400, $0x38;
	[tilespmem:$0x1E400] =	vst v63  }
0x66: {  	_ =	swait.ge [sflag:s16], $0x1400  }
0x67: {  	[sflag:s16] =	ssyncset.done $0x0  }
0x68: {  	[sflag:s16] =	ssyncadd.s32 $0xFFFFEC00  }
0x69: {  	[tilespmem:s19], [sflag:$0x1] =	stream.indirect.gather [hbm4b:s4+s18], $0x80, s31, s18, $0xb8;
	[tilespmem:$0x1E400] =	vst v63  }
0x6a: {  	s2 =	simm.s32 $0x80  }
0x6b: {  	[tilespmem:s20], [sflag:$0x2] =	stream.indirect.gather [hbm4b:s4+s18], $0x80, s2, s18, $0xb8;
	[tilespmem:$0x1E400] =	vst v63  }
0x6c: {  	_ =	swait.ge [sflag:s21], $0x4000  }
0x6d: {  	[sflag:s21] =	ssyncset.done $0x0  }
0x6e: {  	s31 =	simm.s32 $0x1400;
	[sflag:s21] =	ssyncadd.s32 $0xFFFFC000  }
0x6f: {  	[spmem:s1] =	stream.indirect.scatter.add.f32 [tilespmem:s19], [sflag:$0x3], $0x80, s31, s18, $0xb8;
	[tilespmem:$0x1E400] =	vst v63  }
0x70: {  	_ =	swait.ge [sflag:s16], $0x4000  }
0x71: {  	[sflag:s16] =	ssyncset.done $0x0  }
0x72: {  	s2 =	simm.s32 $0x100;
	[sflag:s16] =	ssyncadd.s32 $0xFFFFC000  }
0x73: {  	[tilespmem:s19], [sflag:$0x1] =	stream.indirect.gather [hbm4b:s4+s18], $0x80, s2, s18, $0xb8;
	[tilespmem:$0x1E400] =	vst v63  }
0x74: {  	_ =	swait.ge [sflag:s22], $0x4000  }
0x75: {  	[sflag:s22] =	ssyncset.done $0x0  }
0x76: {  	s31 =	simm.s32 $0x1480;
	[sflag:s22] =	ssyncadd.s32 $0xFFFFC000  }
0x77: {  	[spmem:s1] =	stream.indirect.scatter.add.f32 [tilespmem:s20], [sflag:$0x3], $0x80, s31, s18, $0xb8;
	[tilespmem:$0x1E400] =	vst v63  }
0x78: {  	_ =	swait.ge [sflag:s16], $0x4000  }
0x79: {  	s30 =	simm.s32 $0x800;
	s29 =	simm.s32 $0x100;
	[sflag:s16] =	ssyncset.done $0x0  }
.LBB2_4:
0x7a: {  	s0 =	sadd.s32 $0x80, s29  }
0x7b: {  	[sflag:s16] =	ssyncadd.s32 $0xFFFFC000;
	s2 =	smov.u32 s30;
	s31 =	sadd.s32 $0x400, s30  }
0x7c: {  	[tilespmem:s20], [sflag:$0x2] =	stream.indirect.gather [hbm4b:s4+s18], $0x80, s0, s18, $0xb8;
	[tilespmem:$0x1E400] =	vst v63  }
0x7d: {  	p1 =	sne.s32 s30, $0x4800;
	_ =	swait.ge [sflag:s21], $0x4000  }
0x7e: {  	[sflag:s21] =	ssyncset.done $0x0  }
0x7f: {  	s0 =	sadd.s32 $0x1400, s29;
	[sflag:s21] =	ssyncadd.s32 $0xFFFFC000  }
0x80: {  	[spmem:s1] =	stream.indirect.scatter.add.f32 [tilespmem:s19], [sflag:$0x3], $0x80, s0, s18, $0xb8;
	[tilespmem:$0x1E400] =	vst v63  }
0x81: {  	_ =	swait.ge [sflag:s16], $0x4000  }
0x82: {  	[sflag:s16] =	ssyncset.done $0x0  }
0x83: {  	s0 =	sadd.s32 $0x100, s29;
	[sflag:s16] =	ssyncadd.s32 $0xFFFFC000  }
0x84: {  	[tilespmem:s19], [sflag:$0x1] =	stream.indirect.gather [hbm4b:s4+s18], $0x80, s0, s18, $0xb8;
	[tilespmem:$0x1E400] =	vst v63  }
0x85: {  	_ =	swait.ge [sflag:s22], $0x4000  }
.Ltmp1:
0x86: {  	[sflag:s22] =	ssyncset.done $0x0;
	(pc) =	sbr.rel @p1 .LBB2_4-.Ltmp1, $4  }
0x87: {  	s0 =	sadd.s32 $0x1480, s29;
	[sflag:s22] =	ssyncadd.s32 $0xFFFFC000  }
0x88: {  	[spmem:s1] =	stream.indirect.scatter.add.f32 [tilespmem:s20], [sflag:$0x3], $0x80, s0, s18, $0xb8;
	[tilespmem:$0x1E400] =	vst v63  }
0x89: {  	_ =	swait.ge [sflag:s16], $0x4000  }
0x8a: {  	s30 =	smov.u32 s31;
	s29 =	sshra.s32 s2, $0x2;
	[sflag:s16] =	ssyncset.done $0x0  }
0x8b: {  	s0 =	sadd.s32 $0x80, s29;
	[sflag:s16] =	ssyncadd.s32 $0xFFFFC000  }
0x8c: {  	[tilespmem:s20], [sflag:$0x2] =	stream.indirect.gather [hbm4b:s4+s18], $0x80, s0, s18, $0xb8;
	[tilespmem:$0x1E400] =	vst v63  }
0x8d: {  	_ =	swait.ge [sflag:s21], $0x4000  }
0x8e: {  	[sflag:s21] =	ssyncset.done $0x0  }
0x8f: {  	s2 =	sadd.s32 $0x1400, s29;
	[sflag:s21] =	ssyncadd.s32 $0xFFFFC000  }
0x90: {  	[spmem:s1] =	stream.indirect.scatter.add.f32 [tilespmem:s19], [sflag:$0x3], $0x80, s2, s18, $0xb8;
	[tilespmem:$0x1E400] =	vst v63  }
0x91: {  	_ =	swait.ge [sflag:s16], $0x4000  }
0x92: {  	[sflag:s16] =	ssyncset.done $0x0  }
0x93: {  	s30 =	sadd.s32 $0x100, s29;
	[sflag:s16] =	ssyncadd.s32 $0xFFFFC000  }
0x94: {  	[tilespmem:s19], [sflag:$0x1] =	stream.indirect.gather [hbm4b:s4+s18], $0x80, s30, s18, $0xb8;
	[tilespmem:$0x1E400] =	vst v63  }
0x95: {  	_ =	swait.ge [sflag:s22], $0x4000  }
0x96: {  	[sflag:s22] =	ssyncset.done $0x0  }
0x97: {  	s31 =	sadd.s32 $0x1480, s29;
	[sflag:s22] =	ssyncadd.s32 $0xFFFFC000  }
0x98: {  	[spmem:s1] =	stream.indirect.scatter.add.f32 [tilespmem:s20], [sflag:$0x3], $0x80, s31, s18, $0xb8;
	[tilespmem:$0x1E400] =	vst v63  }
0x99: {  	_ =	swait.ge [sflag:s16], $0x4000  }
0x9a: {  	[sflag:s16] =	ssyncset.done $0x0  }
0x9b: {  	[sflag:s16] =	ssyncadd.s32 $0xFFFFC000  }
0x9c: {  	[tilespmem:s20], [sflag:$0x2] =	stream.indirect.gather [hbm4b:s4+s18], $0x80, s23, s18, $0xb8;
	[tilespmem:$0x1E400] =	vst v63  }
0x9d: {  	_ =	swait.ge [sflag:s21], $0x4000  }
0x9e: {  	[sflag:s21] =	ssyncset.done $0x0  }
0x9f: {  	[sflag:s21] =	ssyncadd.s32 $0xFFFFC000  }
0xa0: {  	[spmem:s1] =	stream.indirect.scatter.add.f32 [tilespmem:s19], [sflag:$0x3], $0x80, s24, s18, $0xb8;
	[tilespmem:$0x1E400] =	vst v63  }
0xa1: {  	_ =	swait.ge [sflag:s16], $0x4000  }
0xa2: {  	[sflag:s16] =	ssyncset.done $0x0  }
0xa3: {  	[sflag:s16] =	ssyncadd.s32 $0xFFFFC000  }
0xa4: {  	_ =	swait.ge [sflag:s22], $0x4000  }
0xa5: {  	[sflag:s22] =	ssyncset.done $0x0  }
0xa6: {  	[sflag:s22] =	ssyncadd.s32 $0xFFFFC000  }
0xa7: {  	[spmem:s1] =	stream.indirect.scatter.add.f32 [tilespmem:s20], [sflag:$0x3], $0x80, s26, s18, $0xb8;
	[tilespmem:$0x1E400] =	vst v63  }
0xa8: {  	_ =	swait.ge [sflag:s16], $0x4000  }
0xa9: {  	[sflag:s16] =	ssyncset.done $0x0  }
0xaa: {  	[sflag:s16] =	ssyncadd.s32 $0xFFFFC000  }
0xab: {  	s0 =	sadd.s32 @p0 $0x25080, s9;
	[bflag:$0x0] =	sbarrier.arrive $0xFFFF  }
0xac: {  	[hbm:s0], [sflag:s8] =	dma.local @p0 [spmem:s25], $0x2080  }
0xad: {  	s0 =	simm.s32 @p0 $0x3  }
0xae: {  	s28 =	sadd.s32 $0x1, s28;
	_ =	swait.ge @p0 [sflag:s0], $0x2080  }
0xaf: {  	p1 =	sne.s32 s28, s10;
	[sflag:s0] =	ssyncset.done @p0 $0x0  }
0xb0: {  	s2 =	sshrl.u32 @!p0 s6, $0x3;
	[sflag:s0] =	ssyncadd.s32 @p0 $0xFFFFDF80;
	s0 =	sadd.s32 @!p0 s5, s9  }
0xb1: {  	[hbm:s0], [sflag:s8] =	dma.local @!p0 [spmem:s2], $0x2780  }
.Ltmp2:
0xb2: {  	_ = 	snop;
	(pc) =	sbr.rel @p1 .LBB2_1-.Ltmp2, $4  }
0xb3: {  	s0 =	simm.s32 @!p0 $0x3  }
0xb4: {  	_ =	swait.ge @!p0 [sflag:s0], $0x2780  }
0xb5: {  	[sflag:s0] =	ssyncset.done @!p0 $0x0  }
0xb6: {  	[sflag:s0] =	ssyncadd.s32 @!p0 $0xFFFFD880  }
0xb7: {  	_ =	sfence.sel $0x180000  }
0xb8: {  	[bflag:$0x0] =	sbarrier.arrive $0xFFFF  }
0xb9: {  	_ =	strace $0x9000004A  }
0xba: {  	s0 =	stileid.u32;
	[bflag:$0x2] =	sbarrier.arrive $0xFFFF  }
0xbb: {  	p0 =	sne.s32 s0, $0x0;
	s0 =	rddreg [dreg:$0x2]  }
0xbc: {  	s0 =	sadd.s32 @!p0 $0x100000, s0  }
0xbd: {  	[sflag:s0] =	ssyncadd.tile.s32 @!p0 $0x1;
	_ =	shalt  }
.Lfunc_end2:
_tile_overlayer_lowered:
.L_overlay_start_2:
0xbe: {  	(tag) =	ssettag $0x2  }
0xbf: {  	s0 =	rddreg [dreg:$0x0];
	s2 =	stileid.u32  }
0xc0: {  	s1 =	rddreg [dreg:$0x1];
	p0 =	sne.s32 s2, $0x0  }
0xc1: {  	s3 =	rddreg [dreg:$0x2];
	[bflag:$0x3] =	sbarrier.arrive $0xFFFF;
	s2 =	simm.s32 @!p0 $0x1C03  }
0xc2: {  	[timem:s3], [sflag:s2] =	dma.local @!p0 [hbm:s0], s1  }
0xc3: {  	s0 =	simm.s32 @!p0 $0x3  }
0xc4: {  	_ =	swait.ge @!p0 [sflag:s0], s1  }
0xc5: {  	s1 =	ssub.s32 @!p0 $0x0, s1;
	[sflag:s0] =	ssyncset.done @!p0 $0x0  }
0xc6: {  	[sflag:s0] =	ssyncadd.s32 @!p0 s1  }
0xc7: {  	[bflag:$0x3] =	sbarrier.arrive $0xFFFF  }
0xc8: {  	_ =	shalt  }

// kernel: kernel.18.cloned.1.call-start
scs
__scs_entry_jumppad:
0x0: {  	(pc) =	sbr.rel $0x88, $3  }
0x1: {  	(tag) =	ssettag $0x0;
	lr =	simm.s32 $0x1  }
0x2: {  	[smem:$0x3F8B] =	sst lr;
	_ =	strace $0xD0000000  }
0x3: {  	_ = 	snop  }
0x4: {  	_ = 	snop  }
0x5: {  	_ = 	snop  }
0x6: {  	_ = 	snop  }
0x7: {  	_ = 	snop  }
__scs_overlays_trampoline_lowered:
0x8: {  	[smem:$0x3F9A] =	sst s0  }
0x9: {  	[smem:$0x3F9B] =	sst s1  }
0xa: {  	[smem:$0x3F9C] =	sst s2  }
0xb: {  	[smem:$0x3F9D] =	sst s3  }
0xc: {  	[smem:$0x3F9E] =	sst s4  }
0xd: {  	[smem:$0x3F9F] =	sst s5  }
0xe: {  	[smem:$0x3FA0] =	sst s6  }
0xf: {  	[smem:$0x3FA1] =	sst s7  }
0x10: {  	[smem:$0x3FA2] =	sst s8  }
0x11: {  	[smem:$0x3FA3] =	sst s9;
	s0 =	simm.s32 @!p0 $0x0  }
0x12: {  	s1 =	sld [smem:$0x3F89];
	s0 =	simm.s32 @p0 $0x1  }
0x13: {  	[smem:$0x3FA4] =	sst s0;
	s0 =	simm.s32 @!p1 $0x0  }
0x14: {  	s2 =	sld [smem:$0x3F88];
	s0 =	simm.s32 @p1 $0x1  }
0x15: {  	[smem:$0x3FA5] =	sst s0;
	s0 =	simm.s32 @!p2 $0x0  }
0x16: {  	s3 =	sld [smem:$0x3FDB];
	s0 =	simm.s32 @p2 $0x1  }
0x17: {  	s4 =	simm.s32 $0x1BF5;
	[smem:$0x3FA7] =	sst s0  }
0x18: {  	s0 =	sld [smem:$0x3F8A];
	_ =	swait.ge [sflag:s4], $0x0  }
0x19: {  	s7 =	sld [smem:$0x3F8B]  }
0x1a: {  	s8 =	sadd.s32 $0xFFFFE003, lr  }
0x1b: {  	s9 =	sadd.s32 $0xFFFFFEF7, lr;
	s5 =	simm.s32 $0xFFFFFFFF;
	p2 =	slt.u32 s8, $0xFFFFF086  }
0x1c: {  	p1 =	slt.u32 s9, $0xF7A;
	s5 =	simm.s32 @!p2 $0x0  }
0x1d: {  	s5 =	simm.s32 @p1 $0x1;
	p0 =	seq.s32 s7, s2  }
0x1e: {  	s7 =	smul.u32 @!p0 $0xF7A, s2;
	p2 =	seq.s32 @!p0 s5, $0x0  }
0x1f: {  	s9 =	smul.u32 $0xF7A, s1;
	s8 =	simm.s32 @!p0 $0x1BF5;
	p2 =	por !p2, p0  }
0x20: {  	[sflag:s8] =	ssyncset.s32 @!p0 $0xFFFFF086;
	s6 =	sadd.s32 @!p0 s3, s7;
	s7 =	simm.s32 @!p0 $0x108  }
0x21: {  	s3 =	sadd.s32 s3, s9;
	s6 =	sadd.s32 @!p0 $0x88, s6;
	s7 =	simm.s32 @p2 $0x1082  }
0x22: {  	[simem:s7], [sflag:s8] =	dma.local @!p0 [hbm:s6], $0xF7A  }
0x23: {  	s9 =	sor.u32 $0xD0000000, s2;
	s6 =	simm.s32 $0x108;
	_ =	swait.ge @!p0 [sflag:s8], $0x0  }
0x24: {  	s3 =	sadd.s32 $0x88, s3;
	s6 =	simm.s32 @!p1 $0x1082;
	[sflag:s4] =	ssyncset.s32 $0xFFFFF086  }
0x25: {  	[simem:s6], [sflag:s4] =	dma.local [hbm:s3], $0xF7A  }
0x26: {  	[smem:$0x3F8B] =	sst s1;
	(tag) =	ssettag s2;
	_ =	strace s9  }
0x27: {  	s1 =	sld [smem:$0x3F9B]  }
0x28: {  	s2 =	sld [smem:$0x3F9C]  }
0x29: {  	s4 =	sld [smem:$0x3F9E]  }
0x2a: {  	p0 =	seq.s32 s5, $0x0;
	s5 =	sld [smem:$0x3F9F]  }
0x2b: {  	s6 =	sld [smem:$0x3FA0]  }
0x2c: {  	s7 =	sld [smem:$0x3FA1]  }
0x2d: {  	s3 =	simm.s32 $0x108;
	s8 =	sld [smem:$0x3FA2]  }
0x2e: {  	s3 =	simm.s32 @!p0 $0x1082;
	s9 =	sld [smem:$0x3FA3]  }
0x2f: {  	lr =	sadd.s32 s0, s3;
	s0 =	sld [smem:$0x3F9A]  }
0x30: {  	s3 =	sld [smem:$0x3F9D]  }
0x31: {  	[smem:$0x3FA6] =	sst s10  }
0x32: {  	s10 =	sld [smem:$0x3FA4];
	_ =	sdelay $0x3  }
0x33: {  	p0 =	seq.s32 s10, $0x1;
	s10 =	sld [smem:$0x3FA6];
	_ =	sdelay $0x3  }
0x34: {  	[smem:$0x3FA6] =	sst s10  }
0x35: {  	s10 =	sld [smem:$0x3FA5];
	_ =	sdelay $0x3  }
0x36: {  	p1 =	seq.s32 s10, $0x1;
	s10 =	sld [smem:$0x3FA6];
	_ =	sdelay $0x3  }
0x37: {  	[smem:$0x3FA6] =	sst s10  }
0x38: {  	s10 =	sld [smem:$0x3FA7]  }
0x39: {  	_ = 	snop;
	(pc) =	sbr.ind lr, $3  }
0x3a: {  	_ = 	snop  }
0x3b: {  	_ = 	snop  }
0x3c: {  	p2 =	seq.s32 s10, $0x1;
	s10 =	sld [smem:$0x3FA6]  }
0x3d: {  	_ =	shalt  }
0x3e: {  	_ =	shalt  }
0x3f: {  	_ =	shalt  }
0x40: {  	_ =	shalt  }
0x41: {  	_ =	shalt  }
0x42: {  	_ =	shalt  }
0x43: {  	_ =	shalt  }
0x44: {  	_ =	shalt  }
0x45: {  	_ =	shalt  }
0x46: {  	_ =	shalt  }
0x47: {  	_ =	shalt  }
0x48: {  	_ =	shalt  }
0x49: {  	_ =	shalt  }
0x4a: {  	_ =	shalt  }
0x4b: {  	_ =	shalt  }
0x4c: {  	_ =	shalt  }
0x4d: {  	_ =	shalt  }
0x4e: {  	_ =	shalt  }
0x4f: {  	_ =	shalt  }
0x50: {  	_ =	shalt  }
0x51: {  	_ =	shalt  }
0x52: {  	_ =	shalt  }
0x53: {  	_ =	shalt  }
0x54: {  	_ =	shalt  }
0x55: {  	_ =	shalt  }
0x56: {  	_ =	shalt  }
0x57: {  	_ =	shalt  }
0x58: {  	_ =	shalt  }
0x59: {  	_ =	shalt  }
0x5a: {  	_ =	shalt  }
0x5b: {  	_ =	shalt  }
0x5c: {  	_ =	shalt  }
0x5d: {  	_ =	shalt  }
0x5e: {  	_ =	shalt  }
0x5f: {  	_ =	shalt  }
0x60: {  	_ =	shalt  }
0x61: {  	_ =	shalt  }
0x62: {  	_ =	shalt  }
0x63: {  	_ =	shalt  }
0x64: {  	_ =	shalt  }
0x65: {  	_ =	shalt  }
0x66: {  	_ =	shalt  }
0x67: {  	_ =	shalt  }
0x68: {  	_ =	shalt  }
0x69: {  	_ =	shalt  }
0x6a: {  	_ =	shalt  }
0x6b: {  	_ =	shalt  }
0x6c: {  	_ =	shalt  }
0x6d: {  	_ =	shalt  }
0x6e: {  	_ =	shalt  }
0x6f: {  	_ =	shalt  }
0x70: {  	_ =	shalt  }
0x71: {  	_ =	shalt  }
0x72: {  	_ =	shalt  }
0x73: {  	_ =	shalt  }
0x74: {  	_ =	shalt  }
0x75: {  	_ =	shalt  }
0x76: {  	_ =	shalt  }
0x77: {  	_ =	shalt  }
0x78: {  	_ =	shalt  }
0x79: {  	_ =	shalt  }
0x7a: {  	_ =	shalt  }
0x7b: {  	_ =	shalt  }
0x7c: {  	_ =	shalt  }
0x7d: {  	_ =	shalt  }
0x7e: {  	_ =	shalt  }
0x7f: {  	_ =	shalt  }
0x80: {  	_ =	shalt  }
0x81: {  	_ =	shalt  }
0x82: {  	_ =	shalt  }
0x83: {  	_ =	shalt  }
0x84: {  	_ =	shalt  }
0x85: {  	_ =	shalt  }
0x86: {  	_ =	shalt  }
0x87: {  	_ =	shalt  }
.Lfunc_end0:
.L_simem_size_0:
called_computation.2_lowered:
.L_overlay_start_0:
0x88: {  	s2 =	sld [smem:$0x3FD9]  }
0x89: {  	s3 =	sld [smem:$0x3FFE];
	_ =	sdelay $0x1  }
0x8a: {  	s1 =	srdreg.scid  }
0x8b: {  	s0 =	sand.u32 $0x1, s1  }
0x8c: {  	s16 =	sshll.u32 s0, $0xA;
	s2 =	sadd.s32 s3, s2  }
0x8d: {  	s2 =	sadd.s32 s2, s16  }
0x8e: {  	[smem:$0x3FB2] =	sst s2  }
0x8f: {  	_ = 	snop  }
0x90: {  	(tm) =	ssettm $0x1  }
0x91: {  	s17 =	sld [smem:$0x3FFB];
	_ =	sdelay $0x3  }
0x92: {  	_ =	strace s17  }
0x93: {  	s2 =	sld [smem:$0x3FFC];
	_ =	sdelay $0x3  }
0x94: {  	_ =	strace s2  }
0x95: {  	s2 =	sld [smem:$0x3FFD];
	_ =	sdelay $0x3  }
0x96: {  	_ =	strace s2  }
0x97: {  	_ =	strace $0x8FFFFFFF  }
0x98: {  	s18 =	sld [smem:$0x3FDB];
	_ =	sdelay $0x1  }
0x99: {  	s19 =	simm.s32 $_scs_section_size  }
0x9a: {  	s4 =	simm.s32 $_size__tile_overlayer_lowered;
	s5 =	simm.s32 $_tile_overlayer_lowered  }
0x9b: {  	s22 =	simm.s32 $0x1BFF;
	s21 =	sshll.u32 s5, $0x1;
	s2 =	sadd.s32 s19, s18  }
0x9c: {  	s6 =	simm.s32 $0x0;
	s20 =	sshll.u32 s4, $0x1;
	s4 =	sadd.s32 s21, s2  }
0x9d: {  	[timem:s6], [sflag:s22] =	dma.local [hbm:s4], s20  }
0x9e: {  	_ =	swait.ge [sflag:s22], s20  }
0x9f: {  	s3 =	ssub.s32 $0x0, s20;
	[sflag:s22] =	ssyncset.done $0x0  }
0xa0: {  	[sflag:s22] =	ssyncadd.s32 s3;
	_ =	sdelay $0x1  }
0xa1: {  	s23 =	simm.s32 $0x1B8B  }
0xa2: {  	_ =	swait.ge [sflag:s23], $0x1  }
0xa3: {  	[sflag:s23] =	ssyncset.done $0x0  }
0xa4: {  	s25 =	simm.s32 $0x1B8E;
	s24 =	sld [smem:$0x3FFE];
	[sflag:s23] =	ssyncadd.s32 $0xFFFFFFFF  }
0xa5: {  	s26 =	simm.s32 $execute0_lowered;
	[smem:$0x3FD2] =	sst s25  }
0xa6: {  	s4 =	sshll.u32 s26, $0x1;
	_ =	strace $0x8000004C;
	[dreg:$0x1] =	wrdreg $0xFFFFFFFF  }
0xa7: {  	s28 =	simm.s32 $_size_execute0_lowered;
	s2 =	sadd.s32 s2, s4;
	[dreg:$0x0] =	wrdreg $0x0  }
0xa8: {  	s4 =	sshll.u32 s28, $0x1;
	[dreg:$0x2] =	wrdreg s2  }
0xa9: {  	[dreg:$0x3] =	wrdreg s4  }
0xaa: {  	[dreg:$0x4] =	wrdreg $0xC0  }
0xab: {  	_ =	task [dreg:s6], $0x5FFFF  }
0xac: {  	[dreg:$0x1] =	wrdreg $0xFFFFFFFF  }
0xad: {  	[dreg:$0x0] =	wrdreg $0x60  }
0xae: {  	[dreg:$0x2] =	wrdreg s24  }
0xaf: {  	[dreg:$0x3] =	wrdreg $0xA8000  }
0xb0: {  	[dreg:$0x4] =	wrdreg $0x9  }
0xb1: {  	_ =	task.clear_ibuf [dreg:s6], $0x5FFFF;
	_ =	strace $0x9000004C  }
0xb2: {  	s29 =	simm.s32 $0x9;
	_ =	strace $0x8000004E  }
0xb3: {  	_ =	swait.ge [sflag:s29], $0x1  }
0xb4: {  	[sflag:s29] =	ssyncadd.s32 $0xFFFFFFFF  }
0xb5: {  	_ =	strace $0x9000004E  }
0xb6: {  	_ =	sfence  }
0xb7: {  	s30 =	sld [smem:$0x0];
	_ =	sdelay $0x2  }
0xb8: {  	s31 =	sshll.u32 s1, $0xD;
	s1 =	sshrl.u32 s1, $0x2  }
0xb9: {  	s3 =	sand.u32 $0x4000, s31;
	s1 =	sadd.s32 s1, s30  }
0xba: {  	s0 =	sor.u32 s3, s0;
	s1 =	sshll.u32 s1, $0x11  }
0xbb: {  	s0 =	sor.u32 s1, s0  }
0xbc: {  	s0 =	sadd.s32 $0x8F2B, s0  }
0xbd: {  	[sflag:s0] =	ssyncadd.remote.s32 $0x1  }
0xbe: {  	_ =	sfence.sel $0xFFFF  }
0xbf: {  	[dreg:$0x0] =	wrdreg $0xFFFFFFFF;
	(pc) =	sbr.abs _section_cstart, $3  }
0xc0: {  	[dreg:$0x1] =	wrdreg $0xFFFFFFFF  }
0xc1: {  	_ =	task.clear_ibuf [dreg:s6], $0x2FFFF;
	_ =	strace $0x9FFFFFFF  }
0xc2: {  	(tm) =	ssettm $0x7FFFFFFF  }
0xc3: {  	_ =	shalt  }
tec
execute0_lowered:
.L_overlay_start_1:
0x0: {  	(tag) =	ssettag $0x1  }
0x1: {  	s6 =	rddreg [dreg:$0x0]  }
0x2: {  	s1 =	rddreg [dreg:$0x1];
	s3 =	simm.s32 $0x0;
	s0 =	stileid.u32  }
0x3: {  	s7 =	srdreg.scid;
	s17 =	simm.s32 $0x1400;
	s18 =	simm.s32 $0x80  }
0x4: {  	s19 =	simm.s32 $0x2800;
	s20 =	simm.s32 $0x6800;
	s21 =	simm.s32 $0x1  }
0x5: {  	s22 =	simm.s32 $0x2;
	s23 =	simm.s32 $0x1380;
	s24 =	simm.s32 $0x2700  }
0x6: {  	s26 =	simm.s32 $0x2780;
	s28 =	simm.s32 $0x0;
	[smem:$0x7FF] =	sst s3  }
0x7: {  	s4 =	sadd.s32 $0x40200, s6;
	s5 =	smul.u32 $0x2780, s0;
	s7 =	sand.u32 $0x1, s7  }
0x8: {  	s13 =	sadd.s32 $0xEA00, s6;
	s14 =	sadd.s32 $0x4A00, s6;
	s11 =	smul.u32 $0x4F000, s0  }
0x9: {  	s31 =	sshll.u32 s0, $0x6;
	s25 =	sadd.s32 $0x128400, s1;
	p0 =	seq.s32 s0, $0xF  }
0xa: {  	_ =	strace $0x8000004D;
	s8 =	smul.u32 $0x27100, s7;
	s10 =	ssub.s32 $0x2, s7  }
0xb: {  	s7 =	sshll.u32 s7, $0x4;
	s25 =	sshrl.u32 @p0 s25, $0x3;
	s9 =	sadd.s32 s5, s6  }
0xc: {  	s29 =	sshrl.u32 s10, $0x1;
	s30 =	sshrl.u32 s11, $0x2;
	s7 =	sor.u32 s0, s7  }
0xd: {  	s12 =	sadd.s32 s8, s6;
	s10 =	ssub.s32 s10, s29;
	s15 =	smul.u32 $0x500, s7  }
0xe: {  	s6 =	sadd.s32 s30, s1;
	s7 =	sadd.s32 $0x18A00, s9;
	s8 =	sor.u32 $0x1C03, s31  }
0xf: {  	s9 =	sadd.s32 $0x67400, s12;
	s10 =	smax.u32 s10, $0x1;
	s16 =	sadd.s32 $0x280, s15  }
0x10: {  	s11 =	sadd.s32 s13, s15;
	s12 =	sadd.s32 s14, s15;
	s15 =	sshrl.u32 s6, $0x3  }
0x11: {  	s13 =	sadd.s32 s13, s16;
	s14 =	sadd.s32 s14, s16;
	s16 =	simm.s32 $0x3  }
.LBB2_1:
0x12: {  	[spmem:s15], [sflag:s8] =	dma.local [hbm:s7], $0x2780  }
0x13: {  	_ =	swait.ge [sflag:s16], $0x2780  }
0x14: {  	[sflag:s16] =	ssyncset.done $0x0  }
0x15: {  	[sflag:s16] =	ssyncadd.s32 $0xFFFFD880  }
0x16: {  	[bflag:$0x0] =	sbarrier.arrive $0xFFFF  }
0x17: {  	[tilespmem:s3], [sflag:$0x3] =	stream.linear.gather [hbm4b:s11+s3], $0x1400, $0x38;
	[tilespmem:$0x1E400] =	vst v63  }
0x18: {  	_ =	swait.ge [sflag:s16], $0x1400  }
0x19: {  	[sflag:s16] =	ssyncset.done $0x0  }
0x1a: {  	[sflag:s16] =	ssyncadd.s32 $0xFFFFEC00  }
0x1b: {  	[tilespmem:s17], [sflag:$0x3] =	stream.linear.gather [hbm4b:s12+s3], $0x1400, $0x38;
	[tilespmem:$0x1E400] =	vst v63  }
0x1c: {  	_ =	swait.ge [sflag:s16], $0x1400  }
0x1d: {  	[sflag:s16] =	ssyncset.done $0x0  }
0x1e: {  	[sflag:s16] =	ssyncadd.s32 $0xFFFFEC00  }
0x1f: {  	[tilespmem:s19], [sflag:$0x1] =	stream.indirect.gather [hbm4b:s4+s18], $0x80, s3, s18, $0xb8;
	[tilespmem:$0x1E400] =	vst v63  }
0x20: {  	s29 =	simm.s32 $0x80  }
0x21: {  	[tilespmem:s20], [sflag:$0x2] =	stream.indirect.gather [hbm4b:s4+s18], $0x80, s29, s18, $0xb8;
	[tilespmem:$0x1E400] =	vst v63  }
0x22: {  	_ =	swait.ge [sflag:s21], $0x4000  }
0x23: {  	[sflag:s21] =	ssyncset.done $0x0  }
0x24: {  	s29 =	simm.s32 $0x1400;
	[sflag:s21] =	ssyncadd.s32 $0xFFFFC000  }
0x25: {  	[spmem:s1] =	stream.indirect.scatter.add.f32 [tilespmem:s19], [sflag:$0x3], $0x80, s29, s18, $0xb8;
	[tilespmem:$0x1E400] =	vst v63  }
0x26: {  	_ =	swait.ge [sflag:s16], $0x4000  }
0x27: {  	[sflag:s16] =	ssyncset.done $0x0  }
0x28: {  	s29 =	simm.s32 $0x100;
	[sflag:s16] =	ssyncadd.s32 $0xFFFFC000  }
0x29: {  	[tilespmem:s19], [sflag:$0x1] =	stream.indirect.gather [hbm4b:s4+s18], $0x80, s29, s18, $0xb8;
	[tilespmem:$0x1E400] =	vst v63  }
0x2a: {  	_ =	swait.ge [sflag:s22], $0x4000  }
0x2b: {  	[sflag:s22] =	ssyncset.done $0x0  }
0x2c: {  	s29 =	simm.s32 $0x1480;
	[sflag:s22] =	ssyncadd.s32 $0xFFFFC000  }
0x2d: {  	[spmem:s1] =	stream.indirect.scatter.add.f32 [tilespmem:s20], [sflag:$0x3], $0x80, s29, s18, $0xb8;
	[tilespmem:$0x1E400] =	vst v63  }
0x2e: {  	_ =	swait.ge [sflag:s16], $0x4000  }
0x2f: {  	s30 =	simm.s32 $0x800;
	s29 =	simm.s32 $0x100;
	[sflag:s16] =	ssyncset.done $0x0  }
.LBB2_2:
0x30: {  	s31 =	sadd.s32 $0x80, s29  }
0x31: {  	[sflag:s16] =	ssyncadd.s32 $0xFFFFC000;
	s0 =	smov.u32 s30;
	s2 =	sadd.s32 $0x400, s30  }
0x32: {  	[tilespmem:s20], [sflag:$0x2] =	stream.indirect.gather [hbm4b:s4+s18], $0x80, s31, s18, $0xb8;
	[tilespmem:$0x1E400] =	vst v63  }
0x33: {  	p1 =	sne.s32 s30, $0x4800;
	_ =	swait.ge [sflag:s21], $0x4000  }
0x34: {  	[sflag:s21] =	ssyncset.done $0x0  }
0x35: {  	s30 =	sadd.s32 $0x1400, s29;
	[sflag:s21] =	ssyncadd.s32 $0xFFFFC000  }
0x36: {  	[spmem:s1] =	stream.indirect.scatter.add.f32 [tilespmem:s19], [sflag:$0x3], $0x80, s30, s18, $0xb8;
	[tilespmem:$0x1E400] =	vst v63  }
0x37: {  	_ =	swait.ge [sflag:s16], $0x4000  }
0x38: {  	[sflag:s16] =	ssyncset.done $0x0  }
0x39: {  	s30 =	sadd.s32 $0x100, s29;
	[sflag:s16] =	ssyncadd.s32 $0xFFFFC000  }
0x3a: {  	[tilespmem:s19], [sflag:$0x1] =	stream.indirect.gather [hbm4b:s4+s18], $0x80, s30, s18, $0xb8;
	[tilespmem:$0x1E400] =	vst v63  }
0x3b: {  	_ =	swait.ge [sflag:s22], $0x4000  }
.Ltmp0:
0x3c: {  	[sflag:s22] =	ssyncset.done $0x0;
	(pc) =	sbr.rel @p1 .LBB2_2-.Ltmp0, $4  }
0x3d: {  	s29 =	sadd.s32 $0x1480, s29;
	[sflag:s22] =	ssyncadd.s32 $0xFFFFC000  }
0x3e: {  	[spmem:s1] =	stream.indirect.scatter.add.f32 [tilespmem:s20], [sflag:$0x3], $0x80, s29, s18, $0xb8;
	[tilespmem:$0x1E400] =	vst v63  }
0x3f: {  	_ =	swait.ge [sflag:s16], $0x4000  }
0x40: {  	s30 =	smov.u32 s2;
	s29 =	sshra.s32 s0, $0x2;
	[sflag:s16] =	ssyncset.done $0x0  }
0x41: {  	s0 =	sadd.s32 $0x80, s29;
	[sflag:s16] =	ssyncadd.s32 $0xFFFFC000  }
0x42: {  	[tilespmem:s20], [sflag:$0x2] =	stream.indirect.gather [hbm4b:s4+s18], $0x80, s0, s18, $0xb8;
	[tilespmem:$0x1E400] =	vst v63  }
0x43: {  	_ =	swait.ge [sflag:s21], $0x4000  }
0x44: {  	[sflag:s21] =	ssyncset.done $0x0  }
0x45: {  	s2 =	sadd.s32 $0x1400, s29;
	[sflag:s21] =	ssyncadd.s32 $0xFFFFC000  }
0x46: {  	[spmem:s1] =	stream.indirect.scatter.add.f32 [tilespmem:s19], [sflag:$0x3], $0x80, s2, s18, $0xb8;
	[tilespmem:$0x1E400] =	vst v63  }
0x47: {  	_ =	swait.ge [sflag:s16], $0x4000  }
0x48: {  	[sflag:s16] =	ssyncset.done $0x0  }
0x49: {  	s31 =	sadd.s32 $0x100, s29;
	[sflag:s16] =	ssyncadd.s32 $0xFFFFC000  }
0x4a: {  	[tilespmem:s19], [sflag:$0x1] =	stream.indirect.gather [hbm4b:s4+s18], $0x80, s31, s18, $0xb8;
	[tilespmem:$0x1E400] =	vst v63  }
0x4b: {  	_ =	swait.ge [sflag:s22], $0x4000  }
0x4c: {  	[sflag:s22] =	ssyncset.done $0x0  }
0x4d: {  	s2 =	sadd.s32 $0x1480, s29;
	[sflag:s22] =	ssyncadd.s32 $0xFFFFC000  }
0x4e: {  	[spmem:s1] =	stream.indirect.scatter.add.f32 [tilespmem:s20], [sflag:$0x3], $0x80, s2, s18, $0xb8;
	[tilespmem:$0x1E400] =	vst v63  }
0x4f: {  	_ =	swait.ge [sflag:s16], $0x4000  }
0x50: {  	[sflag:s16] =	ssyncset.done $0x0  }
0x51: {  	[sflag:s16] =	ssyncadd.s32 $0xFFFFC000  }
0x52: {  	[tilespmem:s20], [sflag:$0x2] =	stream.indirect.gather [hbm4b:s4+s18], $0x80, s23, s18, $0xb8;
	[tilespmem:$0x1E400] =	vst v63  }
0x53: {  	_ =	swait.ge [sflag:s21], $0x4000  }
0x54: {  	[sflag:s21] =	ssyncset.done $0x0  }
0x55: {  	[sflag:s21] =	ssyncadd.s32 $0xFFFFC000  }
0x56: {  	[spmem:s1] =	stream.indirect.scatter.add.f32 [tilespmem:s19], [sflag:$0x3], $0x80, s24, s18, $0xb8;
	[tilespmem:$0x1E400] =	vst v63  }
0x57: {  	_ =	swait.ge [sflag:s16], $0x4000  }
0x58: {  	[sflag:s16] =	ssyncset.done $0x0  }
0x59: {  	[sflag:s16] =	ssyncadd.s32 $0xFFFFC000  }
0x5a: {  	_ =	swait.ge [sflag:s22], $0x4000  }
0x5b: {  	[sflag:s22] =	ssyncset.done $0x0  }
0x5c: {  	[sflag:s22] =	ssyncadd.s32 $0xFFFFC000  }
0x5d: {  	[spmem:s1] =	stream.indirect.scatter.add.f32 [tilespmem:s20], [sflag:$0x3], $0x80, s26, s18, $0xb8;
	[tilespmem:$0x1E400] =	vst v63  }
0x5e: {  	_ =	swait.ge [sflag:s16], $0x4000  }
0x5f: {  	[sflag:s16] =	ssyncset.done $0x0  }
0x60: {  	s31 =	simm.s32 $0x0;
	[sflag:s16] =	ssyncadd.s32 $0xFFFFC000  }
0x61: {  	[tilespmem:s31], [sflag:$0x3] =	stream.linear.gather [hbm4b:s13+s31], $0x1400, $0x38;
	[tilespmem:$0x1E400] =	vst v63  }
0x62: {  	_ =	swait.ge [sflag:s16], $0x1400  }
0x63: {  	[sflag:s16] =	ssyncset.done $0x0  }
0x64: {  	[sflag:s16] =	ssyncadd.s32 $0xFFFFEC00  }
0x65: {  	[tilespmem:s17], [sflag:$0x3] =	stream.linear.gather [hbm4b:s14+s31], $0x1400, $0x38;
	[tilespmem:$0x1E400] =	vst v63  }
0x66: {  	_ =	swait.ge [sflag:s16], $0x1400  }
0x67: {  	[sflag:s16] =	ssyncset.done $0x0  }
0x68: {  	[sflag:s16] =	ssyncadd.s32 $0xFFFFEC00  }
0x69: {  	[tilespmem:s19], [sflag:$0x1] =	stream.indirect.gather [hbm4b:s4+s18], $0x80, s31, s18, $0xb8;
	[tilespmem:$0x1E400] =	vst v63  }
0x6a: {  	s2 =	simm.s32 $0x80  }
0x6b: {  	[tilespmem:s20], [sflag:$0x2] =	stream.indirect.gather [hbm4b:s4+s18], $0x80, s2, s18, $0xb8;
	[tilespmem:$0x1E400] =	vst v63  }
0x6c: {  	_ =	swait.ge [sflag:s21], $0x4000  }
0x6d: {  	[sflag:s21] =	ssyncset.done $0x0  }
0x6e: {  	s31 =	simm.s32 $0x1400;
	[sflag:s21] =	ssyncadd.s32 $0xFFFFC000  }
0x6f: {  	[spmem:s1] =	stream.indirect.scatter.add.f32 [tilespmem:s19], [sflag:$0x3], $0x80, s31, s18, $0xb8;
	[tilespmem:$0x1E400] =	vst v63  }
0x70: {  	_ =	swait.ge [sflag:s16], $0x4000  }
0x71: {  	[sflag:s16] =	ssyncset.done $0x0  }
0x72: {  	s2 =	simm.s32 $0x100;
	[sflag:s16] =	ssyncadd.s32 $0xFFFFC000  }
0x73: {  	[tilespmem:s19], [sflag:$0x1] =	stream.indirect.gather [hbm4b:s4+s18], $0x80, s2, s18, $0xb8;
	[tilespmem:$0x1E400] =	vst v63  }
0x74: {  	_ =	swait.ge [sflag:s22], $0x4000  }
0x75: {  	[sflag:s22] =	ssyncset.done $0x0  }
0x76: {  	s31 =	simm.s32 $0x1480;
	[sflag:s22] =	ssyncadd.s32 $0xFFFFC000  }
0x77: {  	[spmem:s1] =	stream.indirect.scatter.add.f32 [tilespmem:s20], [sflag:$0x3], $0x80, s31, s18, $0xb8;
	[tilespmem:$0x1E400] =	vst v63  }
0x78: {  	_ =	swait.ge [sflag:s16], $0x4000  }
0x79: {  	s30 =	simm.s32 $0x800;
	s29 =	simm.s32 $0x100;
	[sflag:s16] =	ssyncset.done $0x0  }
.LBB2_4:
0x7a: {  	s0 =	sadd.s32 $0x80, s29  }
0x7b: {  	[sflag:s16] =	ssyncadd.s32 $0xFFFFC000;
	s2 =	smov.u32 s30;
	s31 =	sadd.s32 $0x400, s30  }
0x7c: {  	[tilespmem:s20], [sflag:$0x2] =	stream.indirect.gather [hbm4b:s4+s18], $0x80, s0, s18, $0xb8;
	[tilespmem:$0x1E400] =	vst v63  }
0x7d: {  	p1 =	sne.s32 s30, $0x4800;
	_ =	swait.ge [sflag:s21], $0x4000  }
0x7e: {  	[sflag:s21] =	ssyncset.done $0x0  }
0x7f: {  	s0 =	sadd.s32 $0x1400, s29;
	[sflag:s21] =	ssyncadd.s32 $0xFFFFC000  }
0x80: {  	[spmem:s1] =	stream.indirect.scatter.add.f32 [tilespmem:s19], [sflag:$0x3], $0x80, s0, s18, $0xb8;
	[tilespmem:$0x1E400] =	vst v63  }
0x81: {  	_ =	swait.ge [sflag:s16], $0x4000  }
0x82: {  	[sflag:s16] =	ssyncset.done $0x0  }
0x83: {  	s0 =	sadd.s32 $0x100, s29;
	[sflag:s16] =	ssyncadd.s32 $0xFFFFC000  }
0x84: {  	[tilespmem:s19], [sflag:$0x1] =	stream.indirect.gather [hbm4b:s4+s18], $0x80, s0, s18, $0xb8;
	[tilespmem:$0x1E400] =	vst v63  }
0x85: {  	_ =	swait.ge [sflag:s22], $0x4000  }
.Ltmp1:
0x86: {  	[sflag:s22] =	ssyncset.done $0x0;
	(pc) =	sbr.rel @p1 .LBB2_4-.Ltmp1, $4  }
0x87: {  	s0 =	sadd.s32 $0x1480, s29;
	[sflag:s22] =	ssyncadd.s32 $0xFFFFC000  }
0x88: {  	[spmem:s1] =	stream.indirect.scatter.add.f32 [tilespmem:s20], [sflag:$0x3], $0x80, s0, s18, $0xb8;
	[tilespmem:$0x1E400] =	vst v63  }
0x89: {  	_ =	swait.ge [sflag:s16], $0x4000  }
0x8a: {  	s30 =	smov.u32 s31;
	s29 =	sshra.s32 s2, $0x2;
	[sflag:s16] =	ssyncset.done $0x0  }
0x8b: {  	s0 =	sadd.s32 $0x80, s29;
	[sflag:s16] =	ssyncadd.s32 $0xFFFFC000  }
0x8c: {  	[tilespmem:s20], [sflag:$0x2] =	stream.indirect.gather [hbm4b:s4+s18], $0x80, s0, s18, $0xb8;
	[tilespmem:$0x1E400] =	vst v63  }
0x8d: {  	_ =	swait.ge [sflag:s21], $0x4000  }
0x8e: {  	[sflag:s21] =	ssyncset.done $0x0  }
0x8f: {  	s2 =	sadd.s32 $0x1400, s29;
	[sflag:s21] =	ssyncadd.s32 $0xFFFFC000  }
0x90: {  	[spmem:s1] =	stream.indirect.scatter.add.f32 [tilespmem:s19], [sflag:$0x3], $0x80, s2, s18, $0xb8;
	[tilespmem:$0x1E400] =	vst v63  }
0x91: {  	_ =	swait.ge [sflag:s16], $0x4000  }
0x92: {  	[sflag:s16] =	ssyncset.done $0x0  }
0x93: {  	s30 =	sadd.s32 $0x100, s29;
	[sflag:s16] =	ssyncadd.s32 $0xFFFFC000  }
0x94: {  	[tilespmem:s19], [sflag:$0x1] =	stream.indirect.gather [hbm4b:s4+s18], $0x80, s30, s18, $0xb8;
	[tilespmem:$0x1E400] =	vst v63  }
0x95: {  	_ =	swait.ge [sflag:s22], $0x4000  }
0x96: {  	[sflag:s22] =	ssyncset.done $0x0  }
0x97: {  	s31 =	sadd.s32 $0x1480, s29;
	[sflag:s22] =	ssyncadd.s32 $0xFFFFC000  }
0x98: {  	[spmem:s1] =	stream.indirect.scatter.add.f32 [tilespmem:s20], [sflag:$0x3], $0x80, s31, s18, $0xb8;
	[tilespmem:$0x1E400] =	vst v63  }
0x99: {  	_ =	swait.ge [sflag:s16], $0x4000  }
0x9a: {  	[sflag:s16] =	ssyncset.done $0x0  }
0x9b: {  	[sflag:s16] =	ssyncadd.s32 $0xFFFFC000  }
0x9c: {  	[tilespmem:s20], [sflag:$0x2] =	stream.indirect.gather [hbm4b:s4+s18], $0x80, s23, s18, $0xb8;
	[tilespmem:$0x1E400] =	vst v63  }
0x9d: {  	_ =	swait.ge [sflag:s21], $0x4000  }
0x9e: {  	[sflag:s21] =	ssyncset.done $0x0  }
0x9f: {  	[sflag:s21] =	ssyncadd.s32 $0xFFFFC000  }
0xa0: {  	[spmem:s1] =	stream.indirect.scatter.add.f32 [tilespmem:s19], [sflag:$0x3], $0x80, s24, s18, $0xb8;
	[tilespmem:$0x1E400] =	vst v63  }
0xa1: {  	_ =	swait.ge [sflag:s16], $0x4000  }
0xa2: {  	[sflag:s16] =	ssyncset.done $0x0  }
0xa3: {  	[sflag:s16] =	ssyncadd.s32 $0xFFFFC000  }
0xa4: {  	_ =	swait.ge [sflag:s22], $0x4000  }
0xa5: {  	[sflag:s22] =	ssyncset.done $0x0  }
0xa6: {  	[sflag:s22] =	ssyncadd.s32 $0xFFFFC000  }
0xa7: {  	[spmem:s1] =	stream.indirect.scatter.add.f32 [tilespmem:s20], [sflag:$0x3], $0x80, s26, s18, $0xb8;
	[tilespmem:$0x1E400] =	vst v63  }
0xa8: {  	_ =	swait.ge [sflag:s16], $0x4000  }
0xa9: {  	[sflag:s16] =	ssyncset.done $0x0  }
0xaa: {  	[sflag:s16] =	ssyncadd.s32 $0xFFFFC000  }
0xab: {  	s0 =	sadd.s32 @p0 $0x25080, s9;
	[bflag:$0x0] =	sbarrier.arrive $0xFFFF  }
0xac: {  	[hbm:s0], [sflag:s8] =	dma.local @p0 [spmem:s25], $0x2080  }
0xad: {  	s0 =	simm.s32 @p0 $0x3  }
0xae: {  	s28 =	sadd.s32 $0x1, s28;
	_ =	swait.ge @p0 [sflag:s0], $0x2080  }
0xaf: {  	p1 =	sne.s32 s28, s10;
	[sflag:s0] =	ssyncset.done @p0 $0x0  }
0xb0: {  	s2 =	sshrl.u32 @!p0 s6, $0x3;
	[sflag:s0] =	ssyncadd.s32 @p0 $0xFFFFDF80;
	s0 =	sadd.s32 @!p0 s5, s9  }
0xb1: {  	[hbm:s0], [sflag:s8] =	dma.local @!p0 [spmem:s2], $0x2780  }
.Ltmp2:
0xb2: {  	_ = 	snop;
	(pc) =	sbr.rel @p1 .LBB2_1-.Ltmp2, $4  }
0xb3: {  	s0 =	simm.s32 @!p0 $0x3  }
0xb4: {  	_ =	swait.ge @!p0 [sflag:s0], $0x2780  }
0xb5: {  	[sflag:s0] =	ssyncset.done @!p0 $0x0  }
0xb6: {  	[sflag:s0] =	ssyncadd.s32 @!p0 $0xFFFFD880  }
0xb7: {  	_ =	sfence.sel $0x180000  }
0xb8: {  	[bflag:$0x0] =	sbarrier.arrive $0xFFFF  }
0xb9: {  	_ =	strace $0x9000004D  }
0xba: {  	s0 =	stileid.u32;
	[bflag:$0x2] =	sbarrier.arrive $0xFFFF  }
0xbb: {  	p0 =	sne.s32 s0, $0x0;
	s0 =	rddreg [dreg:$0x2]  }
0xbc: {  	s0 =	sadd.s32 @!p0 $0x100000, s0  }
0xbd: {  	[sflag:s0] =	ssyncadd.tile.s32 @!p0 $0x1;
	_ =	shalt  }
.Lfunc_end2:
_tile_overlayer_lowered:
.L_overlay_start_2:
0xbe: {  	(tag) =	ssettag $0x2  }
0xbf: {  	s0 =	rddreg [dreg:$0x0];
	s2 =	stileid.u32  }
0xc0: {  	s1 =	rddreg [dreg:$0x1];
	p0 =	sne.s32 s2, $0x0  }
0xc1: {  	s3 =	rddreg [dreg:$0x2];
	[bflag:$0x3] =	sbarrier.arrive $0xFFFF;
	s2 =	simm.s32 @!p0 $0x1C03  }
0xc2: {  	[timem:s3], [sflag:s2] =	dma.local @!p0 [hbm:s0], s1  }
0xc3: {  	s0 =	simm.s32 @!p0 $0x3  }
0xc4: {  	_ =	swait.ge @!p0 [sflag:s0], s1  }
0xc5: {  	s1 =	ssub.s32 @!p0 $0x0, s1;
	[sflag:s0] =	ssyncset.done @!p0 $0x0  }
0xc6: {  	[sflag:s0] =	ssyncadd.s32 @!p0 s1  }
0xc7: {  	[bflag:$0x3] =	sbarrier.arrive $0xFFFF  }
0xc8: {  	_ =	shalt  }

// kernel: kernel.21.cloned.1.call-start
scs
__scs_entry_jumppad:
0x0: {  	(pc) =	sbr.rel $0x88, $3  }
0x1: {  	(tag) =	ssettag $0x0;
	lr =	simm.s32 $0x1  }
0x2: {  	[smem:$0x3F8B] =	sst lr;
	_ =	strace $0xD0000000  }
0x3: {  	_ = 	snop  }
0x4: {  	_ = 	snop  }
0x5: {  	_ = 	snop  }
0x6: {  	_ = 	snop  }
0x7: {  	_ = 	snop  }
__scs_overlays_trampoline_lowered:
0x8: {  	[smem:$0x3F9A] =	sst s0  }
0x9: {  	[smem:$0x3F9B] =	sst s1  }
0xa: {  	[smem:$0x3F9C] =	sst s2  }
0xb: {  	[smem:$0x3F9D] =	sst s3  }
0xc: {  	[smem:$0x3F9E] =	sst s4  }
0xd: {  	[smem:$0x3F9F] =	sst s5  }
0xe: {  	[smem:$0x3FA0] =	sst s6  }
0xf: {  	[smem:$0x3FA1] =	sst s7  }
0x10: {  	[smem:$0x3FA2] =	sst s8  }
0x11: {  	[smem:$0x3FA3] =	sst s9;
	s0 =	simm.s32 @!p0 $0x0  }
0x12: {  	s1 =	sld [smem:$0x3F89];
	s0 =	simm.s32 @p0 $0x1  }
0x13: {  	[smem:$0x3FA4] =	sst s0;
	s0 =	simm.s32 @!p1 $0x0  }
0x14: {  	s2 =	sld [smem:$0x3F88];
	s0 =	simm.s32 @p1 $0x1  }
0x15: {  	[smem:$0x3FA5] =	sst s0;
	s0 =	simm.s32 @!p2 $0x0  }
0x16: {  	s3 =	sld [smem:$0x3FDB];
	s0 =	simm.s32 @p2 $0x1  }
0x17: {  	s4 =	simm.s32 $0x1BF5;
	[smem:$0x3FA7] =	sst s0  }
0x18: {  	s0 =	sld [smem:$0x3F8A];
	_ =	swait.ge [sflag:s4], $0x0  }
0x19: {  	s7 =	sld [smem:$0x3F8B]  }
0x1a: {  	s8 =	sadd.s32 $0xFFFFE003, lr  }
0x1b: {  	s9 =	sadd.s32 $0xFFFFFEF7, lr;
	s5 =	simm.s32 $0xFFFFFFFF;
	p2 =	slt.u32 s8, $0xFFFFF086  }
0x1c: {  	p1 =	slt.u32 s9, $0xF7A;
	s5 =	simm.s32 @!p2 $0x0  }
0x1d: {  	s5 =	simm.s32 @p1 $0x1;
	p0 =	seq.s32 s7, s2  }
0x1e: {  	s7 =	smul.u32 @!p0 $0xF7A, s2;
	p2 =	seq.s32 @!p0 s5, $0x0  }
0x1f: {  	s9 =	smul.u32 $0xF7A, s1;
	s8 =	simm.s32 @!p0 $0x1BF5;
	p2 =	por !p2, p0  }
0x20: {  	[sflag:s8] =	ssyncset.s32 @!p0 $0xFFFFF086;
	s6 =	sadd.s32 @!p0 s3, s7;
	s7 =	simm.s32 @!p0 $0x108  }
0x21: {  	s3 =	sadd.s32 s3, s9;
	s6 =	sadd.s32 @!p0 $0x88, s6;
	s7 =	simm.s32 @p2 $0x1082  }
0x22: {  	[simem:s7], [sflag:s8] =	dma.local @!p0 [hbm:s6], $0xF7A  }
0x23: {  	s9 =	sor.u32 $0xD0000000, s2;
	s6 =	simm.s32 $0x108;
	_ =	swait.ge @!p0 [sflag:s8], $0x0  }
0x24: {  	s3 =	sadd.s32 $0x88, s3;
	s6 =	simm.s32 @!p1 $0x1082;
	[sflag:s4] =	ssyncset.s32 $0xFFFFF086  }
0x25: {  	[simem:s6], [sflag:s4] =	dma.local [hbm:s3], $0xF7A  }
0x26: {  	[smem:$0x3F8B] =	sst s1;
	(tag) =	ssettag s2;
	_ =	strace s9  }
0x27: {  	s1 =	sld [smem:$0x3F9B]  }
0x28: {  	s2 =	sld [smem:$0x3F9C]  }
0x29: {  	s4 =	sld [smem:$0x3F9E]  }
0x2a: {  	p0 =	seq.s32 s5, $0x0;
	s5 =	sld [smem:$0x3F9F]  }
0x2b: {  	s6 =	sld [smem:$0x3FA0]  }
0x2c: {  	s7 =	sld [smem:$0x3FA1]  }
0x2d: {  	s3 =	simm.s32 $0x108;
	s8 =	sld [smem:$0x3FA2]  }
0x2e: {  	s3 =	simm.s32 @!p0 $0x1082;
	s9 =	sld [smem:$0x3FA3]  }
0x2f: {  	lr =	sadd.s32 s0, s3;
	s0 =	sld [smem:$0x3F9A]  }
0x30: {  	s3 =	sld [smem:$0x3F9D]  }
0x31: {  	[smem:$0x3FA6] =	sst s10  }
0x32: {  	s10 =	sld [smem:$0x3FA4];
	_ =	sdelay $0x3  }
0x33: {  	p0 =	seq.s32 s10, $0x1;
	s10 =	sld [smem:$0x3FA6];
	_ =	sdelay $0x3  }
0x34: {  	[smem:$0x3FA6] =	sst s10  }
0x35: {  	s10 =	sld [smem:$0x3FA5];
	_ =	sdelay $0x3  }
0x36: {  	p1 =	seq.s32 s10, $0x1;
	s10 =	sld [smem:$0x3FA6];
	_ =	sdelay $0x3  }
0x37: {  	[smem:$0x3FA6] =	sst s10  }
0x38: {  	s10 =	sld [smem:$0x3FA7]  }
0x39: {  	_ = 	snop;
	(pc) =	sbr.ind lr, $3  }
0x3a: {  	_ = 	snop  }
0x3b: {  	_ = 	snop  }
0x3c: {  	p2 =	seq.s32 s10, $0x1;
	s10 =	sld [smem:$0x3FA6]  }
0x3d: {  	_ =	shalt  }
0x3e: {  	_ =	shalt  }
0x3f: {  	_ =	shalt  }
0x40: {  	_ =	shalt  }
0x41: {  	_ =	shalt  }
0x42: {  	_ =	shalt  }
0x43: {  	_ =	shalt  }
0x44: {  	_ =	shalt  }
0x45: {  	_ =	shalt  }
0x46: {  	_ =	shalt  }
0x47: {  	_ =	shalt  }
0x48: {  	_ =	shalt  }
0x49: {  	_ =	shalt  }
0x4a: {  	_ =	shalt  }
0x4b: {  	_ =	shalt  }
0x4c: {  	_ =	shalt  }
0x4d: {  	_ =	shalt  }
0x4e: {  	_ =	shalt  }
0x4f: {  	_ =	shalt  }
0x50: {  	_ =	shalt  }
0x51: {  	_ =	shalt  }
0x52: {  	_ =	shalt  }
0x53: {  	_ =	shalt  }
0x54: {  	_ =	shalt  }
0x55: {  	_ =	shalt  }
0x56: {  	_ =	shalt  }
0x57: {  	_ =	shalt  }
0x58: {  	_ =	shalt  }
0x59: {  	_ =	shalt  }
0x5a: {  	_ =	shalt  }
0x5b: {  	_ =	shalt  }
0x5c: {  	_ =	shalt  }
0x5d: {  	_ =	shalt  }
0x5e: {  	_ =	shalt  }
0x5f: {  	_ =	shalt  }
0x60: {  	_ =	shalt  }
0x61: {  	_ =	shalt  }
0x62: {  	_ =	shalt  }
0x63: {  	_ =	shalt  }
0x64: {  	_ =	shalt  }
0x65: {  	_ =	shalt  }
0x66: {  	_ =	shalt  }
0x67: {  	_ =	shalt  }
0x68: {  	_ =	shalt  }
0x69: {  	_ =	shalt  }
0x6a: {  	_ =	shalt  }
0x6b: {  	_ =	shalt  }
0x6c: {  	_ =	shalt  }
0x6d: {  	_ =	shalt  }
0x6e: {  	_ =	shalt  }
0x6f: {  	_ =	shalt  }
0x70: {  	_ =	shalt  }
0x71: {  	_ =	shalt  }
0x72: {  	_ =	shalt  }
0x73: {  	_ =	shalt  }
0x74: {  	_ =	shalt  }
0x75: {  	_ =	shalt  }
0x76: {  	_ =	shalt  }
0x77: {  	_ =	shalt  }
0x78: {  	_ =	shalt  }
0x79: {  	_ =	shalt  }
0x7a: {  	_ =	shalt  }
0x7b: {  	_ =	shalt  }
0x7c: {  	_ =	shalt  }
0x7d: {  	_ =	shalt  }
0x7e: {  	_ =	shalt  }
0x7f: {  	_ =	shalt  }
0x80: {  	_ =	shalt  }
0x81: {  	_ =	shalt  }
0x82: {  	_ =	shalt  }
0x83: {  	_ =	shalt  }
0x84: {  	_ =	shalt  }
0x85: {  	_ =	shalt  }
0x86: {  	_ =	shalt  }
0x87: {  	_ =	shalt  }
.Lfunc_end0:
.L_simem_size_0:
called_computation.3_lowered:
.L_overlay_start_0:
0x88: {  	s2 =	sld [smem:$0x3FD9]  }
0x89: {  	s3 =	sld [smem:$0x3FFE];
	_ =	sdelay $0x1  }
0x8a: {  	s1 =	srdreg.scid  }
0x8b: {  	s0 =	sand.u32 $0x1, s1  }
0x8c: {  	s16 =	sshll.u32 s0, $0xA;
	s2 =	sadd.s32 s3, s2  }
0x8d: {  	s2 =	sadd.s32 s2, s16  }
0x8e: {  	[smem:$0x3FB2] =	sst s2  }
0x8f: {  	_ = 	snop  }
0x90: {  	(tm) =	ssettm $0x1  }
0x91: {  	s17 =	sld [smem:$0x3FFB];
	_ =	sdelay $0x3  }
0x92: {  	_ =	strace s17  }
0x93: {  	s2 =	sld [smem:$0x3FFC];
	_ =	sdelay $0x3  }
0x94: {  	_ =	strace s2  }
0x95: {  	s2 =	sld [smem:$0x3FFD];
	_ =	sdelay $0x3  }
0x96: {  	_ =	strace s2  }
0x97: {  	_ =	strace $0x8FFFFFFF  }
0x98: {  	s18 =	sld [smem:$0x3FDB];
	_ =	sdelay $0x1  }
0x99: {  	s19 =	simm.s32 $_scs_section_size  }
0x9a: {  	s4 =	simm.s32 $_size__tile_overlayer_lowered;
	s5 =	simm.s32 $_tile_overlayer_lowered  }
0x9b: {  	s22 =	simm.s32 $0x1BFF;
	s21 =	sshll.u32 s5, $0x1;
	s2 =	sadd.s32 s19, s18  }
0x9c: {  	s6 =	simm.s32 $0x0;
	s20 =	sshll.u32 s4, $0x1;
	s4 =	sadd.s32 s21, s2  }
0x9d: {  	[timem:s6], [sflag:s22] =	dma.local [hbm:s4], s20  }
0x9e: {  	_ =	swait.ge [sflag:s22], s20  }
0x9f: {  	s3 =	ssub.s32 $0x0, s20;
	[sflag:s22] =	ssyncset.done $0x0  }
0xa0: {  	[sflag:s22] =	ssyncadd.s32 s3;
	_ =	sdelay $0x1  }
0xa1: {  	s23 =	simm.s32 $0x1B8B  }
0xa2: {  	_ =	swait.ge [sflag:s23], $0x1  }
0xa3: {  	[sflag:s23] =	ssyncset.done $0x0  }
0xa4: {  	s25 =	simm.s32 $0x1B8E;
	s24 =	sld [smem:$0x3FFE];
	[sflag:s23] =	ssyncadd.s32 $0xFFFFFFFF  }
0xa5: {  	s26 =	simm.s32 $execute0_lowered;
	[smem:$0x3FD2] =	sst s25  }
0xa6: {  	s4 =	sshll.u32 s26, $0x1;
	_ =	strace $0x8000004F;
	[dreg:$0x1] =	wrdreg $0xFFFFFFFF  }
0xa7: {  	s28 =	simm.s32 $_size_execute0_lowered;
	s2 =	sadd.s32 s2, s4;
	[dreg:$0x0] =	wrdreg $0x0  }
0xa8: {  	s4 =	sshll.u32 s28, $0x1;
	[dreg:$0x2] =	wrdreg s2  }
0xa9: {  	[dreg:$0x3] =	wrdreg s4  }
0xaa: {  	[dreg:$0x4] =	wrdreg $0xC0  }
0xab: {  	_ =	task [dreg:s6], $0x5FFFF  }
0xac: {  	[dreg:$0x1] =	wrdreg $0xFFFFFFFF  }
0xad: {  	[dreg:$0x0] =	wrdreg $0x60  }
0xae: {  	[dreg:$0x2] =	wrdreg s24  }
0xaf: {  	[dreg:$0x3] =	wrdreg $0xA8000  }
0xb0: {  	[dreg:$0x4] =	wrdreg $0x9  }
0xb1: {  	_ =	task.clear_ibuf [dreg:s6], $0x5FFFF;
	_ =	strace $0x9000004F  }
0xb2: {  	s29 =	simm.s32 $0x9;
	_ =	strace $0x80000051  }
0xb3: {  	_ =	swait.ge [sflag:s29], $0x1  }
0xb4: {  	[sflag:s29] =	ssyncadd.s32 $0xFFFFFFFF  }
0xb5: {  	_ =	strace $0x90000051  }
0xb6: {  	_ =	sfence  }
0xb7: {  	s30 =	sld [smem:$0x0];
	_ =	sdelay $0x2  }
0xb8: {  	s31 =	sshll.u32 s1, $0xD;
	s1 =	sshrl.u32 s1, $0x2  }
0xb9: {  	s3 =	sand.u32 $0x4000, s31;
	s1 =	sadd.s32 s1, s30  }
0xba: {  	s0 =	sor.u32 s3, s0;
	s1 =	sshll.u32 s1, $0x11  }
0xbb: {  	s0 =	sor.u32 s1, s0  }
0xbc: {  	s0 =	sadd.s32 $0x8F2B, s0  }
0xbd: {  	[sflag:s0] =	ssyncadd.remote.s32 $0x1  }
0xbe: {  	_ =	sfence.sel $0xFFFF  }
0xbf: {  	[dreg:$0x0] =	wrdreg $0xFFFFFFFF;
	(pc) =	sbr.abs _section_cstart, $3  }
0xc0: {  	[dreg:$0x1] =	wrdreg $0xFFFFFFFF  }
0xc1: {  	_ =	task.clear_ibuf [dreg:s6], $0x2FFFF;
	_ =	strace $0x9FFFFFFF  }
0xc2: {  	(tm) =	ssettm $0x7FFFFFFF  }
0xc3: {  	_ =	shalt  }
tec
execute0_lowered:
.L_overlay_start_1:
0x0: {  	(tag) =	ssettag $0x1  }
0x1: {  	s6 =	rddreg [dreg:$0x0]  }
0x2: {  	s1 =	rddreg [dreg:$0x1];
	s3 =	simm.s32 $0x0;
	s0 =	stileid.u32  }
0x3: {  	s7 =	srdreg.scid;
	s17 =	simm.s32 $0x1400;
	s18 =	simm.s32 $0x80  }
0x4: {  	s19 =	simm.s32 $0x2800;
	s20 =	simm.s32 $0x6800;
	s21 =	simm.s32 $0x1  }
0x5: {  	s22 =	simm.s32 $0x2;
	s23 =	simm.s32 $0x1380;
	s24 =	simm.s32 $0x2700  }
0x6: {  	s26 =	simm.s32 $0x2780;
	s28 =	simm.s32 $0x0;
	[smem:$0x7FF] =	sst s3  }
0x7: {  	s4 =	sadd.s32 $0x40200, s6;
	s5 =	smul.u32 $0x2780, s0;
	s7 =	sand.u32 $0x1, s7  }
0x8: {  	s13 =	sadd.s32 $0xEA00, s6;
	s14 =	sadd.s32 $0x4A00, s6;
	s11 =	smul.u32 $0x4F000, s0  }
0x9: {  	s31 =	sshll.u32 s0, $0x6;
	s25 =	sadd.s32 $0x128400, s1;
	p0 =	seq.s32 s0, $0xF  }
0xa: {  	_ =	strace $0x80000050;
	s8 =	smul.u32 $0x27100, s7;
	s10 =	ssub.s32 $0x2, s7  }
0xb: {  	s7 =	sshll.u32 s7, $0x4;
	s25 =	sshrl.u32 @p0 s25, $0x3;
	s9 =	sadd.s32 s5, s6  }
0xc: {  	s29 =	sshrl.u32 s10, $0x1;
	s30 =	sshrl.u32 s11, $0x2;
	s7 =	sor.u32 s0, s7  }
0xd: {  	s12 =	sadd.s32 s8, s6;
	s10 =	ssub.s32 s10, s29;
	s15 =	smul.u32 $0x500, s7  }
0xe: {  	s6 =	sadd.s32 s30, s1;
	s7 =	sadd.s32 $0x18A00, s9;
	s8 =	sor.u32 $0x1C03, s31  }
0xf: {  	s9 =	sadd.s32 $0x67400, s12;
	s10 =	smax.u32 s10, $0x1;
	s16 =	sadd.s32 $0x280, s15  }
0x10: {  	s11 =	sadd.s32 s13, s15;
	s12 =	sadd.s32 s14, s15;
	s15 =	sshrl.u32 s6, $0x3  }
0x11: {  	s13 =	sadd.s32 s13, s16;
	s14 =	sadd.s32 s14, s16;
	s16 =	simm.s32 $0x3  }
.LBB2_1:
0x12: {  	[spmem:s15], [sflag:s8] =	dma.local [hbm:s7], $0x2780  }
0x13: {  	_ =	swait.ge [sflag:s16], $0x2780  }
0x14: {  	[sflag:s16] =	ssyncset.done $0x0  }
0x15: {  	[sflag:s16] =	ssyncadd.s32 $0xFFFFD880  }
0x16: {  	[bflag:$0x0] =	sbarrier.arrive $0xFFFF  }
0x17: {  	[tilespmem:s3], [sflag:$0x3] =	stream.linear.gather [hbm4b:s11+s3], $0x1400, $0x38;
	[tilespmem:$0x1E400] =	vst v63  }
0x18: {  	_ =	swait.ge [sflag:s16], $0x1400  }
0x19: {  	[sflag:s16] =	ssyncset.done $0x0  }
0x1a: {  	[sflag:s16] =	ssyncadd.s32 $0xFFFFEC00  }
0x1b: {  	[tilespmem:s17], [sflag:$0x3] =	stream.linear.gather [hbm4b:s12+s3], $0x1400, $0x38;
	[tilespmem:$0x1E400] =	vst v63  }
0x1c: {  	_ =	swait.ge [sflag:s16], $0x1400  }
0x1d: {  	[sflag:s16] =	ssyncset.done $0x0  }
0x1e: {  	[sflag:s16] =	ssyncadd.s32 $0xFFFFEC00  }
0x1f: {  	[tilespmem:s19], [sflag:$0x1] =	stream.indirect.gather [hbm4b:s4+s18], $0x80, s3, s18, $0xb8;
	[tilespmem:$0x1E400] =	vst v63  }
0x20: {  	s29 =	simm.s32 $0x80  }
0x21: {  	[tilespmem:s20], [sflag:$0x2] =	stream.indirect.gather [hbm4b:s4+s18], $0x80, s29, s18, $0xb8;
	[tilespmem:$0x1E400] =	vst v63  }
0x22: {  	_ =	swait.ge [sflag:s21], $0x4000  }
0x23: {  	[sflag:s21] =	ssyncset.done $0x0  }
0x24: {  	s29 =	simm.s32 $0x1400;
	[sflag:s21] =	ssyncadd.s32 $0xFFFFC000  }
0x25: {  	[spmem:s1] =	stream.indirect.scatter.add.f32 [tilespmem:s19], [sflag:$0x3], $0x80, s29, s18, $0xb8;
	[tilespmem:$0x1E400] =	vst v63  }
0x26: {  	_ =	swait.ge [sflag:s16], $0x4000  }
0x27: {  	[sflag:s16] =	ssyncset.done $0x0  }
0x28: {  	s29 =	simm.s32 $0x100;
	[sflag:s16] =	ssyncadd.s32 $0xFFFFC000  }
0x29: {  	[tilespmem:s19], [sflag:$0x1] =	stream.indirect.gather [hbm4b:s4+s18], $0x80, s29, s18, $0xb8;
	[tilespmem:$0x1E400] =	vst v63  }
0x2a: {  	_ =	swait.ge [sflag:s22], $0x4000  }
0x2b: {  	[sflag:s22] =	ssyncset.done $0x0  }
0x2c: {  	s29 =	simm.s32 $0x1480;
	[sflag:s22] =	ssyncadd.s32 $0xFFFFC000  }
0x2d: {  	[spmem:s1] =	stream.indirect.scatter.add.f32 [tilespmem:s20], [sflag:$0x3], $0x80, s29, s18, $0xb8;
	[tilespmem:$0x1E400] =	vst v63  }
0x2e: {  	_ =	swait.ge [sflag:s16], $0x4000  }
0x2f: {  	s30 =	simm.s32 $0x800;
	s29 =	simm.s32 $0x100;
	[sflag:s16] =	ssyncset.done $0x0  }
.LBB2_2:
0x30: {  	s31 =	sadd.s32 $0x80, s29  }
0x31: {  	[sflag:s16] =	ssyncadd.s32 $0xFFFFC000;
	s0 =	smov.u32 s30;
	s2 =	sadd.s32 $0x400, s30  }
0x32: {  	[tilespmem:s20], [sflag:$0x2] =	stream.indirect.gather [hbm4b:s4+s18], $0x80, s31, s18, $0xb8;
	[tilespmem:$0x1E400] =	vst v63  }
0x33: {  	p1 =	sne.s32 s30, $0x4800;
	_ =	swait.ge [sflag:s21], $0x4000  }
0x34: {  	[sflag:s21] =	ssyncset.done $0x0  }
0x35: {  	s30 =	sadd.s32 $0x1400, s29;
	[sflag:s21] =	ssyncadd.s32 $0xFFFFC000  }
0x36: {  	[spmem:s1] =	stream.indirect.scatter.add.f32 [tilespmem:s19], [sflag:$0x3], $0x80, s30, s18, $0xb8;
	[tilespmem:$0x1E400] =	vst v63  }
0x37: {  	_ =	swait.ge [sflag:s16], $0x4000  }
0x38: {  	[sflag:s16] =	ssyncset.done $0x0  }
0x39: {  	s30 =	sadd.s32 $0x100, s29;
	[sflag:s16] =	ssyncadd.s32 $0xFFFFC000  }
0x3a: {  	[tilespmem:s19], [sflag:$0x1] =	stream.indirect.gather [hbm4b:s4+s18], $0x80, s30, s18, $0xb8;
	[tilespmem:$0x1E400] =	vst v63  }
0x3b: {  	_ =	swait.ge [sflag:s22], $0x4000  }
.Ltmp0:
0x3c: {  	[sflag:s22] =	ssyncset.done $0x0;
	(pc) =	sbr.rel @p1 .LBB2_2-.Ltmp0, $4  }
0x3d: {  	s29 =	sadd.s32 $0x1480, s29;
	[sflag:s22] =	ssyncadd.s32 $0xFFFFC000  }
0x3e: {  	[spmem:s1] =	stream.indirect.scatter.add.f32 [tilespmem:s20], [sflag:$0x3], $0x80, s29, s18, $0xb8;
	[tilespmem:$0x1E400] =	vst v63  }
0x3f: {  	_ =	swait.ge [sflag:s16], $0x4000  }
0x40: {  	s30 =	smov.u32 s2;
	s29 =	sshra.s32 s0, $0x2;
	[sflag:s16] =	ssyncset.done $0x0  }
0x41: {  	s0 =	sadd.s32 $0x80, s29;
	[sflag:s16] =	ssyncadd.s32 $0xFFFFC000  }
0x42: {  	[tilespmem:s20], [sflag:$0x2] =	stream.indirect.gather [hbm4b:s4+s18], $0x80, s0, s18, $0xb8;
	[tilespmem:$0x1E400] =	vst v63  }
0x43: {  	_ =	swait.ge [sflag:s21], $0x4000  }
0x44: {  	[sflag:s21] =	ssyncset.done $0x0  }
0x45: {  	s2 =	sadd.s32 $0x1400, s29;
	[sflag:s21] =	ssyncadd.s32 $0xFFFFC000  }
0x46: {  	[spmem:s1] =	stream.indirect.scatter.add.f32 [tilespmem:s19], [sflag:$0x3], $0x80, s2, s18, $0xb8;
	[tilespmem:$0x1E400] =	vst v63  }
0x47: {  	_ =	swait.ge [sflag:s16], $0x4000  }
0x48: {  	[sflag:s16] =	ssyncset.done $0x0  }
0x49: {  	s31 =	sadd.s32 $0x100, s29;
	[sflag:s16] =	ssyncadd.s32 $0xFFFFC000  }
0x4a: {  	[tilespmem:s19], [sflag:$0x1] =	stream.indirect.gather [hbm4b:s4+s18], $0x80, s31, s18, $0xb8;
	[tilespmem:$0x1E400] =	vst v63  }
0x4b: {  	_ =	swait.ge [sflag:s22], $0x4000  }
0x4c: {  	[sflag:s22] =	ssyncset.done $0x0  }
0x4d: {  	s2 =	sadd.s32 $0x1480, s29;
	[sflag:s22] =	ssyncadd.s32 $0xFFFFC000  }
0x4e: {  	[spmem:s1] =	stream.indirect.scatter.add.f32 [tilespmem:s20], [sflag:$0x3], $0x80, s2, s18, $0xb8;
	[tilespmem:$0x1E400] =	vst v63  }
0x4f: {  	_ =	swait.ge [sflag:s16], $0x4000  }
0x50: {  	[sflag:s16] =	ssyncset.done $0x0  }
0x51: {  	[sflag:s16] =	ssyncadd.s32 $0xFFFFC000  }
0x52: {  	[tilespmem:s20], [sflag:$0x2] =	stream.indirect.gather [hbm4b:s4+s18], $0x80, s23, s18, $0xb8;
	[tilespmem:$0x1E400] =	vst v63  }
0x53: {  	_ =	swait.ge [sflag:s21], $0x4000  }
0x54: {  	[sflag:s21] =	ssyncset.done $0x0  }
0x55: {  	[sflag:s21] =	ssyncadd.s32 $0xFFFFC000  }
0x56: {  	[spmem:s1] =	stream.indirect.scatter.add.f32 [tilespmem:s19], [sflag:$0x3], $0x80, s24, s18, $0xb8;
	[tilespmem:$0x1E400] =	vst v63  }
0x57: {  	_ =	swait.ge [sflag:s16], $0x4000  }
0x58: {  	[sflag:s16] =	ssyncset.done $0x0  }
0x59: {  	[sflag:s16] =	ssyncadd.s32 $0xFFFFC000  }
0x5a: {  	_ =	swait.ge [sflag:s22], $0x4000  }
0x5b: {  	[sflag:s22] =	ssyncset.done $0x0  }
0x5c: {  	[sflag:s22] =	ssyncadd.s32 $0xFFFFC000  }
0x5d: {  	[spmem:s1] =	stream.indirect.scatter.add.f32 [tilespmem:s20], [sflag:$0x3], $0x80, s26, s18, $0xb8;
	[tilespmem:$0x1E400] =	vst v63  }
0x5e: {  	_ =	swait.ge [sflag:s16], $0x4000  }
0x5f: {  	[sflag:s16] =	ssyncset.done $0x0  }
0x60: {  	s31 =	simm.s32 $0x0;
	[sflag:s16] =	ssyncadd.s32 $0xFFFFC000  }
0x61: {  	[tilespmem:s31], [sflag:$0x3] =	stream.linear.gather [hbm4b:s13+s31], $0x1400, $0x38;
	[tilespmem:$0x1E400] =	vst v63  }
0x62: {  	_ =	swait.ge [sflag:s16], $0x1400  }
0x63: {  	[sflag:s16] =	ssyncset.done $0x0  }
0x64: {  	[sflag:s16] =	ssyncadd.s32 $0xFFFFEC00  }
0x65: {  	[tilespmem:s17], [sflag:$0x3] =	stream.linear.gather [hbm4b:s14+s31], $0x1400, $0x38;
	[tilespmem:$0x1E400] =	vst v63  }
0x66: {  	_ =	swait.ge [sflag:s16], $0x1400  }
0x67: {  	[sflag:s16] =	ssyncset.done $0x0  }
0x68: {  	[sflag:s16] =	ssyncadd.s32 $0xFFFFEC00  }
0x69: {  	[tilespmem:s19], [sflag:$0x1] =	stream.indirect.gather [hbm4b:s4+s18], $0x80, s31, s18, $0xb8;
	[tilespmem:$0x1E400] =	vst v63  }
0x6a: {  	s2 =	simm.s32 $0x80  }
0x6b: {  	[tilespmem:s20], [sflag:$0x2] =	stream.indirect.gather [hbm4b:s4+s18], $0x80, s2, s18, $0xb8;
	[tilespmem:$0x1E400] =	vst v63  }
0x6c: {  	_ =	swait.ge [sflag:s21], $0x4000  }
0x6d: {  	[sflag:s21] =	ssyncset.done $0x0  }
0x6e: {  	s31 =	simm.s32 $0x1400;
	[sflag:s21] =	ssyncadd.s32 $0xFFFFC000  }
0x6f: {  	[spmem:s1] =	stream.indirect.scatter.add.f32 [tilespmem:s19], [sflag:$0x3], $0x80, s31, s18, $0xb8;
	[tilespmem:$0x1E400] =	vst v63  }
0x70: {  	_ =	swait.ge [sflag:s16], $0x4000  }
0x71: {  	[sflag:s16] =	ssyncset.done $0x0  }
0x72: {  	s2 =	simm.s32 $0x100;
	[sflag:s16] =	ssyncadd.s32 $0xFFFFC000  }
0x73: {  	[tilespmem:s19], [sflag:$0x1] =	stream.indirect.gather [hbm4b:s4+s18], $0x80, s2, s18, $0xb8;
	[tilespmem:$0x1E400] =	vst v63  }
0x74: {  	_ =	swait.ge [sflag:s22], $0x4000  }
0x75: {  	[sflag:s22] =	ssyncset.done $0x0  }
0x76: {  	s31 =	simm.s32 $0x1480;
	[sflag:s22] =	ssyncadd.s32 $0xFFFFC000  }
0x77: {  	[spmem:s1] =	stream.indirect.scatter.add.f32 [tilespmem:s20], [sflag:$0x3], $0x80, s31, s18, $0xb8;
	[tilespmem:$0x1E400] =	vst v63  }
0x78: {  	_ =	swait.ge [sflag:s16], $0x4000  }
0x79: {  	s30 =	simm.s32 $0x800;
	s29 =	simm.s32 $0x100;
	[sflag:s16] =	ssyncset.done $0x0  }
.LBB2_4:
0x7a: {  	s0 =	sadd.s32 $0x80, s29  }
0x7b: {  	[sflag:s16] =	ssyncadd.s32 $0xFFFFC000;
	s2 =	smov.u32 s30;
	s31 =	sadd.s32 $0x400, s30  }
0x7c: {  	[tilespmem:s20], [sflag:$0x2] =	stream.indirect.gather [hbm4b:s4+s18], $0x80, s0, s18, $0xb8;
	[tilespmem:$0x1E400] =	vst v63  }
0x7d: {  	p1 =	sne.s32 s30, $0x4800;
	_ =	swait.ge [sflag:s21], $0x4000  }
0x7e: {  	[sflag:s21] =	ssyncset.done $0x0  }
0x7f: {  	s0 =	sadd.s32 $0x1400, s29;
	[sflag:s21] =	ssyncadd.s32 $0xFFFFC000  }
0x80: {  	[spmem:s1] =	stream.indirect.scatter.add.f32 [tilespmem:s19], [sflag:$0x3], $0x80, s0, s18, $0xb8;
	[tilespmem:$0x1E400] =	vst v63  }
0x81: {  	_ =	swait.ge [sflag:s16], $0x4000  }
0x82: {  	[sflag:s16] =	ssyncset.done $0x0  }
0x83: {  	s0 =	sadd.s32 $0x100, s29;
	[sflag:s16] =	ssyncadd.s32 $0xFFFFC000  }
0x84: {  	[tilespmem:s19], [sflag:$0x1] =	stream.indirect.gather [hbm4b:s4+s18], $0x80, s0, s18, $0xb8;
	[tilespmem:$0x1E400] =	vst v63  }
0x85: {  	_ =	swait.ge [sflag:s22], $0x4000  }
.Ltmp1:
0x86: {  	[sflag:s22] =	ssyncset.done $0x0;
	(pc) =	sbr.rel @p1 .LBB2_4-.Ltmp1, $4  }
0x87: {  	s0 =	sadd.s32 $0x1480, s29;
	[sflag:s22] =	ssyncadd.s32 $0xFFFFC000  }
0x88: {  	[spmem:s1] =	stream.indirect.scatter.add.f32 [tilespmem:s20], [sflag:$0x3], $0x80, s0, s18, $0xb8;
	[tilespmem:$0x1E400] =	vst v63  }
0x89: {  	_ =	swait.ge [sflag:s16], $0x4000  }
0x8a: {  	s30 =	smov.u32 s31;
	s29 =	sshra.s32 s2, $0x2;
	[sflag:s16] =	ssyncset.done $0x0  }
0x8b: {  	s0 =	sadd.s32 $0x80, s29;
	[sflag:s16] =	ssyncadd.s32 $0xFFFFC000  }
0x8c: {  	[tilespmem:s20], [sflag:$0x2] =	stream.indirect.gather [hbm4b:s4+s18], $0x80, s0, s18, $0xb8;
	[tilespmem:$0x1E400] =	vst v63  }
0x8d: {  	_ =	swait.ge [sflag:s21], $0x4000  }
0x8e: {  	[sflag:s21] =	ssyncset.done $0x0  }
0x8f: {  	s2 =	sadd.s32 $0x1400, s29;
	[sflag:s21] =	ssyncadd.s32 $0xFFFFC000  }
0x90: {  	[spmem:s1] =	stream.indirect.scatter.add.f32 [tilespmem:s19], [sflag:$0x3], $0x80, s2, s18, $0xb8;
	[tilespmem:$0x1E400] =	vst v63  }
0x91: {  	_ =	swait.ge [sflag:s16], $0x4000  }
0x92: {  	[sflag:s16] =	ssyncset.done $0x0  }
0x93: {  	s30 =	sadd.s32 $0x100, s29;
	[sflag:s16] =	ssyncadd.s32 $0xFFFFC000  }
0x94: {  	[tilespmem:s19], [sflag:$0x1] =	stream.indirect.gather [hbm4b:s4+s18], $0x80, s30, s18, $0xb8;
	[tilespmem:$0x1E400] =	vst v63  }
0x95: {  	_ =	swait.ge [sflag:s22], $0x4000  }
0x96: {  	[sflag:s22] =	ssyncset.done $0x0  }
0x97: {  	s31 =	sadd.s32 $0x1480, s29;
	[sflag:s22] =	ssyncadd.s32 $0xFFFFC000  }
0x98: {  	[spmem:s1] =	stream.indirect.scatter.add.f32 [tilespmem:s20], [sflag:$0x3], $0x80, s31, s18, $0xb8;
	[tilespmem:$0x1E400] =	vst v63  }
0x99: {  	_ =	swait.ge [sflag:s16], $0x4000  }
0x9a: {  	[sflag:s16] =	ssyncset.done $0x0  }
0x9b: {  	[sflag:s16] =	ssyncadd.s32 $0xFFFFC000  }
0x9c: {  	[tilespmem:s20], [sflag:$0x2] =	stream.indirect.gather [hbm4b:s4+s18], $0x80, s23, s18, $0xb8;
	[tilespmem:$0x1E400] =	vst v63  }
0x9d: {  	_ =	swait.ge [sflag:s21], $0x4000  }
0x9e: {  	[sflag:s21] =	ssyncset.done $0x0  }
0x9f: {  	[sflag:s21] =	ssyncadd.s32 $0xFFFFC000  }
0xa0: {  	[spmem:s1] =	stream.indirect.scatter.add.f32 [tilespmem:s19], [sflag:$0x3], $0x80, s24, s18, $0xb8;
	[tilespmem:$0x1E400] =	vst v63  }
0xa1: {  	_ =	swait.ge [sflag:s16], $0x4000  }
0xa2: {  	[sflag:s16] =	ssyncset.done $0x0  }
0xa3: {  	[sflag:s16] =	ssyncadd.s32 $0xFFFFC000  }
0xa4: {  	_ =	swait.ge [sflag:s22], $0x4000  }
0xa5: {  	[sflag:s22] =	ssyncset.done $0x0  }
0xa6: {  	[sflag:s22] =	ssyncadd.s32 $0xFFFFC000  }
0xa7: {  	[spmem:s1] =	stream.indirect.scatter.add.f32 [tilespmem:s20], [sflag:$0x3], $0x80, s26, s18, $0xb8;
	[tilespmem:$0x1E400] =	vst v63  }
0xa8: {  	_ =	swait.ge [sflag:s16], $0x4000  }
0xa9: {  	[sflag:s16] =	ssyncset.done $0x0  }
0xaa: {  	[sflag:s16] =	ssyncadd.s32 $0xFFFFC000  }
0xab: {  	s0 =	sadd.s32 @p0 $0x25080, s9;
	[bflag:$0x0] =	sbarrier.arrive $0xFFFF  }
0xac: {  	[hbm:s0], [sflag:s8] =	dma.local @p0 [spmem:s25], $0x2080  }
0xad: {  	s0 =	simm.s32 @p0 $0x3  }
0xae: {  	s28 =	sadd.s32 $0x1, s28;
	_ =	swait.ge @p0 [sflag:s0], $0x2080  }
0xaf: {  	p1 =	sne.s32 s28, s10;
	[sflag:s0] =	ssyncset.done @p0 $0x0  }
0xb0: {  	s2 =	sshrl.u32 @!p0 s6, $0x3;
	[sflag:s0] =	ssyncadd.s32 @p0 $0xFFFFDF80;
	s0 =	sadd.s32 @!p0 s5, s9  }
0xb1: {  	[hbm:s0], [sflag:s8] =	dma.local @!p0 [spmem:s2], $0x2780  }
.Ltmp2:
0xb2: {  	_ = 	snop;
	(pc) =	sbr.rel @p1 .LBB2_1-.Ltmp2, $4  }
0xb3: {  	s0 =	simm.s32 @!p0 $0x3  }
0xb4: {  	_ =	swait.ge @!p0 [sflag:s0], $0x2780  }
0xb5: {  	[sflag:s0] =	ssyncset.done @!p0 $0x0  }
0xb6: {  	[sflag:s0] =	ssyncadd.s32 @!p0 $0xFFFFD880  }
0xb7: {  	_ =	sfence.sel $0x180000  }
0xb8: {  	[bflag:$0x0] =	sbarrier.arrive $0xFFFF  }
0xb9: {  	_ =	strace $0x90000050  }
0xba: {  	s0 =	stileid.u32;
	[bflag:$0x2] =	sbarrier.arrive $0xFFFF  }
0xbb: {  	p0 =	sne.s32 s0, $0x0;
	s0 =	rddreg [dreg:$0x2]  }
0xbc: {  	s0 =	sadd.s32 @!p0 $0x100000, s0  }
0xbd: {  	[sflag:s0] =	ssyncadd.tile.s32 @!p0 $0x1;
	_ =	shalt  }
.Lfunc_end2:
_tile_overlayer_lowered:
.L_overlay_start_2:
0xbe: {  	(tag) =	ssettag $0x2  }
0xbf: {  	s0 =	rddreg [dreg:$0x0];
	s2 =	stileid.u32  }
0xc0: {  	s1 =	rddreg [dreg:$0x1];
	p0 =	sne.s32 s2, $0x0  }
0xc1: {  	s3 =	rddreg [dreg:$0x2];
	[bflag:$0x3] =	sbarrier.arrive $0xFFFF;
	s2 =	simm.s32 @!p0 $0x1C03  }
0xc2: {  	[timem:s3], [sflag:s2] =	dma.local @!p0 [hbm:s0], s1  }
0xc3: {  	s0 =	simm.s32 @!p0 $0x3  }
0xc4: {  	_ =	swait.ge @!p0 [sflag:s0], s1  }
0xc5: {  	s1 =	ssub.s32 @!p0 $0x0, s1;
	[sflag:s0] =	ssyncset.done @!p0 $0x0  }
0xc6: {  	[sflag:s0] =	ssyncadd.s32 @!p0 s1  }
0xc7: {  	[bflag:$0x3] =	sbarrier.arrive $0xFFFF  }
0xc8: {  	_ =	shalt  }

// kernel: kernel.24.cloned.1.call-start
scs
__scs_entry_jumppad:
0x0: {  	(pc) =	sbr.rel $0x88, $3  }
0x1: {  	(tag) =	ssettag $0x0;
	lr =	simm.s32 $0x1  }
0x2: {  	[smem:$0x3F8B] =	sst lr;
	_ =	strace $0xD0000000  }
0x3: {  	_ = 	snop  }
0x4: {  	_ = 	snop  }
0x5: {  	_ = 	snop  }
0x6: {  	_ = 	snop  }
0x7: {  	_ = 	snop  }
__scs_overlays_trampoline_lowered:
0x8: {  	[smem:$0x3F9A] =	sst s0  }
0x9: {  	[smem:$0x3F9B] =	sst s1  }
0xa: {  	[smem:$0x3F9C] =	sst s2  }
0xb: {  	[smem:$0x3F9D] =	sst s3  }
0xc: {  	[smem:$0x3F9E] =	sst s4  }
0xd: {  	[smem:$0x3F9F] =	sst s5  }
0xe: {  	[smem:$0x3FA0] =	sst s6  }
0xf: {  	[smem:$0x3FA1] =	sst s7  }
0x10: {  	[smem:$0x3FA2] =	sst s8  }
0x11: {  	[smem:$0x3FA3] =	sst s9;
	s0 =	simm.s32 @!p0 $0x0  }
0x12: {  	s1 =	sld [smem:$0x3F89];
	s0 =	simm.s32 @p0 $0x1  }
0x13: {  	[smem:$0x3FA4] =	sst s0;
	s0 =	simm.s32 @!p1 $0x0  }
0x14: {  	s2 =	sld [smem:$0x3F88];
	s0 =	simm.s32 @p1 $0x1  }
0x15: {  	[smem:$0x3FA5] =	sst s0;
	s0 =	simm.s32 @!p2 $0x0  }
0x16: {  	s3 =	sld [smem:$0x3FDB];
	s0 =	simm.s32 @p2 $0x1  }
0x17: {  	s4 =	simm.s32 $0x1BF5;
	[smem:$0x3FA7] =	sst s0  }
0x18: {  	s0 =	sld [smem:$0x3F8A];
	_ =	swait.ge [sflag:s4], $0x0  }
0x19: {  	s7 =	sld [smem:$0x3F8B]  }
0x1a: {  	s8 =	sadd.s32 $0xFFFFE003, lr  }
0x1b: {  	s9 =	sadd.s32 $0xFFFFFEF7, lr;
	s5 =	simm.s32 $0xFFFFFFFF;
	p2 =	slt.u32 s8, $0xFFFFF086  }
0x1c: {  	p1 =	slt.u32 s9, $0xF7A;
	s5 =	simm.s32 @!p2 $0x0  }
0x1d: {  	s5 =	simm.s32 @p1 $0x1;
	p0 =	seq.s32 s7, s2  }
0x1e: {  	s7 =	smul.u32 @!p0 $0xF7A, s2;
	p2 =	seq.s32 @!p0 s5, $0x0  }
0x1f: {  	s9 =	smul.u32 $0xF7A, s1;
	s8 =	simm.s32 @!p0 $0x1BF5;
	p2 =	por !p2, p0  }
0x20: {  	[sflag:s8] =	ssyncset.s32 @!p0 $0xFFFFF086;
	s6 =	sadd.s32 @!p0 s3, s7;
	s7 =	simm.s32 @!p0 $0x108  }
0x21: {  	s3 =	sadd.s32 s3, s9;
	s6 =	sadd.s32 @!p0 $0x88, s6;
	s7 =	simm.s32 @p2 $0x1082  }
0x22: {  	[simem:s7], [sflag:s8] =	dma.local @!p0 [hbm:s6], $0xF7A  }
0x23: {  	s9 =	sor.u32 $0xD0000000, s2;
	s6 =	simm.s32 $0x108;
	_ =	swait.ge @!p0 [sflag:s8], $0x0  }
0x24: {  	s3 =	sadd.s32 $0x88, s3;
	s6 =	simm.s32 @!p1 $0x1082;
	[sflag:s4] =	ssyncset.s32 $0xFFFFF086  }
0x25: {  	[simem:s6], [sflag:s4] =	dma.local [hbm:s3], $0xF7A  }
0x26: {  	[smem:$0x3F8B] =	sst s1;
	(tag) =	ssettag s2;
	_ =	strace s9  }
0x27: {  	s1 =	sld [smem:$0x3F9B]  }
0x28: {  	s2 =	sld [smem:$0x3F9C]  }
0x29: {  	s4 =	sld [smem:$0x3F9E]  }
0x2a: {  	p0 =	seq.s32 s5, $0x0;
	s5 =	sld [smem:$0x3F9F]  }
0x2b: {  	s6 =	sld [smem:$0x3FA0]  }
0x2c: {  	s7 =	sld [smem:$0x3FA1]  }
0x2d: {  	s3 =	simm.s32 $0x108;
	s8 =	sld [smem:$0x3FA2]  }
0x2e: {  	s3 =	simm.s32 @!p0 $0x1082;
	s9 =	sld [smem:$0x3FA3]  }
0x2f: {  	lr =	sadd.s32 s0, s3;
	s0 =	sld [smem:$0x3F9A]  }
0x30: {  	s3 =	sld [smem:$0x3F9D]  }
0x31: {  	[smem:$0x3FA6] =	sst s10  }
0x32: {  	s10 =	sld [smem:$0x3FA4];
	_ =	sdelay $0x3  }
0x33: {  	p0 =	seq.s32 s10, $0x1;
	s10 =	sld [smem:$0x3FA6];
	_ =	sdelay $0x3  }
0x34: {  	[smem:$0x3FA6] =	sst s10  }
0x35: {  	s10 =	sld [smem:$0x3FA5];
	_ =	sdelay $0x3  }
0x36: {  	p1 =	seq.s32 s10, $0x1;
	s10 =	sld [smem:$0x3FA6];
	_ =	sdelay $0x3  }
0x37: {  	[smem:$0x3FA6] =	sst s10  }
0x38: {  	s10 =	sld [smem:$0x3FA7]  }
0x39: {  	_ = 	snop;
	(pc) =	sbr.ind lr, $3  }
0x3a: {  	_ = 	snop  }
0x3b: {  	_ = 	snop  }
0x3c: {  	p2 =	seq.s32 s10, $0x1;
	s10 =	sld [smem:$0x3FA6]  }
0x3d: {  	_ =	shalt  }
0x3e: {  	_ =	shalt  }
0x3f: {  	_ =	shalt  }
0x40: {  	_ =	shalt  }
0x41: {  	_ =	shalt  }
0x42: {  	_ =	shalt  }
0x43: {  	_ =	shalt  }
0x44: {  	_ =	shalt  }
0x45: {  	_ =	shalt  }
0x46: {  	_ =	shalt  }
0x47: {  	_ =	shalt  }
0x48: {  	_ =	shalt  }
0x49: {  	_ =	shalt  }
0x4a: {  	_ =	shalt  }
0x4b: {  	_ =	shalt  }
0x4c: {  	_ =	shalt  }
0x4d: {  	_ =	shalt  }
0x4e: {  	_ =	shalt  }
0x4f: {  	_ =	shalt  }
0x50: {  	_ =	shalt  }
0x51: {  	_ =	shalt  }
0x52: {  	_ =	shalt  }
0x53: {  	_ =	shalt  }
0x54: {  	_ =	shalt  }
0x55: {  	_ =	shalt  }
0x56: {  	_ =	shalt  }
0x57: {  	_ =	shalt  }
0x58: {  	_ =	shalt  }
0x59: {  	_ =	shalt  }
0x5a: {  	_ =	shalt  }
0x5b: {  	_ =	shalt  }
0x5c: {  	_ =	shalt  }
0x5d: {  	_ =	shalt  }
0x5e: {  	_ =	shalt  }
0x5f: {  	_ =	shalt  }
0x60: {  	_ =	shalt  }
0x61: {  	_ =	shalt  }
0x62: {  	_ =	shalt  }
0x63: {  	_ =	shalt  }
0x64: {  	_ =	shalt  }
0x65: {  	_ =	shalt  }
0x66: {  	_ =	shalt  }
0x67: {  	_ =	shalt  }
0x68: {  	_ =	shalt  }
0x69: {  	_ =	shalt  }
0x6a: {  	_ =	shalt  }
0x6b: {  	_ =	shalt  }
0x6c: {  	_ =	shalt  }
0x6d: {  	_ =	shalt  }
0x6e: {  	_ =	shalt  }
0x6f: {  	_ =	shalt  }
0x70: {  	_ =	shalt  }
0x71: {  	_ =	shalt  }
0x72: {  	_ =	shalt  }
0x73: {  	_ =	shalt  }
0x74: {  	_ =	shalt  }
0x75: {  	_ =	shalt  }
0x76: {  	_ =	shalt  }
0x77: {  	_ =	shalt  }
0x78: {  	_ =	shalt  }
0x79: {  	_ =	shalt  }
0x7a: {  	_ =	shalt  }
0x7b: {  	_ =	shalt  }
0x7c: {  	_ =	shalt  }
0x7d: {  	_ =	shalt  }
0x7e: {  	_ =	shalt  }
0x7f: {  	_ =	shalt  }
0x80: {  	_ =	shalt  }
0x81: {  	_ =	shalt  }
0x82: {  	_ =	shalt  }
0x83: {  	_ =	shalt  }
0x84: {  	_ =	shalt  }
0x85: {  	_ =	shalt  }
0x86: {  	_ =	shalt  }
0x87: {  	_ =	shalt  }
.Lfunc_end0:
.L_simem_size_0:
called_computation.4_lowered:
.L_overlay_start_0:
0x88: {  	s2 =	sld [smem:$0x3FD9]  }
0x89: {  	s3 =	sld [smem:$0x3FFE];
	_ =	sdelay $0x1  }
0x8a: {  	s1 =	srdreg.scid  }
0x8b: {  	s0 =	sand.u32 $0x1, s1  }
0x8c: {  	s16 =	sshll.u32 s0, $0xA;
	s2 =	sadd.s32 s3, s2  }
0x8d: {  	s2 =	sadd.s32 s2, s16  }
0x8e: {  	[smem:$0x3FB2] =	sst s2  }
0x8f: {  	_ = 	snop  }
0x90: {  	(tm) =	ssettm $0x1  }
0x91: {  	s17 =	sld [smem:$0x3FFB];
	_ =	sdelay $0x3  }
0x92: {  	_ =	strace s17  }
0x93: {  	s2 =	sld [smem:$0x3FFC];
	_ =	sdelay $0x3  }
0x94: {  	_ =	strace s2  }
0x95: {  	s2 =	sld [smem:$0x3FFD];
	_ =	sdelay $0x3  }
0x96: {  	_ =	strace s2  }
0x97: {  	_ =	strace $0x8FFFFFFF  }
0x98: {  	s18 =	sld [smem:$0x3FDB];
	_ =	sdelay $0x1  }
0x99: {  	s19 =	simm.s32 $_scs_section_size  }
0x9a: {  	s4 =	simm.s32 $_size__tile_overlayer_lowered;
	s5 =	simm.s32 $_tile_overlayer_lowered  }
0x9b: {  	s22 =	simm.s32 $0x1BFF;
	s21 =	sshll.u32 s5, $0x1;
	s2 =	sadd.s32 s19, s18  }
0x9c: {  	s6 =	simm.s32 $0x0;
	s20 =	sshll.u32 s4, $0x1;
	s4 =	sadd.s32 s21, s2  }
0x9d: {  	[timem:s6], [sflag:s22] =	dma.local [hbm:s4], s20  }
0x9e: {  	_ =	swait.ge [sflag:s22], s20  }
0x9f: {  	s3 =	ssub.s32 $0x0, s20;
	[sflag:s22] =	ssyncset.done $0x0  }
0xa0: {  	[sflag:s22] =	ssyncadd.s32 s3;
	_ =	sdelay $0x1  }
0xa1: {  	s23 =	simm.s32 $0x1B8B  }
0xa2: {  	_ =	swait.ge [sflag:s23], $0x1  }
0xa3: {  	[sflag:s23] =	ssyncset.done $0x0  }
0xa4: {  	s25 =	simm.s32 $0x1B8E;
	s24 =	sld [smem:$0x3FFE];
	[sflag:s23] =	ssyncadd.s32 $0xFFFFFFFF  }
0xa5: {  	s26 =	simm.s32 $execute0_lowered;
	[smem:$0x3FD2] =	sst s25  }
0xa6: {  	s4 =	sshll.u32 s26, $0x1;
	_ =	strace $0x80000052;
	[dreg:$0x1] =	wrdreg $0xFFFFFFFF  }
0xa7: {  	s28 =	simm.s32 $_size_execute0_lowered;
	s2 =	sadd.s32 s2, s4;
	[dreg:$0x0] =	wrdreg $0x0  }
0xa8: {  	s4 =	sshll.u32 s28, $0x1;
	[dreg:$0x2] =	wrdreg s2  }
0xa9: {  	[dreg:$0x3] =	wrdreg s4  }
0xaa: {  	[dreg:$0x4] =	wrdreg $0xC0  }
0xab: {  	_ =	task [dreg:s6], $0x5FFFF  }
0xac: {  	[dreg:$0x1] =	wrdreg $0xFFFFFFFF  }
0xad: {  	[dreg:$0x0] =	wrdreg $0x60  }
0xae: {  	[dreg:$0x2] =	wrdreg s24  }
0xaf: {  	[dreg:$0x3] =	wrdreg $0xA8000  }
0xb0: {  	[dreg:$0x4] =	wrdreg $0x9  }
0xb1: {  	_ =	task.clear_ibuf [dreg:s6], $0x5FFFF;
	_ =	strace $0x90000052  }
0xb2: {  	s29 =	simm.s32 $0x9;
	_ =	strace $0x80000054  }
0xb3: {  	_ =	swait.ge [sflag:s29], $0x1  }
0xb4: {  	[sflag:s29] =	ssyncadd.s32 $0xFFFFFFFF  }
0xb5: {  	_ =	strace $0x90000054  }
0xb6: {  	_ =	sfence  }
0xb7: {  	s30 =	sld [smem:$0x0];
	_ =	sdelay $0x2  }
0xb8: {  	s31 =	sshll.u32 s1, $0xD;
	s1 =	sshrl.u32 s1, $0x2  }
0xb9: {  	s3 =	sand.u32 $0x4000, s31;
	s1 =	sadd.s32 s1, s30  }
0xba: {  	s0 =	sor.u32 s3, s0;
	s1 =	sshll.u32 s1, $0x11  }
0xbb: {  	s0 =	sor.u32 s1, s0  }
0xbc: {  	s0 =	sadd.s32 $0x8F2B, s0  }
0xbd: {  	[sflag:s0] =	ssyncadd.remote.s32 $0x1  }
0xbe: {  	_ =	sfence.sel $0xFFFF  }
0xbf: {  	[dreg:$0x0] =	wrdreg $0xFFFFFFFF;
	(pc) =	sbr.abs _section_cstart, $3  }
0xc0: {  	[dreg:$0x1] =	wrdreg $0xFFFFFFFF  }
0xc1: {  	_ =	task.clear_ibuf [dreg:s6], $0x2FFFF;
	_ =	strace $0x9FFFFFFF  }
0xc2: {  	(tm) =	ssettm $0x7FFFFFFF  }
0xc3: {  	_ =	shalt  }
tec
execute0_lowered:
.L_overlay_start_1:
0x0: {  	(tag) =	ssettag $0x1  }
0x1: {  	s6 =	rddreg [dreg:$0x0]  }
0x2: {  	s1 =	rddreg [dreg:$0x1];
	s3 =	simm.s32 $0x0;
	s0 =	stileid.u32  }
0x3: {  	s7 =	srdreg.scid;
	s17 =	simm.s32 $0x1400;
	s18 =	simm.s32 $0x80  }
0x4: {  	s19 =	simm.s32 $0x2800;
	s20 =	simm.s32 $0x6800;
	s21 =	simm.s32 $0x1  }
0x5: {  	s22 =	simm.s32 $0x2;
	s23 =	simm.s32 $0x1380;
	s24 =	simm.s32 $0x2700  }
0x6: {  	s26 =	simm.s32 $0x2780;
	s28 =	simm.s32 $0x0;
	[smem:$0x7FF] =	sst s3  }
0x7: {  	s4 =	sadd.s32 $0x40200, s6;
	s5 =	smul.u32 $0x2780, s0;
	s7 =	sand.u32 $0x1, s7  }
0x8: {  	s13 =	sadd.s32 $0xEA00, s6;
	s14 =	sadd.s32 $0x4A00, s6;
	s11 =	smul.u32 $0x4F000, s0  }
0x9: {  	s31 =	sshll.u32 s0, $0x6;
	s25 =	sadd.s32 $0x128400, s1;
	p0 =	seq.s32 s0, $0xF  }
0xa: {  	_ =	strace $0x80000053;
	s8 =	smul.u32 $0x27100, s7;
	s10 =	ssub.s32 $0x2, s7  }
0xb: {  	s7 =	sshll.u32 s7, $0x4;
	s25 =	sshrl.u32 @p0 s25, $0x3;
	s9 =	sadd.s32 s5, s6  }
0xc: {  	s29 =	sshrl.u32 s10, $0x1;
	s30 =	sshrl.u32 s11, $0x2;
	s7 =	sor.u32 s0, s7  }
0xd: {  	s12 =	sadd.s32 s8, s6;
	s10 =	ssub.s32 s10, s29;
	s15 =	smul.u32 $0x500, s7  }
0xe: {  	s6 =	sadd.s32 s30, s1;
	s7 =	sadd.s32 $0x18A00, s9;
	s8 =	sor.u32 $0x1C03, s31  }
0xf: {  	s9 =	sadd.s32 $0x67400, s12;
	s10 =	smax.u32 s10, $0x1;
	s16 =	sadd.s32 $0x280, s15  }
0x10: {  	s11 =	sadd.s32 s13, s15;
	s12 =	sadd.s32 s14, s15;
	s15 =	sshrl.u32 s6, $0x3  }
0x11: {  	s13 =	sadd.s32 s13, s16;
	s14 =	sadd.s32 s14, s16;
	s16 =	simm.s32 $0x3  }
.LBB2_1:
0x12: {  	[spmem:s15], [sflag:s8] =	dma.local [hbm:s7], $0x2780  }
0x13: {  	_ =	swait.ge [sflag:s16], $0x2780  }
0x14: {  	[sflag:s16] =	ssyncset.done $0x0  }
0x15: {  	[sflag:s16] =	ssyncadd.s32 $0xFFFFD880  }
0x16: {  	[bflag:$0x0] =	sbarrier.arrive $0xFFFF  }
0x17: {  	[tilespmem:s3], [sflag:$0x3] =	stream.linear.gather [hbm4b:s11+s3], $0x1400, $0x38;
	[tilespmem:$0x1E400] =	vst v63  }
0x18: {  	_ =	swait.ge [sflag:s16], $0x1400  }
0x19: {  	[sflag:s16] =	ssyncset.done $0x0  }
0x1a: {  	[sflag:s16] =	ssyncadd.s32 $0xFFFFEC00  }
0x1b: {  	[tilespmem:s17], [sflag:$0x3] =	stream.linear.gather [hbm4b:s12+s3], $0x1400, $0x38;
	[tilespmem:$0x1E400] =	vst v63  }
0x1c: {  	_ =	swait.ge [sflag:s16], $0x1400  }
0x1d: {  	[sflag:s16] =	ssyncset.done $0x0  }
0x1e: {  	[sflag:s16] =	ssyncadd.s32 $0xFFFFEC00  }
0x1f: {  	[tilespmem:s19], [sflag:$0x1] =	stream.indirect.gather [hbm4b:s4+s18], $0x80, s3, s18, $0xb8;
	[tilespmem:$0x1E400] =	vst v63  }
0x20: {  	s29 =	simm.s32 $0x80  }
0x21: {  	[tilespmem:s20], [sflag:$0x2] =	stream.indirect.gather [hbm4b:s4+s18], $0x80, s29, s18, $0xb8;
	[tilespmem:$0x1E400] =	vst v63  }
0x22: {  	_ =	swait.ge [sflag:s21], $0x4000  }
0x23: {  	[sflag:s21] =	ssyncset.done $0x0  }
0x24: {  	s29 =	simm.s32 $0x1400;
	[sflag:s21] =	ssyncadd.s32 $0xFFFFC000  }
0x25: {  	[spmem:s1] =	stream.indirect.scatter.add.f32 [tilespmem:s19], [sflag:$0x3], $0x80, s29, s18, $0xb8;
	[tilespmem:$0x1E400] =	vst v63  }
0x26: {  	_ =	swait.ge [sflag:s16], $0x4000  }
0x27: {  	[sflag:s16] =	ssyncset.done $0x0  }
0x28: {  	s29 =	simm.s32 $0x100;
	[sflag:s16] =	ssyncadd.s32 $0xFFFFC000  }
0x29: {  	[tilespmem:s19], [sflag:$0x1] =	stream.indirect.gather [hbm4b:s4+s18], $0x80, s29, s18, $0xb8;
	[tilespmem:$0x1E400] =	vst v63  }
0x2a: {  	_ =	swait.ge [sflag:s22], $0x4000  }
0x2b: {  	[sflag:s22] =	ssyncset.done $0x0  }
0x2c: {  	s29 =	simm.s32 $0x1480;
	[sflag:s22] =	ssyncadd.s32 $0xFFFFC000  }
0x2d: {  	[spmem:s1] =	stream.indirect.scatter.add.f32 [tilespmem:s20], [sflag:$0x3], $0x80, s29, s18, $0xb8;
	[tilespmem:$0x1E400] =	vst v63  }
0x2e: {  	_ =	swait.ge [sflag:s16], $0x4000  }
0x2f: {  	s30 =	simm.s32 $0x800;
	s29 =	simm.s32 $0x100;
	[sflag:s16] =	ssyncset.done $0x0  }
.LBB2_2:
0x30: {  	s31 =	sadd.s32 $0x80, s29  }
0x31: {  	[sflag:s16] =	ssyncadd.s32 $0xFFFFC000;
	s0 =	smov.u32 s30;
	s2 =	sadd.s32 $0x400, s30  }
0x32: {  	[tilespmem:s20], [sflag:$0x2] =	stream.indirect.gather [hbm4b:s4+s18], $0x80, s31, s18, $0xb8;
	[tilespmem:$0x1E400] =	vst v63  }
0x33: {  	p1 =	sne.s32 s30, $0x4800;
	_ =	swait.ge [sflag:s21], $0x4000  }
0x34: {  	[sflag:s21] =	ssyncset.done $0x0  }
0x35: {  	s30 =	sadd.s32 $0x1400, s29;
	[sflag:s21] =	ssyncadd.s32 $0xFFFFC000  }
0x36: {  	[spmem:s1] =	stream.indirect.scatter.add.f32 [tilespmem:s19], [sflag:$0x3], $0x80, s30, s18, $0xb8;
	[tilespmem:$0x1E400] =	vst v63  }
0x37: {  	_ =	swait.ge [sflag:s16], $0x4000  }
0x38: {  	[sflag:s16] =	ssyncset.done $0x0  }
0x39: {  	s30 =	sadd.s32 $0x100, s29;
	[sflag:s16] =	ssyncadd.s32 $0xFFFFC000  }
0x3a: {  	[tilespmem:s19], [sflag:$0x1] =	stream.indirect.gather [hbm4b:s4+s18], $0x80, s30, s18, $0xb8;
	[tilespmem:$0x1E400] =	vst v63  }
0x3b: {  	_ =	swait.ge [sflag:s22], $0x4000  }
.Ltmp0:
0x3c: {  	[sflag:s22] =	ssyncset.done $0x0;
	(pc) =	sbr.rel @p1 .LBB2_2-.Ltmp0, $4  }
0x3d: {  	s29 =	sadd.s32 $0x1480, s29;
	[sflag:s22] =	ssyncadd.s32 $0xFFFFC000  }
0x3e: {  	[spmem:s1] =	stream.indirect.scatter.add.f32 [tilespmem:s20], [sflag:$0x3], $0x80, s29, s18, $0xb8;
	[tilespmem:$0x1E400] =	vst v63  }
0x3f: {  	_ =	swait.ge [sflag:s16], $0x4000  }
0x40: {  	s30 =	smov.u32 s2;
	s29 =	sshra.s32 s0, $0x2;
	[sflag:s16] =	ssyncset.done $0x0  }
0x41: {  	s0 =	sadd.s32 $0x80, s29;
	[sflag:s16] =	ssyncadd.s32 $0xFFFFC000  }
0x42: {  	[tilespmem:s20], [sflag:$0x2] =	stream.indirect.gather [hbm4b:s4+s18], $0x80, s0, s18, $0xb8;
	[tilespmem:$0x1E400] =	vst v63  }
0x43: {  	_ =	swait.ge [sflag:s21], $0x4000  }
0x44: {  	[sflag:s21] =	ssyncset.done $0x0  }
0x45: {  	s2 =	sadd.s32 $0x1400, s29;
	[sflag:s21] =	ssyncadd.s32 $0xFFFFC000  }
0x46: {  	[spmem:s1] =	stream.indirect.scatter.add.f32 [tilespmem:s19], [sflag:$0x3], $0x80, s2, s18, $0xb8;
	[tilespmem:$0x1E400] =	vst v63  }
0x47: {  	_ =	swait.ge [sflag:s16], $0x4000  }
0x48: {  	[sflag:s16] =	ssyncset.done $0x0  }
0x49: {  	s31 =	sadd.s32 $0x100, s29;
	[sflag:s16] =	ssyncadd.s32 $0xFFFFC000  }
0x4a: {  	[tilespmem:s19], [sflag:$0x1] =	stream.indirect.gather [hbm4b:s4+s18], $0x80, s31, s18, $0xb8;
	[tilespmem:$0x1E400] =	vst v63  }
0x4b: {  	_ =	swait.ge [sflag:s22], $0x4000  }
0x4c: {  	[sflag:s22] =	ssyncset.done $0x0  }
0x4d: {  	s2 =	sadd.s32 $0x1480, s29;
	[sflag:s22] =	ssyncadd.s32 $0xFFFFC000  }
0x4e: {  	[spmem:s1] =	stream.indirect.scatter.add.f32 [tilespmem:s20], [sflag:$0x3], $0x80, s2, s18, $0xb8;
	[tilespmem:$0x1E400] =	vst v63  }
0x4f: {  	_ =	swait.ge [sflag:s16], $0x4000  }
0x50: {  	[sflag:s16] =	ssyncset.done $0x0  }
0x51: {  	[sflag:s16] =	ssyncadd.s32 $0xFFFFC000  }
0x52: {  	[tilespmem:s20], [sflag:$0x2] =	stream.indirect.gather [hbm4b:s4+s18], $0x80, s23, s18, $0xb8;
	[tilespmem:$0x1E400] =	vst v63  }
0x53: {  	_ =	swait.ge [sflag:s21], $0x4000  }
0x54: {  	[sflag:s21] =	ssyncset.done $0x0  }
0x55: {  	[sflag:s21] =	ssyncadd.s32 $0xFFFFC000  }
0x56: {  	[spmem:s1] =	stream.indirect.scatter.add.f32 [tilespmem:s19], [sflag:$0x3], $0x80, s24, s18, $0xb8;
	[tilespmem:$0x1E400] =	vst v63  }
0x57: {  	_ =	swait.ge [sflag:s16], $0x4000  }
0x58: {  	[sflag:s16] =	ssyncset.done $0x0  }
0x59: {  	[sflag:s16] =	ssyncadd.s32 $0xFFFFC000  }
0x5a: {  	_ =	swait.ge [sflag:s22], $0x4000  }
0x5b: {  	[sflag:s22] =	ssyncset.done $0x0  }
0x5c: {  	[sflag:s22] =	ssyncadd.s32 $0xFFFFC000  }
0x5d: {  	[spmem:s1] =	stream.indirect.scatter.add.f32 [tilespmem:s20], [sflag:$0x3], $0x80, s26, s18, $0xb8;
	[tilespmem:$0x1E400] =	vst v63  }
0x5e: {  	_ =	swait.ge [sflag:s16], $0x4000  }
0x5f: {  	[sflag:s16] =	ssyncset.done $0x0  }
0x60: {  	s31 =	simm.s32 $0x0;
	[sflag:s16] =	ssyncadd.s32 $0xFFFFC000  }
0x61: {  	[tilespmem:s31], [sflag:$0x3] =	stream.linear.gather [hbm4b:s13+s31], $0x1400, $0x38;
	[tilespmem:$0x1E400] =	vst v63  }
0x62: {  	_ =	swait.ge [sflag:s16], $0x1400  }
0x63: {  	[sflag:s16] =	ssyncset.done $0x0  }
0x64: {  	[sflag:s16] =	ssyncadd.s32 $0xFFFFEC00  }
0x65: {  	[tilespmem:s17], [sflag:$0x3] =	stream.linear.gather [hbm4b:s14+s31], $0x1400, $0x38;
	[tilespmem:$0x1E400] =	vst v63  }
0x66: {  	_ =	swait.ge [sflag:s16], $0x1400  }
0x67: {  	[sflag:s16] =	ssyncset.done $0x0  }
0x68: {  	[sflag:s16] =	ssyncadd.s32 $0xFFFFEC00  }
0x69: {  	[tilespmem:s19], [sflag:$0x1] =	stream.indirect.gather [hbm4b:s4+s18], $0x80, s31, s18, $0xb8;
	[tilespmem:$0x1E400] =	vst v63  }
0x6a: {  	s2 =	simm.s32 $0x80  }
0x6b: {  	[tilespmem:s20], [sflag:$0x2] =	stream.indirect.gather [hbm4b:s4+s18], $0x80, s2, s18, $0xb8;
	[tilespmem:$0x1E400] =	vst v63  }
0x6c: {  	_ =	swait.ge [sflag:s21], $0x4000  }
0x6d: {  	[sflag:s21] =	ssyncset.done $0x0  }
0x6e: {  	s31 =	simm.s32 $0x1400;
	[sflag:s21] =	ssyncadd.s32 $0xFFFFC000  }
0x6f: {  	[spmem:s1] =	stream.indirect.scatter.add.f32 [tilespmem:s19], [sflag:$0x3], $0x80, s31, s18, $0xb8;
	[tilespmem:$0x1E400] =	vst v63  }
0x70: {  	_ =	swait.ge [sflag:s16], $0x4000  }
0x71: {  	[sflag:s16] =	ssyncset.done $0x0  }
0x72: {  	s2 =	simm.s32 $0x100;
	[sflag:s16] =	ssyncadd.s32 $0xFFFFC000  }
0x73: {  	[tilespmem:s19], [sflag:$0x1] =	stream.indirect.gather [hbm4b:s4+s18], $0x80, s2, s18, $0xb8;
	[tilespmem:$0x1E400] =	vst v63  }
0x74: {  	_ =	swait.ge [sflag:s22], $0x4000  }
0x75: {  	[sflag:s22] =	ssyncset.done $0x0  }
0x76: {  	s31 =	simm.s32 $0x1480;
	[sflag:s22] =	ssyncadd.s32 $0xFFFFC000  }
0x77: {  	[spmem:s1] =	stream.indirect.scatter.add.f32 [tilespmem:s20], [sflag:$0x3], $0x80, s31, s18, $0xb8;
	[tilespmem:$0x1E400] =	vst v63  }
0x78: {  	_ =	swait.ge [sflag:s16], $0x4000  }
0x79: {  	s30 =	simm.s32 $0x800;
	s29 =	simm.s32 $0x100;
	[sflag:s16] =	ssyncset.done $0x0  }
.LBB2_4:
0x7a: {  	s0 =	sadd.s32 $0x80, s29  }
0x7b: {  	[sflag:s16] =	ssyncadd.s32 $0xFFFFC000;
	s2 =	smov.u32 s30;
	s31 =	sadd.s32 $0x400, s30  }
0x7c: {  	[tilespmem:s20], [sflag:$0x2] =	stream.indirect.gather [hbm4b:s4+s18], $0x80, s0, s18, $0xb8;
	[tilespmem:$0x1E400] =	vst v63  }
0x7d: {  	p1 =	sne.s32 s30, $0x4800;
	_ =	swait.ge [sflag:s21], $0x4000  }
0x7e: {  	[sflag:s21] =	ssyncset.done $0x0  }
0x7f: {  	s0 =	sadd.s32 $0x1400, s29;
	[sflag:s21] =	ssyncadd.s32 $0xFFFFC000  }
0x80: {  	[spmem:s1] =	stream.indirect.scatter.add.f32 [tilespmem:s19], [sflag:$0x3], $0x80, s0, s18, $0xb8;
	[tilespmem:$0x1E400] =	vst v63  }
0x81: {  	_ =	swait.ge [sflag:s16], $0x4000  }
0x82: {  	[sflag:s16] =	ssyncset.done $0x0  }
0x83: {  	s0 =	sadd.s32 $0x100, s29;
	[sflag:s16] =	ssyncadd.s32 $0xFFFFC000  }
0x84: {  	[tilespmem:s19], [sflag:$0x1] =	stream.indirect.gather [hbm4b:s4+s18], $0x80, s0, s18, $0xb8;
	[tilespmem:$0x1E400] =	vst v63  }
0x85: {  	_ =	swait.ge [sflag:s22], $0x4000  }
.Ltmp1:
0x86: {  	[sflag:s22] =	ssyncset.done $0x0;
	(pc) =	sbr.rel @p1 .LBB2_4-.Ltmp1, $4  }
0x87: {  	s0 =	sadd.s32 $0x1480, s29;
	[sflag:s22] =	ssyncadd.s32 $0xFFFFC000  }
0x88: {  	[spmem:s1] =	stream.indirect.scatter.add.f32 [tilespmem:s20], [sflag:$0x3], $0x80, s0, s18, $0xb8;
	[tilespmem:$0x1E400] =	vst v63  }
0x89: {  	_ =	swait.ge [sflag:s16], $0x4000  }
0x8a: {  	s30 =	smov.u32 s31;
	s29 =	sshra.s32 s2, $0x2;
	[sflag:s16] =	ssyncset.done $0x0  }
0x8b: {  	s0 =	sadd.s32 $0x80, s29;
	[sflag:s16] =	ssyncadd.s32 $0xFFFFC000  }
0x8c: {  	[tilespmem:s20], [sflag:$0x2] =	stream.indirect.gather [hbm4b:s4+s18], $0x80, s0, s18, $0xb8;
	[tilespmem:$0x1E400] =	vst v63  }
0x8d: {  	_ =	swait.ge [sflag:s21], $0x4000  }
0x8e: {  	[sflag:s21] =	ssyncset.done $0x0  }
0x8f: {  	s2 =	sadd.s32 $0x1400, s29;
	[sflag:s21] =	ssyncadd.s32 $0xFFFFC000  }
0x90: {  	[spmem:s1] =	stream.indirect.scatter.add.f32 [tilespmem:s19], [sflag:$0x3], $0x80, s2, s18, $0xb8;
	[tilespmem:$0x1E400] =	vst v63  }
0x91: {  	_ =	swait.ge [sflag:s16], $0x4000  }
0x92: {  	[sflag:s16] =	ssyncset.done $0x0  }
0x93: {  	s30 =	sadd.s32 $0x100, s29;
	[sflag:s16] =	ssyncadd.s32 $0xFFFFC000  }
0x94: {  	[tilespmem:s19], [sflag:$0x1] =	stream.indirect.gather [hbm4b:s4+s18], $0x80, s30, s18, $0xb8;
	[tilespmem:$0x1E400] =	vst v63  }
0x95: {  	_ =	swait.ge [sflag:s22], $0x4000  }
0x96: {  	[sflag:s22] =	ssyncset.done $0x0  }
0x97: {  	s31 =	sadd.s32 $0x1480, s29;
	[sflag:s22] =	ssyncadd.s32 $0xFFFFC000  }
0x98: {  	[spmem:s1] =	stream.indirect.scatter.add.f32 [tilespmem:s20], [sflag:$0x3], $0x80, s31, s18, $0xb8;
	[tilespmem:$0x1E400] =	vst v63  }
0x99: {  	_ =	swait.ge [sflag:s16], $0x4000  }
0x9a: {  	[sflag:s16] =	ssyncset.done $0x0  }
0x9b: {  	[sflag:s16] =	ssyncadd.s32 $0xFFFFC000  }
0x9c: {  	[tilespmem:s20], [sflag:$0x2] =	stream.indirect.gather [hbm4b:s4+s18], $0x80, s23, s18, $0xb8;
	[tilespmem:$0x1E400] =	vst v63  }
0x9d: {  	_ =	swait.ge [sflag:s21], $0x4000  }
0x9e: {  	[sflag:s21] =	ssyncset.done $0x0  }
0x9f: {  	[sflag:s21] =	ssyncadd.s32 $0xFFFFC000  }
0xa0: {  	[spmem:s1] =	stream.indirect.scatter.add.f32 [tilespmem:s19], [sflag:$0x3], $0x80, s24, s18, $0xb8;
	[tilespmem:$0x1E400] =	vst v63  }
0xa1: {  	_ =	swait.ge [sflag:s16], $0x4000  }
0xa2: {  	[sflag:s16] =	ssyncset.done $0x0  }
0xa3: {  	[sflag:s16] =	ssyncadd.s32 $0xFFFFC000  }
0xa4: {  	_ =	swait.ge [sflag:s22], $0x4000  }
0xa5: {  	[sflag:s22] =	ssyncset.done $0x0  }
0xa6: {  	[sflag:s22] =	ssyncadd.s32 $0xFFFFC000  }
0xa7: {  	[spmem:s1] =	stream.indirect.scatter.add.f32 [tilespmem:s20], [sflag:$0x3], $0x80, s26, s18, $0xb8;
	[tilespmem:$0x1E400] =	vst v63  }
0xa8: {  	_ =	swait.ge [sflag:s16], $0x4000  }
0xa9: {  	[sflag:s16] =	ssyncset.done $0x0  }
0xaa: {  	[sflag:s16] =	ssyncadd.s32 $0xFFFFC000  }
0xab: {  	s0 =	sadd.s32 @p0 $0x25080, s9;
	[bflag:$0x0] =	sbarrier.arrive $0xFFFF  }
0xac: {  	[hbm:s0], [sflag:s8] =	dma.local @p0 [spmem:s25], $0x2080  }
0xad: {  	s0 =	simm.s32 @p0 $0x3  }
0xae: {  	s28 =	sadd.s32 $0x1, s28;
	_ =	swait.ge @p0 [sflag:s0], $0x2080  }
0xaf: {  	p1 =	sne.s32 s28, s10;
	[sflag:s0] =	ssyncset.done @p0 $0x0  }
0xb0: {  	s2 =	sshrl.u32 @!p0 s6, $0x3;
	[sflag:s0] =	ssyncadd.s32 @p0 $0xFFFFDF80;
	s0 =	sadd.s32 @!p0 s5, s9  }
0xb1: {  	[hbm:s0], [sflag:s8] =	dma.local @!p0 [spmem:s2], $0x2780  }
.Ltmp2:
0xb2: {  	_ = 	snop;
	(pc) =	sbr.rel @p1 .LBB2_1-.Ltmp2, $4  }
0xb3: {  	s0 =	simm.s32 @!p0 $0x3  }
0xb4: {  	_ =	swait.ge @!p0 [sflag:s0], $0x2780  }
0xb5: {  	[sflag:s0] =	ssyncset.done @!p0 $0x0  }
0xb6: {  	[sflag:s0] =	ssyncadd.s32 @!p0 $0xFFFFD880  }
0xb7: {  	_ =	sfence.sel $0x180000  }
0xb8: {  	[bflag:$0x0] =	sbarrier.arrive $0xFFFF  }
0xb9: {  	_ =	strace $0x90000053  }
0xba: {  	s0 =	stileid.u32;
	[bflag:$0x2] =	sbarrier.arrive $0xFFFF  }
0xbb: {  	p0 =	sne.s32 s0, $0x0;
	s0 =	rddreg [dreg:$0x2]  }
0xbc: {  	s0 =	sadd.s32 @!p0 $0x100000, s0  }
0xbd: {  	[sflag:s0] =	ssyncadd.tile.s32 @!p0 $0x1;
	_ =	shalt  }
.Lfunc_end2:
_tile_overlayer_lowered:
.L_overlay_start_2:
0xbe: {  	(tag) =	ssettag $0x2  }
0xbf: {  	s0 =	rddreg [dreg:$0x0];
	s2 =	stileid.u32  }
0xc0: {  	s1 =	rddreg [dreg:$0x1];
	p0 =	sne.s32 s2, $0x0  }
0xc1: {  	s3 =	rddreg [dreg:$0x2];
	[bflag:$0x3] =	sbarrier.arrive $0xFFFF;
	s2 =	simm.s32 @!p0 $0x1C03  }
0xc2: {  	[timem:s3], [sflag:s2] =	dma.local @!p0 [hbm:s0], s1  }
0xc3: {  	s0 =	simm.s32 @!p0 $0x3  }
0xc4: {  	_ =	swait.ge @!p0 [sflag:s0], s1  }
0xc5: {  	s1 =	ssub.s32 @!p0 $0x0, s1;
	[sflag:s0] =	ssyncset.done @!p0 $0x0  }
0xc6: {  	[sflag:s0] =	ssyncadd.s32 @!p0 s1  }
0xc7: {  	[bflag:$0x3] =	sbarrier.arrive $0xFFFF  }
0xc8: {  	_ =	shalt  }

</sc_bundles>
